<compile_context>
chip_gen: v7x
topology: tpu7x:2x2x1
jax: 0.10.2.dev20260603
libtpu: 0.0.44.dev20260713+nightly
codegen_flags: <defaults>
</compile_context>

<pallas_src>
import jax
import jax.numpy as jnp
from jax import lax
from jax.experimental import pallas as pl
from jax.experimental.pallas import tpu as pltpu
from jax.experimental.pallas import tpu_sc as plsc

N_NODES = 10000
N_EDGES = 320000
D = 128
ED = 16

NUM_CORES = 2
NUM_SUBCORES = 16
TILES = NUM_CORES * NUM_SUBCORES
EDGES_PER_TILE = N_EDGES // TILES
BLK_A = 80
NBLK_A = EDGES_PER_TILE // BLK_A
BLK_B = 80
NBLK_B = EDGES_PER_TILE // BLK_B
ROWS_MAIN = 624
ROWS_TAIL = N_NODES - ROWS_MAIN * NUM_SUBCORES


def _node_mm_body(x_ref, w_ref, b_ref, ux_ref, vx_ref, ab_ref):
    full = jnp.dot(x_ref[...], w_ref[...], preferred_element_type=jnp.float32)
    full = full + b_ref[...]
    ux_ref[...] = full[:, :D]
    vx_ref[...] = full[:, D:2 * D]
    ab_ref[...] = full[:, 2 * D:]


def _node_matmuls(x, w_cat, b_cat):
    return pl.pallas_call(
        _node_mm_body,
        out_shape=(
            jax.ShapeDtypeStruct((N_NODES, D), jnp.float32),
            jax.ShapeDtypeStruct((N_NODES, D), jnp.float32),
            jax.ShapeDtypeStruct((N_NODES, D), jnp.float32),
        ),
    )(x, w_cat, b_cat)


E_BLK = 8000


def _e_body(ea_ref, w_ref, b_ref, o_ref):
    o_ref[...] = jax.nn.sigmoid(
        jnp.dot(ea_ref[...], w_ref[...], preferred_element_type=jnp.float32)
        + b_ref[...]).astype(jnp.bfloat16)


def _edge_gate(edge_attr, e_wt, e_b):
    return pl.pallas_call(
        _e_body,
        grid=(N_EDGES // E_BLK,),
        in_specs=[
            pl.BlockSpec((E_BLK, ED), lambda i: (i, 0)),
            pl.BlockSpec((ED, D), lambda i: (0, 0)),
            pl.BlockSpec((1, D), lambda i: (0, 0)),
        ],
        out_specs=pl.BlockSpec((E_BLK, D), lambda i: (i, 0)),
        out_shape=jax.ShapeDtypeStruct((N_EDGES, D), jnp.bfloat16),
    )(edge_attr, e_wt, e_b)


def _sc_messages(vx_tab, e, src, dst, zrows):
    mesh = plsc.VectorSubcoreMesh(core_axis_name="core",
                                  subcore_axis_name="subcore")

    @pl.kernel(
        out_type=jax.ShapeDtypeStruct((NUM_CORES * N_NODES, D), jnp.float32),
        mesh=mesh,
        scratch_types=[
            pltpu.VMEM((BLK_A,), jnp.int32),
            pltpu.VMEM((BLK_A,), jnp.int32),
            pltpu.VMEM((BLK_A,), jnp.int32),
            pltpu.VMEM((BLK_A,), jnp.int32),
            pltpu.VMEM((BLK_A, D), jnp.float32),
            pltpu.VMEM((BLK_A, D), jnp.float32),
            pltpu.VMEM((BLK_A, D), jnp.bfloat16),
            pltpu.VMEM((BLK_A, D), jnp.bfloat16),
            pltpu.VMEM((BLK_A,), jnp.int32),
            pltpu.VMEM((BLK_A,), jnp.int32),
            pltpu.VMEM_SHARED((N_NODES, D), jnp.float32),
            pltpu.SemaphoreType.DMA,
            pltpu.SemaphoreType.DMA,
            pltpu.SemaphoreType.DMA,
        ],
    )
    def sc_kernel(vx_hbm, e_hbm, src_hbm, dst_hbm, z_hbm, agg_hbm,
                  is0, is1, id0, id1, r0, r1, ev0, ev1, ss0, ss1, agg_sh,
                  sem_i, sem_g, sem_w):
        cid = lax.axis_index("core")
        sid = lax.axis_index("subcore")

        idx_s = (is0, is1)
        idx_d = (id0, id1)
        rows = (r0, r1)
        ev = (ev0, ev1)
        sidx = (ss0, ss1)

        pltpu.sync_copy(z_hbm.at[pl.ds(0, ROWS_MAIN)],
                        agg_sh.at[pl.ds(sid * ROWS_MAIN, ROWS_MAIN)])

        @pl.when(sid == NUM_SUBCORES - 1)
        def _():
            pltpu.sync_copy(
                z_hbm.at[pl.ds(0, ROWS_TAIL)],
                agg_sh.at[pl.ds(NUM_SUBCORES * ROWS_MAIN, ROWS_TAIL)])

        plsc.subcore_barrier()

        base0 = (cid * NUM_SUBCORES + sid) * EDGES_PER_TILE

        def issue_idx(b, p):
            base = base0 + b * BLK_A
            pltpu.async_copy(src_hbm.at[pl.ds(base, BLK_A)], idx_s[p], sem_i)
            pltpu.async_copy(dst_hbm.at[pl.ds(base, BLK_A)], idx_d[p], sem_i)

        def wait_idx(p):
            pltpu.make_async_copy(
                src_hbm.at[pl.ds(0, BLK_A)], idx_s[p], sem_i).wait()
            pltpu.make_async_copy(
                dst_hbm.at[pl.ds(0, BLK_A)], idx_d[p], sem_i).wait()

        def issue_gathers(b, p):
            base = base0 + b * BLK_A
            pltpu.async_copy(vx_hbm.at[idx_d[p]], rows[p], sem_g)
            pltpu.async_copy(e_hbm.at[pl.ds(base, BLK_A)], ev[p], sem_g)

        def wait_gathers(p):
            pltpu.make_async_copy(
                vx_hbm.at[pl.ds(0, BLK_A)], rows[p], sem_g).wait()
            pltpu.make_async_copy(
                e_hbm.at[pl.ds(0, BLK_A)], ev[p], sem_g).wait()

        def wait_scatter(p):
            pltpu.make_async_copy(
                vx_hbm.at[pl.ds(0, BLK_A)], rows[p], sem_w).wait()

        def phase(b, p, q):
            @pl.when(b + 1 < NBLK_A)
            def _():
                wait_idx(q)

                @pl.when(b >= 1)
                def _():
                    wait_scatter(q)

                issue_gathers(b + 1, q)

            wait_gathers(p)
            evp, rowsp = ev[p], rows[p]

            @pl.loop(0, BLK_A, step=2)
            def _(i):
                r = pl.ds(i, 2)
                rowsp.at[r, :][...] = (rowsp.at[r, :][...]
                                       * evp.at[r, :][...].astype(jnp.float32))

            sidx[p][...] = idx_s[p][...]
            pltpu.async_copy(rows[p], agg_sh.at[sidx[p]], sem_w, add=True)

            @pl.when(b + 2 < NBLK_A)
            def _():
                issue_idx(b + 2, p)

        issue_idx(0, 0)
        issue_idx(1, 1)
        wait_idx(0)
        issue_gathers(0, 0)

        @pl.loop(0, NBLK_A, step=2)
        def _(t):
            phase(t, 0, 1)

            @pl.when(t + 1 < NBLK_A)
            def _():
                phase(t + 1, 1, 0)

        wait_scatter(0)
        wait_scatter(1)

        plsc.subcore_barrier()
        pltpu.sync_copy(
            agg_sh.at[pl.ds(sid * ROWS_MAIN, ROWS_MAIN)],
            agg_hbm.at[pl.ds(cid * N_NODES + sid * ROWS_MAIN, ROWS_MAIN)])

        @pl.when(sid == NUM_SUBCORES - 1)
        def _():
            pltpu.sync_copy(
                agg_sh.at[pl.ds(NUM_SUBCORES * ROWS_MAIN, ROWS_TAIL)],
                agg_hbm.at[pl.ds(cid * N_NODES + NUM_SUBCORES * ROWS_MAIN,
                                 ROWS_TAIL)])

    return sc_kernel(vx_tab, e, src, dst, zrows)


def _sc_edge_sums(ab_tab, src, dst):
    mesh = plsc.VectorSubcoreMesh(core_axis_name="core",
                                  subcore_axis_name="subcore")

    @pl.kernel(
        out_type=jax.ShapeDtypeStruct((N_EDGES, 32), jnp.float32),
        mesh=mesh,
        scratch_types=[
            pltpu.VMEM((BLK_B,), jnp.int32),
            pltpu.VMEM((BLK_B,), jnp.int32),
            pltpu.VMEM((BLK_B,), jnp.int32),
            pltpu.VMEM((BLK_B,), jnp.int32),
            pltpu.VMEM((BLK_B, D), jnp.float32),
            pltpu.VMEM((BLK_B, D), jnp.float32),
            pltpu.VMEM((BLK_B, D), jnp.float32),
            pltpu.VMEM((BLK_B, D), jnp.float32),
            pltpu.VMEM((BLK_B, 32), jnp.float32),
            pltpu.VMEM((BLK_B, 32), jnp.float32),
            pltpu.SemaphoreType.DMA,
            pltpu.SemaphoreType.DMA,
            pltpu.SemaphoreType.DMA,
        ],
    )
    def sc_kernel(ab_hbm, src_hbm, dst_hbm, s_hbm,
                  is0, is1, id0, id1, gs0, gs1, gd0, gd1, sv0, sv1,
                  sem_i, sem_g, sem_w):
        cid = lax.axis_index("core")
        sid = lax.axis_index("subcore")

        idx_s = (is0, is1)
        idx_d = (id0, id1)
        gs = (gs0, gs1)
        gd = (gd0, gd1)
        sv = (sv0, sv1)

        base0 = (cid * NUM_SUBCORES + sid) * EDGES_PER_TILE

        def issue_idx(b, p):
            base = base0 + b * BLK_B
            pltpu.async_copy(src_hbm.at[pl.ds(base, BLK_B)], idx_s[p], sem_i)
            pltpu.async_copy(dst_hbm.at[pl.ds(base, BLK_B)], idx_d[p], sem_i)

        def wait_idx(p):
            pltpu.make_async_copy(
                src_hbm.at[pl.ds(0, BLK_B)], idx_s[p], sem_i).wait()
            pltpu.make_async_copy(
                dst_hbm.at[pl.ds(0, BLK_B)], idx_d[p], sem_i).wait()

        def issue_gathers(p):
            pltpu.async_copy(ab_hbm.at[idx_s[p]], gs[p], sem_g)
            pltpu.async_copy(ab_hbm.at[idx_d[p]], gd[p], sem_g)

        def wait_gathers(p):
            pltpu.make_async_copy(
                ab_hbm.at[pl.ds(0, BLK_B)], gs[p], sem_g).wait()
            pltpu.make_async_copy(
                ab_hbm.at[pl.ds(0, BLK_B)], gd[p], sem_g).wait()

        def wait_write(p):
            pltpu.make_async_copy(
                s_hbm.at[pl.ds(0, BLK_B)], sv[p], sem_w).wait()

        def phase(b, p, q):
            @pl.when(b + 1 < NBLK_B)
            def _():
                wait_idx(q)

                @pl.when(b >= 1)
                def _():
                    wait_write(q)

                issue_gathers(q)

            wait_gathers(p)
            sv[p][...] = gs[p][:, :32] + gd[p][:, 32:64]
            base = base0 + b * BLK_B
            pltpu.async_copy(sv[p], s_hbm.at[pl.ds(base, BLK_B)], sem_w)

            @pl.when(b + 2 < NBLK_B)
            def _():
                issue_idx(b + 2, p)

        issue_idx(0, 0)
        issue_idx(1, 1)
        wait_idx(0)
        issue_gathers(0)

        @pl.loop(0, NBLK_B, step=2)
        def _(t):
            phase(t, 0, 1)

            @pl.when(t + 1 < NBLK_B)
            def _():
                phase(t + 1, 1, 0)

        wait_write(0)
        wait_write(1)

    return sc_kernel(ab_tab, src, dst)


def _node_update_body(x_ref, ux_ref, agg_ref, gwu_ref, gwa_ref, gb_ref,
                      gamma_ref, beta_ref, o_ref):
    ux = ux_ref[...]
    agg = agg_ref[:N_NODES, :] + agg_ref[N_NODES:, :]
    logit = jnp.sum(ux * gwu_ref[...] + agg * gwa_ref[...],
                    axis=1, keepdims=True) + gb_ref[0:1, 0:1]
    gate = jax.nn.sigmoid(logit)
    h = gate * ux + (1.0 - gate) * agg
    mean = jnp.mean(h, axis=0, keepdims=True)
    var = jnp.mean((h - mean) ** 2, axis=0, keepdims=True)
    h_norm = (h - mean) / jnp.sqrt(var + 1e-5) * gamma_ref[...] + beta_ref[...]
    o_ref[...] = x_ref[...] + jax.nn.relu(h_norm)


def _node_update(x, ux, agg_partials, gwu, gwa, gb, gamma, beta):
    return pl.pallas_call(
        _node_update_body,
        out_shape=jax.ShapeDtypeStruct((N_NODES, D), jnp.float32),
    )(x, ux, agg_partials, gwu, gwa, gb, gamma, beta)


def _edge_mlp_body(ea_ref, s_ref, w3t_ref, b1_ref, w2t_ref, b2_ref, o_ref):
    c = jnp.dot(ea_ref[...], w3t_ref[...], preferred_element_type=jnp.float32)
    z = jax.nn.relu(s_ref[...] + c + b1_ref[...])
    o_ref[...] = jnp.dot(z, w2t_ref[...],
                         preferred_element_type=jnp.float32) + b2_ref[...]


def _edge_mlp(edge_attr, s, w3t, b1, w2t, b2):
    return pl.pallas_call(
        _edge_mlp_body,
        grid=(N_EDGES // E_BLK,),
        in_specs=[
            pl.BlockSpec((E_BLK, ED), lambda i: (i, 0)),
            pl.BlockSpec((E_BLK, 32), lambda i: (i, 0)),
            pl.BlockSpec((ED, 32), lambda i: (0, 0)),
            pl.BlockSpec((1, 32), lambda i: (0, 0)),
            pl.BlockSpec((32, ED), lambda i: (0, 0)),
            pl.BlockSpec((1, ED), lambda i: (0, 0)),
        ],
        out_specs=pl.BlockSpec((E_BLK, ED), lambda i: (i, 0)),
        out_shape=jax.ShapeDtypeStruct((N_EDGES, ED), jnp.float32),
    )(edge_attr, s, w3t, b1, w2t, b2)


def kernel(x, edge_index, edge_attr, U_w, U_b, V_w, V_b, E_w, E_b,
           gate_w, gate_b, eu1_w, eu1_b, eu2_w, eu2_b, bn_gamma, bn_beta):
    src = edge_index[0].astype(jnp.int32)
    dst = edge_index[1].astype(jnp.int32)

    w_cat = jnp.concatenate(
        [U_w.T, V_w.T, eu1_w[:, :D].T, eu1_w[:, D:2 * D].T,
         jnp.zeros((D, 64), jnp.float32)], axis=1)
    b_cat = jnp.concatenate(
        [U_b, V_b, jnp.zeros((D,), jnp.float32)])[None, :]

    ux, vx_tab, ab_tab = _node_matmuls(x, w_cat, b_cat)

    s_sum = _sc_edge_sums(ab_tab, src, dst)
    e = _edge_gate(edge_attr, E_w.T, E_b[None, :])

    zrows = jnp.zeros((ROWS_MAIN, D), jnp.float32)
    agg_partials = _sc_messages(vx_tab, e, src, dst, zrows)

    gwu = gate_w[:, :D]
    gwa = gate_w[:, D:]
    gb = jnp.broadcast_to(gate_b.reshape(1, 1), (1, D))
    x_new = _node_update(x, ux, agg_partials, gwu, gwa, gb,
                         bn_gamma[None, :], bn_beta[None, :])

    upd = _edge_mlp(edge_attr, s_sum, eu1_w[:, 2 * D:].T, eu1_b[None, :],
                    eu2_w.T, eu2_b[None, :])
    return x_new, upd

# --- scband reference (transcript-rebuilt; emitter-appended) ---
"""Pipeline reference for scband-gated-gcnlayer-73804718015015 (READ-ONLY COPY).

The authoritative reference and input builder live on the scoring server;
editing this copy changes nothing except your own understanding.
"""

import jax, jax.numpy as jnp
import numpy as np

NODE_DIM = 128
EDGE_DIM = 16
N_NODES = 10000
N_EDGES = 320000

def _xavier(key, shape):
    fan_out, fan_in = shape
    limit = float(np.sqrt(6.0 / (fan_in + fan_out)))
    return jax.random.uniform(key, shape, minval=-limit, maxval=limit, dtype=jnp.float32)

def setup_inputs(seed: int = 0) -> dict:
    key = jax.random.key(seed)
    ks = jax.random.split(key, 16)
    x = jax.random.normal(ks[0], (N_NODES, NODE_DIM), dtype=jnp.float32)
    edge_index = jax.random.randint(ks[1], (2, N_EDGES), 0, N_NODES, dtype=jnp.int64)
    edge_attr = jax.random.normal(ks[2], (N_EDGES, EDGE_DIM), dtype=jnp.float32)
    U_w = _xavier(ks[3], (NODE_DIM, NODE_DIM)); U_b = jnp.zeros((NODE_DIM,), jnp.float32)
    V_w = _xavier(ks[4], (NODE_DIM, NODE_DIM)); V_b = jnp.zeros((NODE_DIM,), jnp.float32)
    E_w = _xavier(ks[5], (NODE_DIM, EDGE_DIM)); E_b = jnp.zeros((NODE_DIM,), jnp.float32)
    gate_w = _xavier(ks[6], (1, 2 * NODE_DIM)); gate_b = jnp.zeros((1,), jnp.float32)
    eu1_w = _xavier(ks[7], (2 * EDGE_DIM, 2 * NODE_DIM + EDGE_DIM)); eu1_b = jnp.zeros((2 * EDGE_DIM,), jnp.float32)
    eu2_w = _xavier(ks[8], (EDGE_DIM, 2 * EDGE_DIM)); eu2_b = jnp.zeros((EDGE_DIM,), jnp.float32)
    bn_gamma = jnp.ones((NODE_DIM,), jnp.float32); bn_beta = jnp.zeros((NODE_DIM,), jnp.float32)
    return {"x": x, "edge_index": edge_index, "edge_attr": edge_attr,
            "U_w": U_w, "U_b": U_b, "V_w": V_w, "V_b": V_b, "E_w": E_w, "E_b": E_b,
            "gate_w": gate_w, "gate_b": gate_b, "eu1_w": eu1_w, "eu1_b": eu1_b,
            "eu2_w": eu2_w, "eu2_b": eu2_b, "bn_gamma": bn_gamma, "bn_beta": bn_beta}

def reference(x, edge_index, edge_attr, U_w, U_b, V_w, V_b, E_w, E_b,
              gate_w, gate_b, eu1_w, eu1_b, eu2_w, eu2_b, bn_gamma, bn_beta):
    src = edge_index[0]
    dst = edge_index[1]
    e = jax.nn.sigmoid(edge_attr @ E_w.T + E_b)
    messages = (x[dst] @ V_w.T + V_b) * e
    aggregated = jnp.zeros_like(x).at[src].add(messages)
    Ux = x @ U_w.T + U_b
    combined = jnp.concatenate([Ux, aggregated], axis=-1)
    gate = jax.nn.sigmoid(combined @ gate_w.T + gate_b)
    h = gate * Ux + (1.0 - gate) * aggregated
    mean = jnp.mean(h, axis=0)
    var = jnp.mean((h - mean) ** 2, axis=0)  # biased variance, as BatchNorm1d training mode
    h_norm = (h - mean) / jnp.sqrt(var + 1e-5) * bn_gamma + bn_beta
    x_new = x + jax.nn.relu(h_norm)
    edge_input = jnp.concatenate([x[src], x[dst], edge_attr], axis=-1)
    z = jax.nn.relu(edge_input @ eu1_w.T + eu1_b)
    updated_edge_attr = z @ eu2_w.T + eu2_b
    return (x_new, updated_edge_attr)

if __name__ == "__main__":
    import jax
    _d = setup_inputs()
    print(jax.jit(kernel)(*tuple(_d.values())))

</pallas_src>

<mosaic_0001>
#map = affine_map<(d0, d1) -> (0, 0)>
#map1 = affine_map<(d0, d1) -> (0)>
module attributes {stable_mosaic.version = 14 : i64} {
  func.func @sc_kernel(%arg0: i32, %arg1: i32, %arg2: memref<10000x128xf32, #tpu.memory_space<hbm>>, %arg3: memref<320000x128xbf16, #tpu.memory_space<hbm>>, %arg4: memref<320000xi32, #tpu.memory_space<hbm>>, %arg5: memref<320000xi32, #tpu.memory_space<hbm>>, %arg6: memref<624x128xf32, #tpu.memory_space<hbm>>, %arg7: memref<20000x128xf32, #tpu.memory_space<hbm>>, %arg8: memref<80xi32, #tpu.memory_space<vmem>>, %arg9: memref<80xi32, #tpu.memory_space<vmem>>, %arg10: memref<80xi32, #tpu.memory_space<vmem>>, %arg11: memref<80xi32, #tpu.memory_space<vmem>>, %arg12: memref<80x128xf32, #tpu.memory_space<vmem>>, %arg13: memref<80x128xf32, #tpu.memory_space<vmem>>, %arg14: memref<80x128xbf16, #tpu.memory_space<vmem>>, %arg15: memref<80x128xbf16, #tpu.memory_space<vmem>>, %arg16: memref<80xi32, #tpu.memory_space<vmem>>, %arg17: memref<80xi32, #tpu.memory_space<vmem>>, %arg18: memref<10000x128xf32, #tpu.memory_space<vmem_shared>>, %arg19: memref<!tpu.dma_semaphore, #tpu.memory_space<semaphore_mem>>, %arg20: memref<!tpu.dma_semaphore, #tpu.memory_space<semaphore_mem>>, %arg21: memref<!tpu.dma_semaphore, #tpu.memory_space<semaphore_mem>>) attributes {dimension_semantics = [#tpu.dimension_semantics<core_parallel>, #tpu.dimension_semantics<subcore_parallel>], iteration_bounds = array<i64: 2, 16>, scalar_prefetch = 0 : i64, scratch_operands = 14 : i64, tpu.core_type = #tpu.core_type<sc_vector_subcore>, window_params = [{transform_indices = #map}, {transform_indices = #map}, {transform_indices = #map1}, {transform_indices = #map1}, {transform_indices = #map}, {transform_indices = #map}]} {
    %mul3A = arith.constant 624 : i32
    %mul3A_0 = arith.muli %arg1, %mul3A : i32
    "tpu.region"() ({
      %run_scoped3A = tpu.sem_alloc : memref<!tpu.dma_semaphore, #tpu.memory_space<semaphore_mem>>
      %dma_start3A_63 = arith.constant 0 : i32
      %dma_start3A_64 = tpu.memref_slice %arg18[%mul3A_0, %dma_start3A_63] : memref<10000x128xf32, #tpu.memory_space<vmem_shared>> -> memref<624x128xf32, #tpu.memory_space<vmem_shared>>
      %dma_start3A_65 = arith.constant 0 : i32
      %dma_start3A_66 = arith.constant 0 : i32
      %dma_start3A_67 = tpu.memref_slice %arg6[%dma_start3A_65, %dma_start3A_66] : memref<624x128xf32, #tpu.memory_space<hbm>> -> memref<624x128xf32, #tpu.memory_space<hbm>>
      tpu.enqueue_dma source(%dma_start3A_67 : memref<624x128xf32, #tpu.memory_space<hbm>>) target(%dma_start3A_64 : memref<624x128xf32, #tpu.memory_space<vmem_shared>>) target_semaphore(%run_scoped3A : memref<!tpu.dma_semaphore, #tpu.memory_space<semaphore_mem>>)
      %dma_wait3A_68 = arith.constant 0 : i32
      %dma_wait3A_69 = tpu.memref_slice %arg18[%mul3A_0, %dma_wait3A_68] : memref<10000x128xf32, #tpu.memory_space<vmem_shared>> -> memref<624x128xf32, #tpu.memory_space<vmem_shared>>
      %dma_wait3A_70 = arith.constant 0 : i32
      %dma_wait3A_71 = arith.constant 0 : i32
      %dma_wait3A_72 = tpu.memref_slice %arg6[%dma_wait3A_70, %dma_wait3A_71] : memref<624x128xf32, #tpu.memory_space<hbm>> -> memref<624x128xf32, #tpu.memory_space<hbm>>
      tpu.wait_dma2 semaphore(%run_scoped3A : memref<!tpu.dma_semaphore, #tpu.memory_space<semaphore_mem>>) src(%dma_wait3A_72 : memref<624x128xf32, #tpu.memory_space<hbm>>) dst(%dma_wait3A_69 : memref<624x128xf32, #tpu.memory_space<vmem_shared>>)
      tpu.yield
    }) : () -> ()
    %eq3A = arith.constant 15 : i32
    %eq3A_1 = arith.cmpi eq, %arg1, %eq3A : i32
    %convert_element_type3A = arith.extui %eq3A_1 : i1 to i32
    %cond3A = arith.constant 0 : i32
    %cond3A_2 = arith.cmpi ne, %convert_element_type3A, %cond3A : i32
    scf.if %cond3A_2 {
      "tpu.region"() ({
        %run_scoped3A = tpu.sem_alloc : memref<!tpu.dma_semaphore, #tpu.memory_space<semaphore_mem>>
        %dma_start3A_63 = arith.constant 9984 : i32
        %dma_start3A_64 = arith.constant 0 : i32
        %dma_start3A_65 = tpu.memref_slice %arg18[%dma_start3A_63, %dma_start3A_64] : memref<10000x128xf32, #tpu.memory_space<vmem_shared>> -> memref<16x128xf32, #tpu.memory_space<vmem_shared>>
        %dma_start3A_66 = arith.constant 0 : i32
        %dma_start3A_67 = arith.constant 0 : i32
        %dma_start3A_68 = tpu.memref_slice %arg6[%dma_start3A_66, %dma_start3A_67] : memref<624x128xf32, #tpu.memory_space<hbm>> -> memref<16x128xf32, #tpu.memory_space<hbm>>
        tpu.enqueue_dma source(%dma_start3A_68 : memref<16x128xf32, #tpu.memory_space<hbm>>) target(%dma_start3A_65 : memref<16x128xf32, #tpu.memory_space<vmem_shared>>) target_semaphore(%run_scoped3A : memref<!tpu.dma_semaphore, #tpu.memory_space<semaphore_mem>>)
        %dma_wait3A_69 = arith.constant 9984 : i32
        %dma_wait3A_70 = arith.constant 0 : i32
        %dma_wait3A_71 = tpu.memref_slice %arg18[%dma_wait3A_69, %dma_wait3A_70] : memref<10000x128xf32, #tpu.memory_space<vmem_shared>> -> memref<16x128xf32, #tpu.memory_space<vmem_shared>>
        %dma_wait3A_72 = arith.constant 0 : i32
        %dma_wait3A_73 = arith.constant 0 : i32
        %dma_wait3A_74 = tpu.memref_slice %arg6[%dma_wait3A_72, %dma_wait3A_73] : memref<624x128xf32, #tpu.memory_space<hbm>> -> memref<16x128xf32, #tpu.memory_space<hbm>>
        tpu.wait_dma2 semaphore(%run_scoped3A : memref<!tpu.dma_semaphore, #tpu.memory_space<semaphore_mem>>) src(%dma_wait3A_74 : memref<16x128xf32, #tpu.memory_space<hbm>>) dst(%dma_wait3A_71 : memref<16x128xf32, #tpu.memory_space<vmem_shared>>)
        tpu.yield
      }) : () -> ()
    } else {
    }
    %barrier3A = arith.constant 0 : index
    tpu.barrier barrier_id(%barrier3A)
    %mul3A_3 = arith.constant 16 : i32
    %mul3A_4 = arith.muli %arg0, %mul3A_3 : i32
    %add3A = arith.addi %mul3A_4, %arg1 : i32
    %mul3A_5 = arith.constant 10000 : i32
    %mul3A_6 = arith.muli %add3A, %mul3A_5 : i32
    %add3A_7 = arith.constant 0 : i32
    %add3A_8 = arith.addi %mul3A_6, %add3A_7 : i32
    %dma_start3A = tpu.memref_slice %arg4[%add3A_8] : memref<320000xi32, #tpu.memory_space<hbm>> -> memref<80xi32, #tpu.memory_space<hbm>>
    %dma_start3A_9 = tpu.memref_slice %arg4[%add3A_8] : memref<320000xi32, #tpu.memory_space<hbm>> -> memref<80xi32, #tpu.memory_space<hbm>>
    tpu.enqueue_dma source(%dma_start3A_9 : memref<80xi32, #tpu.memory_space<hbm>>) target(%arg8 : memref<80xi32, #tpu.memory_space<vmem>>) target_semaphore(%arg19 : memref<!tpu.dma_semaphore, #tpu.memory_space<semaphore_mem>>)
    %dma_start3A_10 = tpu.memref_slice %arg5[%add3A_8] : memref<320000xi32, #tpu.memory_space<hbm>> -> memref<80xi32, #tpu.memory_space<hbm>>
    %dma_start3A_11 = tpu.memref_slice %arg5[%add3A_8] : memref<320000xi32, #tpu.memory_space<hbm>> -> memref<80xi32, #tpu.memory_space<hbm>>
    tpu.enqueue_dma source(%dma_start3A_11 : memref<80xi32, #tpu.memory_space<hbm>>) target(%arg10 : memref<80xi32, #tpu.memory_space<vmem>>) target_semaphore(%arg19 : memref<!tpu.dma_semaphore, #tpu.memory_space<semaphore_mem>>)
    %add3A_12 = arith.constant 80 : i32
    %add3A_13 = arith.addi %mul3A_6, %add3A_12 : i32
    %dma_start3A_14 = tpu.memref_slice %arg4[%add3A_13] : memref<320000xi32, #tpu.memory_space<hbm>> -> memref<80xi32, #tpu.memory_space<hbm>>
    %dma_start3A_15 = tpu.memref_slice %arg4[%add3A_13] : memref<320000xi32, #tpu.memory_space<hbm>> -> memref<80xi32, #tpu.memory_space<hbm>>
    tpu.enqueue_dma source(%dma_start3A_15 : memref<80xi32, #tpu.memory_space<hbm>>) target(%arg9 : memref<80xi32, #tpu.memory_space<vmem>>) target_semaphore(%arg19 : memref<!tpu.dma_semaphore, #tpu.memory_space<semaphore_mem>>)
    %dma_start3A_16 = tpu.memref_slice %arg5[%add3A_13] : memref<320000xi32, #tpu.memory_space<hbm>> -> memref<80xi32, #tpu.memory_space<hbm>>
    %dma_start3A_17 = tpu.memref_slice %arg5[%add3A_13] : memref<320000xi32, #tpu.memory_space<hbm>> -> memref<80xi32, #tpu.memory_space<hbm>>
    tpu.enqueue_dma source(%dma_start3A_17 : memref<80xi32, #tpu.memory_space<hbm>>) target(%arg11 : memref<80xi32, #tpu.memory_space<vmem>>) target_semaphore(%arg19 : memref<!tpu.dma_semaphore, #tpu.memory_space<semaphore_mem>>)
    %dma_wait3A = arith.constant 0 : i32
    %dma_wait3A_18 = tpu.memref_slice %arg4[%dma_wait3A] : memref<320000xi32, #tpu.memory_space<hbm>> -> memref<80xi32, #tpu.memory_space<hbm>>
    %dma_wait3A_19 = arith.constant 0 : i32
    %dma_wait3A_20 = tpu.memref_slice %arg4[%dma_wait3A_19] : memref<320000xi32, #tpu.memory_space<hbm>> -> memref<80xi32, #tpu.memory_space<hbm>>
    tpu.wait_dma2 semaphore(%arg19 : memref<!tpu.dma_semaphore, #tpu.memory_space<semaphore_mem>>) src(%dma_wait3A_20 : memref<80xi32, #tpu.memory_space<hbm>>) dst(%arg8 : memref<80xi32, #tpu.memory_space<vmem>>)
    %dma_wait3A_21 = arith.constant 0 : i32
    %dma_wait3A_22 = tpu.memref_slice %arg5[%dma_wait3A_21] : memref<320000xi32, #tpu.memory_space<hbm>> -> memref<80xi32, #tpu.memory_space<hbm>>
    %dma_wait3A_23 = arith.constant 0 : i32
    %dma_wait3A_24 = tpu.memref_slice %arg5[%dma_wait3A_23] : memref<320000xi32, #tpu.memory_space<hbm>> -> memref<80xi32, #tpu.memory_space<hbm>>
    tpu.wait_dma2 semaphore(%arg19 : memref<!tpu.dma_semaphore, #tpu.memory_space<semaphore_mem>>) src(%dma_wait3A_24 : memref<80xi32, #tpu.memory_space<hbm>>) dst(%arg10 : memref<80xi32, #tpu.memory_space<vmem>>)
    %add3A_25 = arith.constant 0 : i32
    %add3A_26 = arith.addi %mul3A_6, %add3A_25 : i32
    %dma_start3A_27 = arith.constant 0 : i32
    %dma_start3A_28 = arith.constant 0 : i32
    %dma_start3A_29 = tpu.memref_slice %arg2[%dma_start3A_27, %dma_start3A_28] : memref<10000x128xf32, #tpu.memory_space<hbm>> -> memref<10000x128xf32, #tpu.memory_space<hbm>>
    tpu.enqueue_indirect_dma source(%dma_start3A_29 : memref<10000x128xf32, #tpu.memory_space<hbm>>) target(%arg12 : memref<80x128xf32, #tpu.memory_space<vmem>>) offsets(%arg10 : memref<80xi32, #tpu.memory_space<vmem>>) semaphore(%arg20 : memref<!tpu.dma_semaphore, #tpu.memory_space<semaphore_mem>>)
    %dma_start3A_30 = arith.constant 0 : i32
    %dma_start3A_31 = tpu.memref_slice %arg3[%add3A_26, %dma_start3A_30] : memref<320000x128xbf16, #tpu.memory_space<hbm>> -> memref<80x128xbf16, #tpu.memory_space<hbm>>
    %dma_start3A_32 = arith.constant 0 : i32
    %dma_start3A_33 = tpu.memref_slice %arg3[%add3A_26, %dma_start3A_32] : memref<320000x128xbf16, #tpu.memory_space<hbm>> -> memref<80x128xbf16, #tpu.memory_space<hbm>>
    tpu.enqueue_dma source(%dma_start3A_33 : memref<80x128xbf16, #tpu.memory_space<hbm>>) target(%arg14 : memref<80x128xbf16, #tpu.memory_space<vmem>>) target_semaphore(%arg20 : memref<!tpu.dma_semaphore, #tpu.memory_space<semaphore_mem>>)
    %scan3A = arith.constant 0 : i32
    %scan3A_34 = arith.constant 63 : i32
    %scan3A_35 = arith.addi %scan3A, %scan3A_34 : i32
    %scan3A_36 = arith.constant 1 : i32
    scf.for %scan3A_63 = %scan3A to %scan3A_35 step %scan3A_36  : i32 {
      %mul3A_64 = arith.constant 2 : i32
      %mul3A_65 = arith.muli %scan3A_63, %mul3A_64 : i32
      %add3A_66 = arith.constant 0 : i32
      %add3A_67 = arith.addi %add3A_66, %mul3A_65 : i32
      %add3A_68 = arith.constant 1 : i32
      %add3A_69 = arith.addi %add3A_67, %add3A_68 : i32
      %lt3A = arith.constant 125 : i32
      %lt3A_70 = arith.cmpi slt, %add3A_69, %lt3A : i32
      %convert_element_type3A_71 = arith.extui %lt3A_70 : i1 to i32
      %cond3A_72 = arith.constant 0 : i32
      %cond3A_73 = arith.cmpi ne, %convert_element_type3A_71, %cond3A_72 : i32
      scf.if %cond3A_73 {
        %dma_wait3A_113 = arith.constant 0 : i32
        %dma_wait3A_114 = tpu.memref_slice %arg4[%dma_wait3A_113] : memref<320000xi32, #tpu.memory_space<hbm>> -> memref<80xi32, #tpu.memory_space<hbm>>
        %dma_wait3A_115 = arith.constant 0 : i32
        %dma_wait3A_116 = tpu.memref_slice %arg4[%dma_wait3A_115] : memref<320000xi32, #tpu.memory_space<hbm>> -> memref<80xi32, #tpu.memory_space<hbm>>
        tpu.wait_dma2 semaphore(%arg19 : memref<!tpu.dma_semaphore, #tpu.memory_space<semaphore_mem>>) src(%dma_wait3A_116 : memref<80xi32, #tpu.memory_space<hbm>>) dst(%arg9 : memref<80xi32, #tpu.memory_space<vmem>>)
        %dma_wait3A_117 = arith.constant 0 : i32
        %dma_wait3A_118 = tpu.memref_slice %arg5[%dma_wait3A_117] : memref<320000xi32, #tpu.memory_space<hbm>> -> memref<80xi32, #tpu.memory_space<hbm>>
        %dma_wait3A_119 = arith.constant 0 : i32
        %dma_wait3A_120 = tpu.memref_slice %arg5[%dma_wait3A_119] : memref<320000xi32, #tpu.memory_space<hbm>> -> memref<80xi32, #tpu.memory_space<hbm>>
        tpu.wait_dma2 semaphore(%arg19 : memref<!tpu.dma_semaphore, #tpu.memory_space<semaphore_mem>>) src(%dma_wait3A_120 : memref<80xi32, #tpu.memory_space<hbm>>) dst(%arg11 : memref<80xi32, #tpu.memory_space<vmem>>)
        %ge3A = arith.constant 1 : i32
        %ge3A_121 = arith.cmpi sge, %add3A_67, %ge3A : i32
        %convert_element_type3A_122 = arith.extui %ge3A_121 : i1 to i32
        %cond3A_123 = arith.constant 0 : i32
        %cond3A_124 = arith.cmpi ne, %convert_element_type3A_122, %cond3A_123 : i32
        scf.if %cond3A_124 {
          %dma_wait3A_137 = arith.constant 0 : i32
          %dma_wait3A_138 = arith.constant 0 : i32
          %dma_wait3A_139 = tpu.memref_slice %arg2[%dma_wait3A_137, %dma_wait3A_138] : memref<10000x128xf32, #tpu.memory_space<hbm>> -> memref<80x128xf32, #tpu.memory_space<hbm>>
          %dma_wait3A_140 = arith.constant 0 : i32
          %dma_wait3A_141 = arith.constant 0 : i32
          %dma_wait3A_142 = tpu.memref_slice %arg2[%dma_wait3A_140, %dma_wait3A_141] : memref<10000x128xf32, #tpu.memory_space<hbm>> -> memref<80x128xf32, #tpu.memory_space<hbm>>
          tpu.wait_dma2 semaphore(%arg21 : memref<!tpu.dma_semaphore, #tpu.memory_space<semaphore_mem>>) src(%dma_wait3A_142 : memref<80x128xf32, #tpu.memory_space<hbm>>) dst(%arg13 : memref<80x128xf32, #tpu.memory_space<vmem>>)
        } else {
        }
        %add3A_125 = arith.constant 1 : i32
        %add3A_126 = arith.addi %add3A_67, %add3A_125 : i32
        %mul3A_127 = arith.constant 80 : i32
        %mul3A_128 = arith.muli %add3A_126, %mul3A_127 : i32
        %add3A_129 = arith.addi %mul3A_6, %mul3A_128 : i32
        %dma_start3A_130 = arith.constant 0 : i32
        %dma_start3A_131 = arith.constant 0 : i32
        %dma_start3A_132 = tpu.memref_slice %arg2[%dma_start3A_130, %dma_start3A_131] : memref<10000x128xf32, #tpu.memory_space<hbm>> -> memref<10000x128xf32, #tpu.memory_space<hbm>>
        tpu.enqueue_indirect_dma source(%dma_start3A_132 : memref<10000x128xf32, #tpu.memory_space<hbm>>) target(%arg13 : memref<80x128xf32, #tpu.memory_space<vmem>>) offsets(%arg11 : memref<80xi32, #tpu.memory_space<vmem>>) semaphore(%arg20 : memref<!tpu.dma_semaphore, #tpu.memory_space<semaphore_mem>>)
        %dma_start3A_133 = arith.constant 0 : i32
        %dma_start3A_134 = tpu.memref_slice %arg3[%add3A_129, %dma_start3A_133] : memref<320000x128xbf16, #tpu.memory_space<hbm>> -> memref<80x128xbf16, #tpu.memory_space<hbm>>
        %dma_start3A_135 = arith.constant 0 : i32
        %dma_start3A_136 = tpu.memref_slice %arg3[%add3A_129, %dma_start3A_135] : memref<320000x128xbf16, #tpu.memory_space<hbm>> -> memref<80x128xbf16, #tpu.memory_space<hbm>>
        tpu.enqueue_dma source(%dma_start3A_136 : memref<80x128xbf16, #tpu.memory_space<hbm>>) target(%arg15 : memref<80x128xbf16, #tpu.memory_space<vmem>>) target_semaphore(%arg20 : memref<!tpu.dma_semaphore, #tpu.memory_space<semaphore_mem>>)
      } else {
      }
      %dma_wait3A_74 = arith.constant 0 : i32
      %dma_wait3A_75 = arith.constant 0 : i32
      %dma_wait3A_76 = tpu.memref_slice %arg2[%dma_wait3A_74, %dma_wait3A_75] : memref<10000x128xf32, #tpu.memory_space<hbm>> -> memref<80x128xf32, #tpu.memory_space<hbm>>
      %dma_wait3A_77 = arith.constant 0 : i32
      %dma_wait3A_78 = arith.constant 0 : i32
      %dma_wait3A_79 = tpu.memref_slice %arg2[%dma_wait3A_77, %dma_wait3A_78] : memref<10000x128xf32, #tpu.memory_space<hbm>> -> memref<80x128xf32, #tpu.memory_space<hbm>>
      tpu.wait_dma2 semaphore(%arg20 : memref<!tpu.dma_semaphore, #tpu.memory_space<semaphore_mem>>) src(%dma_wait3A_79 : memref<80x128xf32, #tpu.memory_space<hbm>>) dst(%arg12 : memref<80x128xf32, #tpu.memory_space<vmem>>)
      %dma_wait3A_80 = arith.constant 0 : i32
      %dma_wait3A_81 = arith.constant 0 : i32
      %dma_wait3A_82 = tpu.memref_slice %arg3[%dma_wait3A_80, %dma_wait3A_81] : memref<320000x128xbf16, #tpu.memory_space<hbm>> -> memref<80x128xbf16, #tpu.memory_space<hbm>>
      %dma_wait3A_83 = arith.constant 0 : i32
      %dma_wait3A_84 = arith.constant 0 : i32
      %dma_wait3A_85 = tpu.memref_slice %arg3[%dma_wait3A_83, %dma_wait3A_84] : memref<320000x128xbf16, #tpu.memory_space<hbm>> -> memref<80x128xbf16, #tpu.memory_space<hbm>>
      tpu.wait_dma2 semaphore(%arg20 : memref<!tpu.dma_semaphore, #tpu.memory_space<semaphore_mem>>) src(%dma_wait3A_85 : memref<80x128xbf16, #tpu.memory_space<hbm>>) dst(%arg14 : memref<80x128xbf16, #tpu.memory_space<vmem>>)
      %scan3A_86 = arith.constant 0 : i32
      %scan3A_87 = arith.constant 40 : i32
      %scan3A_88 = arith.addi %scan3A_86, %scan3A_87 : i32
      %scan3A_89 = arith.constant 1 : i32
      scf.for %scan3A_113 = %scan3A_86 to %scan3A_88 step %scan3A_89  : i32 {
        %mul3A_114 = arith.constant 2 : i32
        %mul3A_115 = arith.muli %scan3A_113, %mul3A_114 : i32
        %add3A_116 = arith.constant 0 : i32
        %add3A_117 = arith.addi %add3A_116, %mul3A_115 : i32
        %get3A_118 = arith.index_cast %add3A_117 : i32 to index
        %get3A_119 = arith.constant 0 : index
        %get3A_120 = tpu.vector_load %arg12[%get3A_118, %get3A_119] {strides = array<i32>} : memref<80x128xf32, #tpu.memory_space<vmem>>, vector<2x128xf32>,
        %get3A_121 = vector.shape_cast %get3A_120 : vector<2x128xf32> to vector<2x128xf32>
        %get3A_122 = arith.index_cast %add3A_117 : i32 to index
        %get3A_123 = arith.constant 0 : index
        %get3A_124 = tpu.vector_load %arg14[%get3A_122, %get3A_123] {strides = array<i32>} : memref<80x128xbf16, #tpu.memory_space<vmem>>, vector<2x128xbf16>,
        %get3A_125 = vector.shape_cast %get3A_124 : vector<2x128xbf16> to vector<2x128xbf16>
        %convert_element_type3A_126 = arith.extf %get3A_125 : vector<2x128xbf16> to vector<2x128xf32>
        %mul3A_127 = arith.mulf %get3A_121, %convert_element_type3A_126 : vector<2x128xf32>
        %swap3A_128 = arith.index_cast %add3A_117 : i32 to index
        %swap3A_129 = arith.constant 0 : index
        %swap3A_130 = tpu.vector_load %arg12[%swap3A_128, %swap3A_129] {strides = array<i32>} : memref<80x128xf32, #tpu.memory_space<vmem>>, vector<2x128xf32>,
        %swap3A_131 = vector.shape_cast %swap3A_130 : vector<2x128xf32> to vector<2x128xf32>
        %swap3A_132 = vector.shape_cast %mul3A_127 : vector<2x128xf32> to vector<2x128xf32>
        tpu.vector_store %arg12[%swap3A_128, %swap3A_129], %swap3A_132 {strides = array<i32>} : memref<80x128xf32, #tpu.memory_space<vmem>>, vector<2x128xf32>,
      }
      %scan3A_90 = arith.constant 40 : i32
      %get3A = arith.constant 0 : index
      %get3A_91 = tpu.vector_load %arg8[%get3A] {strides = array<i32>} : memref<80xi32, #tpu.memory_space<vmem>>, vector<80xi32>,
      %get3A_92 = vector.shape_cast %get3A_91 : vector<80xi32> to vector<80xi32>
      %swap3A = arith.constant 0 : index
      %swap3A_93 = tpu.vector_load %arg16[%swap3A] {strides = array<i32>} : memref<80xi32, #tpu.memory_space<vmem>>, vector<80xi32>,
      %swap3A_94 = vector.shape_cast %swap3A_93 : vector<80xi32> to vector<80xi32>
      %swap3A_95 = vector.shape_cast %get3A_92 : vector<80xi32> to vector<80xi32>
      tpu.vector_store %arg16[%swap3A], %swap3A_95 {strides = array<i32>} : memref<80xi32, #tpu.memory_space<vmem>>, vector<80xi32>,
      %dma_start3A_96 = arith.constant 0 : i32
      %dma_start3A_97 = arith.constant 0 : i32
      %dma_start3A_98 = tpu.memref_slice %arg18[%dma_start3A_96, %dma_start3A_97] : memref<10000x128xf32, #tpu.memory_space<vmem_shared>> -> memref<10000x128xf32, #tpu.memory_space<vmem_shared>>
      tpu.enqueue_indirect_dma source(%arg12 : memref<80x128xf32, #tpu.memory_space<vmem>>) target(%dma_start3A_98 : memref<10000x128xf32, #tpu.memory_space<vmem_shared>>) offsets(%arg16 : memref<80xi32, #tpu.memory_space<vmem>>) semaphore(%arg21 : memref<!tpu.dma_semaphore, #tpu.memory_space<semaphore_mem>>) {add = true}
      %add3A_99 = arith.constant 2 : i32
      %add3A_100 = arith.addi %add3A_67, %add3A_99 : i32
      %lt3A_101 = arith.constant 125 : i32
      %lt3A_102 = arith.cmpi slt, %add3A_100, %lt3A_101 : i32
      %convert_element_type3A_103 = arith.extui %lt3A_102 : i1 to i32
      %cond3A_104 = arith.constant 0 : i32
      %cond3A_105 = arith.cmpi ne, %convert_element_type3A_103, %cond3A_104 : i32
      scf.if %cond3A_105 {
        %add3A_113 = arith.constant 2 : i32
        %add3A_114 = arith.addi %add3A_67, %add3A_113 : i32
        %mul3A_115 = arith.constant 80 : i32
        %mul3A_116 = arith.muli %add3A_114, %mul3A_115 : i32
        %add3A_117 = arith.addi %mul3A_6, %mul3A_116 : i32
        %dma_start3A_118 = tpu.memref_slice %arg4[%add3A_117] : memref<320000xi32, #tpu.memory_space<hbm>> -> memref<80xi32, #tpu.memory_space<hbm>>
        %dma_start3A_119 = tpu.memref_slice %arg4[%add3A_117] : memref<320000xi32, #tpu.memory_space<hbm>> -> memref<80xi32, #tpu.memory_space<hbm>>
        tpu.enqueue_dma source(%dma_start3A_119 : memref<80xi32, #tpu.memory_space<hbm>>) target(%arg8 : memref<80xi32, #tpu.memory_space<vmem>>) target_semaphore(%arg19 : memref<!tpu.dma_semaphore, #tpu.memory_space<semaphore_mem>>)
        %dma_start3A_120 = tpu.memref_slice %arg5[%add3A_117] : memref<320000xi32, #tpu.memory_space<hbm>> -> memref<80xi32, #tpu.memory_space<hbm>>
        %dma_start3A_121 = tpu.memref_slice %arg5[%add3A_117] : memref<320000xi32, #tpu.memory_space<hbm>> -> memref<80xi32, #tpu.memory_space<hbm>>
        tpu.enqueue_dma source(%dma_start3A_121 : memref<80xi32, #tpu.memory_space<hbm>>) target(%arg10 : memref<80xi32, #tpu.memory_space<vmem>>) target_semaphore(%arg19 : memref<!tpu.dma_semaphore, #tpu.memory_space<semaphore_mem>>)
      } else {
      }
      %add3A_106 = arith.constant 1 : i32
      %add3A_107 = arith.addi %add3A_67, %add3A_106 : i32
      %lt3A_108 = arith.constant 125 : i32
      %lt3A_109 = arith.cmpi slt, %add3A_107, %lt3A_108 : i32
      %convert_element_type3A_110 = arith.extui %lt3A_109 : i1 to i32
      %cond3A_111 = arith.constant 0 : i32
      %cond3A_112 = arith.cmpi ne, %convert_element_type3A_110, %cond3A_111 : i32
      scf.if %cond3A_112 {
        %add3A_113 = arith.constant 1 : i32
        %add3A_114 = arith.addi %add3A_67, %add3A_113 : i32
        %add3A_115 = arith.constant 1 : i32
        %add3A_116 = arith.addi %add3A_114, %add3A_115 : i32
        %lt3A_117 = arith.constant 125 : i32
        %lt3A_118 = arith.cmpi slt, %add3A_116, %lt3A_117 : i32
        %convert_element_type3A_119 = arith.extui %lt3A_118 : i1 to i32
        %cond3A_120 = arith.constant 0 : i32
        %cond3A_121 = arith.cmpi ne, %convert_element_type3A_119, %cond3A_120 : i32
        scf.if %cond3A_121 {
          %dma_wait3A_156 = arith.constant 0 : i32
          %dma_wait3A_157 = tpu.memref_slice %arg4[%dma_wait3A_156] : memref<320000xi32, #tpu.memory_space<hbm>> -> memref<80xi32, #tpu.memory_space<hbm>>
          %dma_wait3A_158 = arith.constant 0 : i32
          %dma_wait3A_159 = tpu.memref_slice %arg4[%dma_wait3A_158] : memref<320000xi32, #tpu.memory_space<hbm>> -> memref<80xi32, #tpu.memory_space<hbm>>
          tpu.wait_dma2 semaphore(%arg19 : memref<!tpu.dma_semaphore, #tpu.memory_space<semaphore_mem>>) src(%dma_wait3A_159 : memref<80xi32, #tpu.memory_space<hbm>>) dst(%arg8 : memref<80xi32, #tpu.memory_space<vmem>>)
          %dma_wait3A_160 = arith.constant 0 : i32
          %dma_wait3A_161 = tpu.memref_slice %arg5[%dma_wait3A_160] : memref<320000xi32, #tpu.memory_space<hbm>> -> memref<80xi32, #tpu.memory_space<hbm>>
          %dma_wait3A_162 = arith.constant 0 : i32
          %dma_wait3A_163 = tpu.memref_slice %arg5[%dma_wait3A_162] : memref<320000xi32, #tpu.memory_space<hbm>> -> memref<80xi32, #tpu.memory_space<hbm>>
          tpu.wait_dma2 semaphore(%arg19 : memref<!tpu.dma_semaphore, #tpu.memory_space<semaphore_mem>>) src(%dma_wait3A_163 : memref<80xi32, #tpu.memory_space<hbm>>) dst(%arg10 : memref<80xi32, #tpu.memory_space<vmem>>)
          %ge3A = arith.constant 1 : i32
          %ge3A_164 = arith.cmpi sge, %add3A_114, %ge3A : i32
          %convert_element_type3A_165 = arith.extui %ge3A_164 : i1 to i32
          %cond3A_166 = arith.constant 0 : i32
          %cond3A_167 = arith.cmpi ne, %convert_element_type3A_165, %cond3A_166 : i32
          scf.if %cond3A_167 {
            %dma_wait3A_180 = arith.constant 0 : i32
            %dma_wait3A_181 = arith.constant 0 : i32
            %dma_wait3A_182 = tpu.memref_slice %arg2[%dma_wait3A_180, %dma_wait3A_181] : memref<10000x128xf32, #tpu.memory_space<hbm>> -> memref<80x128xf32, #tpu.memory_space<hbm>>
            %dma_wait3A_183 = arith.constant 0 : i32
            %dma_wait3A_184 = arith.constant 0 : i32
            %dma_wait3A_185 = tpu.memref_slice %arg2[%dma_wait3A_183, %dma_wait3A_184] : memref<10000x128xf32, #tpu.memory_space<hbm>> -> memref<80x128xf32, #tpu.memory_space<hbm>>
            tpu.wait_dma2 semaphore(%arg21 : memref<!tpu.dma_semaphore, #tpu.memory_space<semaphore_mem>>) src(%dma_wait3A_185 : memref<80x128xf32, #tpu.memory_space<hbm>>) dst(%arg12 : memref<80x128xf32, #tpu.memory_space<vmem>>)
          } else {
          }
          %add3A_168 = arith.constant 1 : i32
          %add3A_169 = arith.addi %add3A_114, %add3A_168 : i32
          %mul3A_170 = arith.constant 80 : i32
          %mul3A_171 = arith.muli %add3A_169, %mul3A_170 : i32
          %add3A_172 = arith.addi %mul3A_6, %mul3A_171 : i32
          %dma_start3A_173 = arith.constant 0 : i32
          %dma_start3A_174 = arith.constant 0 : i32
          %dma_start3A_175 = tpu.memref_slice %arg2[%dma_start3A_173, %dma_start3A_174] : memref<10000x128xf32, #tpu.memory_space<hbm>> -> memref<10000x128xf32, #tpu.memory_space<hbm>>
          tpu.enqueue_indirect_dma source(%dma_start3A_175 : memref<10000x128xf32, #tpu.memory_space<hbm>>) target(%arg12 : memref<80x128xf32, #tpu.memory_space<vmem>>) offsets(%arg10 : memref<80xi32, #tpu.memory_space<vmem>>) semaphore(%arg20 : memref<!tpu.dma_semaphore, #tpu.memory_space<semaphore_mem>>)
          %dma_start3A_176 = arith.constant 0 : i32
          %dma_start3A_177 = tpu.memref_slice %arg3[%add3A_172, %dma_start3A_176] : memref<320000x128xbf16, #tpu.memory_space<hbm>> -> memref<80x128xbf16, #tpu.memory_space<hbm>>
          %dma_start3A_178 = arith.constant 0 : i32
          %dma_start3A_179 = tpu.memref_slice %arg3[%add3A_172, %dma_start3A_178] : memref<320000x128xbf16, #tpu.memory_space<hbm>> -> memref<80x128xbf16, #tpu.memory_space<hbm>>
          tpu.enqueue_dma source(%dma_start3A_179 : memref<80x128xbf16, #tpu.memory_space<hbm>>) target(%arg14 : memref<80x128xbf16, #tpu.memory_space<vmem>>) target_semaphore(%arg20 : memref<!tpu.dma_semaphore, #tpu.memory_space<semaphore_mem>>)
        } else {
        }
        %dma_wait3A_122 = arith.constant 0 : i32
        %dma_wait3A_123 = arith.constant 0 : i32
        %dma_wait3A_124 = tpu.memref_slice %arg2[%dma_wait3A_122, %dma_wait3A_123] : memref<10000x128xf32, #tpu.memory_space<hbm>> -> memref<80x128xf32, #tpu.memory_space<hbm>>
        %dma_wait3A_125 = arith.constant 0 : i32
        %dma_wait3A_126 = arith.constant 0 : i32
        %dma_wait3A_127 = tpu.memref_slice %arg2[%dma_wait3A_125, %dma_wait3A_126] : memref<10000x128xf32, #tpu.memory_space<hbm>> -> memref<80x128xf32, #tpu.memory_space<hbm>>
        tpu.wait_dma2 semaphore(%arg20 : memref<!tpu.dma_semaphore, #tpu.memory_space<semaphore_mem>>) src(%dma_wait3A_127 : memref<80x128xf32, #tpu.memory_space<hbm>>) dst(%arg13 : memref<80x128xf32, #tpu.memory_space<vmem>>)
        %dma_wait3A_128 = arith.constant 0 : i32
        %dma_wait3A_129 = arith.constant 0 : i32
        %dma_wait3A_130 = tpu.memref_slice %arg3[%dma_wait3A_128, %dma_wait3A_129] : memref<320000x128xbf16, #tpu.memory_space<hbm>> -> memref<80x128xbf16, #tpu.memory_space<hbm>>
        %dma_wait3A_131 = arith.constant 0 : i32
        %dma_wait3A_132 = arith.constant 0 : i32
        %dma_wait3A_133 = tpu.memref_slice %arg3[%dma_wait3A_131, %dma_wait3A_132] : memref<320000x128xbf16, #tpu.memory_space<hbm>> -> memref<80x128xbf16, #tpu.memory_space<hbm>>
        tpu.wait_dma2 semaphore(%arg20 : memref<!tpu.dma_semaphore, #tpu.memory_space<semaphore_mem>>) src(%dma_wait3A_133 : memref<80x128xbf16, #tpu.memory_space<hbm>>) dst(%arg15 : memref<80x128xbf16, #tpu.memory_space<vmem>>)
        %scan3A_134 = arith.constant 0 : i32
        %scan3A_135 = arith.constant 40 : i32
        %scan3A_136 = arith.addi %scan3A_134, %scan3A_135 : i32
        %scan3A_137 = arith.constant 1 : i32
        scf.for %scan3A_156 = %scan3A_134 to %scan3A_136 step %scan3A_137  : i32 {
          %mul3A_157 = arith.constant 2 : i32
          %mul3A_158 = arith.muli %scan3A_156, %mul3A_157 : i32
          %add3A_159 = arith.constant 0 : i32
          %add3A_160 = arith.addi %add3A_159, %mul3A_158 : i32
          %get3A_161 = arith.index_cast %add3A_160 : i32 to index
          %get3A_162 = arith.constant 0 : index
          %get3A_163 = tpu.vector_load %arg13[%get3A_161, %get3A_162] {strides = array<i32>} : memref<80x128xf32, #tpu.memory_space<vmem>>, vector<2x128xf32>,
          %get3A_164 = vector.shape_cast %get3A_163 : vector<2x128xf32> to vector<2x128xf32>
          %get3A_165 = arith.index_cast %add3A_160 : i32 to index
          %get3A_166 = arith.constant 0 : index
          %get3A_167 = tpu.vector_load %arg15[%get3A_165, %get3A_166] {strides = array<i32>} : memref<80x128xbf16, #tpu.memory_space<vmem>>, vector<2x128xbf16>,
          %get3A_168 = vector.shape_cast %get3A_167 : vector<2x128xbf16> to vector<2x128xbf16>
          %convert_element_type3A_169 = arith.extf %get3A_168 : vector<2x128xbf16> to vector<2x128xf32>
          %mul3A_170 = arith.mulf %get3A_164, %convert_element_type3A_169 : vector<2x128xf32>
          %swap3A_171 = arith.index_cast %add3A_160 : i32 to index
          %swap3A_172 = arith.constant 0 : index
          %swap3A_173 = tpu.vector_load %arg13[%swap3A_171, %swap3A_172] {strides = array<i32>} : memref<80x128xf32, #tpu.memory_space<vmem>>, vector<2x128xf32>,
          %swap3A_174 = vector.shape_cast %swap3A_173 : vector<2x128xf32> to vector<2x128xf32>
          %swap3A_175 = vector.shape_cast %mul3A_170 : vector<2x128xf32> to vector<2x128xf32>
          tpu.vector_store %arg13[%swap3A_171, %swap3A_172], %swap3A_175 {strides = array<i32>} : memref<80x128xf32, #tpu.memory_space<vmem>>, vector<2x128xf32>,
        }
        %scan3A_138 = arith.constant 40 : i32
        %get3A_139 = arith.constant 0 : index
        %get3A_140 = tpu.vector_load %arg9[%get3A_139] {strides = array<i32>} : memref<80xi32, #tpu.memory_space<vmem>>, vector<80xi32>,
        %get3A_141 = vector.shape_cast %get3A_140 : vector<80xi32> to vector<80xi32>
        %swap3A_142 = arith.constant 0 : index
        %swap3A_143 = tpu.vector_load %arg17[%swap3A_142] {strides = array<i32>} : memref<80xi32, #tpu.memory_space<vmem>>, vector<80xi32>,
        %swap3A_144 = vector.shape_cast %swap3A_143 : vector<80xi32> to vector<80xi32>
        %swap3A_145 = vector.shape_cast %get3A_141 : vector<80xi32> to vector<80xi32>
        tpu.vector_store %arg17[%swap3A_142], %swap3A_145 {strides = array<i32>} : memref<80xi32, #tpu.memory_space<vmem>>, vector<80xi32>,
        %dma_start3A_146 = arith.constant 0 : i32
        %dma_start3A_147 = arith.constant 0 : i32
        %dma_start3A_148 = tpu.memref_slice %arg18[%dma_start3A_146, %dma_start3A_147] : memref<10000x128xf32, #tpu.memory_space<vmem_shared>> -> memref<10000x128xf32, #tpu.memory_space<vmem_shared>>
        tpu.enqueue_indirect_dma source(%arg13 : memref<80x128xf32, #tpu.memory_space<vmem>>) target(%dma_start3A_148 : memref<10000x128xf32, #tpu.memory_space<vmem_shared>>) offsets(%arg17 : memref<80xi32, #tpu.memory_space<vmem>>) semaphore(%arg21 : memref<!tpu.dma_semaphore, #tpu.memory_space<semaphore_mem>>) {add = true}
        %add3A_149 = arith.constant 2 : i32
        %add3A_150 = arith.addi %add3A_114, %add3A_149 : i32
        %lt3A_151 = arith.constant 125 : i32
        %lt3A_152 = arith.cmpi slt, %add3A_150, %lt3A_151 : i32
        %convert_element_type3A_153 = arith.extui %lt3A_152 : i1 to i32
        %cond3A_154 = arith.constant 0 : i32
        %cond3A_155 = arith.cmpi ne, %convert_element_type3A_153, %cond3A_154 : i32
        scf.if %cond3A_155 {
          %add3A_156 = arith.constant 2 : i32
          %add3A_157 = arith.addi %add3A_114, %add3A_156 : i32
          %mul3A_158 = arith.constant 80 : i32
          %mul3A_159 = arith.muli %add3A_157, %mul3A_158 : i32
          %add3A_160 = arith.addi %mul3A_6, %mul3A_159 : i32
          %dma_start3A_161 = tpu.memref_slice %arg4[%add3A_160] : memref<320000xi32, #tpu.memory_space<hbm>> -> memref<80xi32, #tpu.memory_space<hbm>>
          %dma_start3A_162 = tpu.memref_slice %arg4[%add3A_160] : memref<320000xi32, #tpu.memory_space<hbm>> -> memref<80xi32, #tpu.memory_space<hbm>>
          tpu.enqueue_dma source(%dma_start3A_162 : memref<80xi32, #tpu.memory_space<hbm>>) target(%arg9 : memref<80xi32, #tpu.memory_space<vmem>>) target_semaphore(%arg19 : memref<!tpu.dma_semaphore, #tpu.memory_space<semaphore_mem>>)
          %dma_start3A_163 = tpu.memref_slice %arg5[%add3A_160] : memref<320000xi32, #tpu.memory_space<hbm>> -> memref<80xi32, #tpu.memory_space<hbm>>
          %dma_start3A_164 = tpu.memref_slice %arg5[%add3A_160] : memref<320000xi32, #tpu.memory_space<hbm>> -> memref<80xi32, #tpu.memory_space<hbm>>
          tpu.enqueue_dma source(%dma_start3A_164 : memref<80xi32, #tpu.memory_space<hbm>>) target(%arg11 : memref<80xi32, #tpu.memory_space<vmem>>) target_semaphore(%arg19 : memref<!tpu.dma_semaphore, #tpu.memory_space<semaphore_mem>>)
        } else {
        }
      } else {
      }
    }
    %scan3A_37 = arith.constant 63 : i32
    %dma_wait3A_38 = arith.constant 0 : i32
    %dma_wait3A_39 = arith.constant 0 : i32
    %dma_wait3A_40 = tpu.memref_slice %arg2[%dma_wait3A_38, %dma_wait3A_39] : memref<10000x128xf32, #tpu.memory_space<hbm>> -> memref<80x128xf32, #tpu.memory_space<hbm>>
    %dma_wait3A_41 = arith.constant 0 : i32
    %dma_wait3A_42 = arith.constant 0 : i32
    %dma_wait3A_43 = tpu.memref_slice %arg2[%dma_wait3A_41, %dma_wait3A_42] : memref<10000x128xf32, #tpu.memory_space<hbm>> -> memref<80x128xf32, #tpu.memory_space<hbm>>
    tpu.wait_dma2 semaphore(%arg21 : memref<!tpu.dma_semaphore, #tpu.memory_space<semaphore_mem>>) src(%dma_wait3A_43 : memref<80x128xf32, #tpu.memory_space<hbm>>) dst(%arg12 : memref<80x128xf32, #tpu.memory_space<vmem>>)
    %dma_wait3A_44 = arith.constant 0 : i32
    %dma_wait3A_45 = arith.constant 0 : i32
    %dma_wait3A_46 = tpu.memref_slice %arg2[%dma_wait3A_44, %dma_wait3A_45] : memref<10000x128xf32, #tpu.memory_space<hbm>> -> memref<80x128xf32, #tpu.memory_space<hbm>>
    %dma_wait3A_47 = arith.constant 0 : i32
    %dma_wait3A_48 = arith.constant 0 : i32
    %dma_wait3A_49 = tpu.memref_slice %arg2[%dma_wait3A_47, %dma_wait3A_48] : memref<10000x128xf32, #tpu.memory_space<hbm>> -> memref<80x128xf32, #tpu.memory_space<hbm>>
    tpu.wait_dma2 semaphore(%arg21 : memref<!tpu.dma_semaphore, #tpu.memory_space<semaphore_mem>>) src(%dma_wait3A_49 : memref<80x128xf32, #tpu.memory_space<hbm>>) dst(%arg13 : memref<80x128xf32, #tpu.memory_space<vmem>>)
    %barrier3A_50 = arith.constant 0 : index
    tpu.barrier barrier_id(%barrier3A_50)
    %mul3A_51 = arith.constant 624 : i32
    %mul3A_52 = arith.muli %arg1, %mul3A_51 : i32
    %mul3A_53 = arith.constant 10000 : i32
    %mul3A_54 = arith.muli %arg0, %mul3A_53 : i32
    %mul3A_55 = arith.constant 624 : i32
    %mul3A_56 = arith.muli %arg1, %mul3A_55 : i32
    %add3A_57 = arith.addi %mul3A_54, %mul3A_56 : i32
    "tpu.region"() ({
      %run_scoped3A = tpu.sem_alloc : memref<!tpu.dma_semaphore, #tpu.memory_space<semaphore_mem>>
      %dma_start3A_63 = arith.constant 0 : i32
      %dma_start3A_64 = tpu.memref_slice %arg7[%add3A_57, %dma_start3A_63] : memref<20000x128xf32, #tpu.memory_space<hbm>> -> memref<624x128xf32, #tpu.memory_space<hbm>>
      %dma_start3A_65 = arith.constant 0 : i32
      %dma_start3A_66 = tpu.memref_slice %arg18[%mul3A_52, %dma_start3A_65] : memref<10000x128xf32, #tpu.memory_space<vmem_shared>> -> memref<624x128xf32, #tpu.memory_space<vmem_shared>>
      tpu.enqueue_dma source(%dma_start3A_66 : memref<624x128xf32, #tpu.memory_space<vmem_shared>>) target(%dma_start3A_64 : memref<624x128xf32, #tpu.memory_space<hbm>>) target_semaphore(%run_scoped3A : memref<!tpu.dma_semaphore, #tpu.memory_space<semaphore_mem>>)
      %dma_wait3A_67 = arith.constant 0 : i32
      %dma_wait3A_68 = tpu.memref_slice %arg7[%add3A_57, %dma_wait3A_67] : memref<20000x128xf32, #tpu.memory_space<hbm>> -> memref<624x128xf32, #tpu.memory_space<hbm>>
      %dma_wait3A_69 = arith.constant 0 : i32
      %dma_wait3A_70 = tpu.memref_slice %arg18[%mul3A_52, %dma_wait3A_69] : memref<10000x128xf32, #tpu.memory_space<vmem_shared>> -> memref<624x128xf32, #tpu.memory_space<vmem_shared>>
      tpu.wait_dma2 semaphore(%run_scoped3A : memref<!tpu.dma_semaphore, #tpu.memory_space<semaphore_mem>>) src(%dma_wait3A_70 : memref<624x128xf32, #tpu.memory_space<vmem_shared>>) dst(%dma_wait3A_68 : memref<624x128xf32, #tpu.memory_space<hbm>>)
      tpu.yield
    }) : () -> ()
    %eq3A_58 = arith.constant 15 : i32
    %eq3A_59 = arith.cmpi eq, %arg1, %eq3A_58 : i32
    %convert_element_type3A_60 = arith.extui %eq3A_59 : i1 to i32
    %cond3A_61 = arith.constant 0 : i32
    %cond3A_62 = arith.cmpi ne, %convert_element_type3A_60, %cond3A_61 : i32
    scf.if %cond3A_62 {
      %mul3A_63 = arith.constant 10000 : i32
      %mul3A_64 = arith.muli %arg0, %mul3A_63 : i32
      %add3A_65 = arith.constant 9984 : i32
      %add3A_66 = arith.addi %mul3A_64, %add3A_65 : i32
      "tpu.region"() ({
        %run_scoped3A = tpu.sem_alloc : memref<!tpu.dma_semaphore, #tpu.memory_space<semaphore_mem>>
        %dma_start3A_67 = arith.constant 0 : i32
        %dma_start3A_68 = tpu.memref_slice %arg7[%add3A_66, %dma_start3A_67] : memref<20000x128xf32, #tpu.memory_space<hbm>> -> memref<16x128xf32, #tpu.memory_space<hbm>>
        %dma_start3A_69 = arith.constant 9984 : i32
        %dma_start3A_70 = arith.constant 0 : i32
        %dma_start3A_71 = tpu.memref_slice %arg18[%dma_start3A_69, %dma_start3A_70] : memref<10000x128xf32, #tpu.memory_space<vmem_shared>> -> memref<16x128xf32, #tpu.memory_space<vmem_shared>>
        tpu.enqueue_dma source(%dma_start3A_71 : memref<16x128xf32, #tpu.memory_space<vmem_shared>>) target(%dma_start3A_68 : memref<16x128xf32, #tpu.memory_space<hbm>>) target_semaphore(%run_scoped3A : memref<!tpu.dma_semaphore, #tpu.memory_space<semaphore_mem>>)
        %dma_wait3A_72 = arith.constant 0 : i32
        %dma_wait3A_73 = tpu.memref_slice %arg7[%add3A_66, %dma_wait3A_72] : memref<20000x128xf32, #tpu.memory_space<hbm>> -> memref<16x128xf32, #tpu.memory_space<hbm>>
        %dma_wait3A_74 = arith.constant 9984 : i32
        %dma_wait3A_75 = arith.constant 0 : i32
        %dma_wait3A_76 = tpu.memref_slice %arg18[%dma_wait3A_74, %dma_wait3A_75] : memref<10000x128xf32, #tpu.memory_space<vmem_shared>> -> memref<16x128xf32, #tpu.memory_space<vmem_shared>>
        tpu.wait_dma2 semaphore(%run_scoped3A : memref<!tpu.dma_semaphore, #tpu.memory_space<semaphore_mem>>) src(%dma_wait3A_76 : memref<16x128xf32, #tpu.memory_space<vmem_shared>>) dst(%dma_wait3A_73 : memref<16x128xf32, #tpu.memory_space<hbm>>)
        tpu.yield
      }) : () -> ()
    } else {
    }
    return
  }
}

#map = affine_map<(d0, d1) -> (0, 0)>
#map1 = affine_map<(d0, d1) -> (0)>
module attributes {stable_mosaic.version = 14 : i64} {
  func.func @sc_kernel(%arg0: i32, %arg1: i32, %arg2: memref<10000x128xf32, #tpu.memory_space<hbm>>, %arg3: memref<320000xi32, #tpu.memory_space<hbm>>, %arg4: memref<320000xi32, #tpu.memory_space<hbm>>, %arg5: memref<320000x32xf32, #tpu.memory_space<hbm>>, %arg6: memref<80xi32, #tpu.memory_space<vmem>>, %arg7: memref<80xi32, #tpu.memory_space<vmem>>, %arg8: memref<80xi32, #tpu.memory_space<vmem>>, %arg9: memref<80xi32, #tpu.memory_space<vmem>>, %arg10: memref<80x128xf32, #tpu.memory_space<vmem>>, %arg11: memref<80x128xf32, #tpu.memory_space<vmem>>, %arg12: memref<80x128xf32, #tpu.memory_space<vmem>>, %arg13: memref<80x128xf32, #tpu.memory_space<vmem>>, %arg14: memref<80x32xf32, #tpu.memory_space<vmem>>, %arg15: memref<80x32xf32, #tpu.memory_space<vmem>>, %arg16: memref<!tpu.dma_semaphore, #tpu.memory_space<semaphore_mem>>, %arg17: memref<!tpu.dma_semaphore, #tpu.memory_space<semaphore_mem>>, %arg18: memref<!tpu.dma_semaphore, #tpu.memory_space<semaphore_mem>>) attributes {dimension_semantics = [#tpu.dimension_semantics<core_parallel>, #tpu.dimension_semantics<subcore_parallel>], iteration_bounds = array<i64: 2, 16>, scalar_prefetch = 0 : i64, scratch_operands = 13 : i64, tpu.core_type = #tpu.core_type<sc_vector_subcore>, window_params = [{transform_indices = #map}, {transform_indices = #map1}, {transform_indices = #map1}, {transform_indices = #map}]} {
    %mul3A = arith.constant 16 : i32
    %mul3A_0 = arith.muli %arg0, %mul3A : i32
    %add3A = arith.addi %mul3A_0, %arg1 : i32
    %mul3A_1 = arith.constant 10000 : i32
    %mul3A_2 = arith.muli %add3A, %mul3A_1 : i32
    %add3A_3 = arith.constant 0 : i32
    %add3A_4 = arith.addi %mul3A_2, %add3A_3 : i32
    %dma_start3A = tpu.memref_slice %arg3[%add3A_4] : memref<320000xi32, #tpu.memory_space<hbm>> -> memref<80xi32, #tpu.memory_space<hbm>>
    %dma_start3A_5 = tpu.memref_slice %arg3[%add3A_4] : memref<320000xi32, #tpu.memory_space<hbm>> -> memref<80xi32, #tpu.memory_space<hbm>>
    tpu.enqueue_dma source(%dma_start3A_5 : memref<80xi32, #tpu.memory_space<hbm>>) target(%arg6 : memref<80xi32, #tpu.memory_space<vmem>>) target_semaphore(%arg16 : memref<!tpu.dma_semaphore, #tpu.memory_space<semaphore_mem>>)
    %dma_start3A_6 = tpu.memref_slice %arg4[%add3A_4] : memref<320000xi32, #tpu.memory_space<hbm>> -> memref<80xi32, #tpu.memory_space<hbm>>
    %dma_start3A_7 = tpu.memref_slice %arg4[%add3A_4] : memref<320000xi32, #tpu.memory_space<hbm>> -> memref<80xi32, #tpu.memory_space<hbm>>
    tpu.enqueue_dma source(%dma_start3A_7 : memref<80xi32, #tpu.memory_space<hbm>>) target(%arg8 : memref<80xi32, #tpu.memory_space<vmem>>) target_semaphore(%arg16 : memref<!tpu.dma_semaphore, #tpu.memory_space<semaphore_mem>>)
    %add3A_8 = arith.constant 80 : i32
    %add3A_9 = arith.addi %mul3A_2, %add3A_8 : i32
    %dma_start3A_10 = tpu.memref_slice %arg3[%add3A_9] : memref<320000xi32, #tpu.memory_space<hbm>> -> memref<80xi32, #tpu.memory_space<hbm>>
    %dma_start3A_11 = tpu.memref_slice %arg3[%add3A_9] : memref<320000xi32, #tpu.memory_space<hbm>> -> memref<80xi32, #tpu.memory_space<hbm>>
    tpu.enqueue_dma source(%dma_start3A_11 : memref<80xi32, #tpu.memory_space<hbm>>) target(%arg7 : memref<80xi32, #tpu.memory_space<vmem>>) target_semaphore(%arg16 : memref<!tpu.dma_semaphore, #tpu.memory_space<semaphore_mem>>)
    %dma_start3A_12 = tpu.memref_slice %arg4[%add3A_9] : memref<320000xi32, #tpu.memory_space<hbm>> -> memref<80xi32, #tpu.memory_space<hbm>>
    %dma_start3A_13 = tpu.memref_slice %arg4[%add3A_9] : memref<320000xi32, #tpu.memory_space<hbm>> -> memref<80xi32, #tpu.memory_space<hbm>>
    tpu.enqueue_dma source(%dma_start3A_13 : memref<80xi32, #tpu.memory_space<hbm>>) target(%arg9 : memref<80xi32, #tpu.memory_space<vmem>>) target_semaphore(%arg16 : memref<!tpu.dma_semaphore, #tpu.memory_space<semaphore_mem>>)
    %dma_wait3A = arith.constant 0 : i32
    %dma_wait3A_14 = tpu.memref_slice %arg3[%dma_wait3A] : memref<320000xi32, #tpu.memory_space<hbm>> -> memref<80xi32, #tpu.memory_space<hbm>>
    %dma_wait3A_15 = arith.constant 0 : i32
    %dma_wait3A_16 = tpu.memref_slice %arg3[%dma_wait3A_15] : memref<320000xi32, #tpu.memory_space<hbm>> -> memref<80xi32, #tpu.memory_space<hbm>>
    tpu.wait_dma2 semaphore(%arg16 : memref<!tpu.dma_semaphore, #tpu.memory_space<semaphore_mem>>) src(%dma_wait3A_16 : memref<80xi32, #tpu.memory_space<hbm>>) dst(%arg6 : memref<80xi32, #tpu.memory_space<vmem>>)
    %dma_wait3A_17 = arith.constant 0 : i32
    %dma_wait3A_18 = tpu.memref_slice %arg4[%dma_wait3A_17] : memref<320000xi32, #tpu.memory_space<hbm>> -> memref<80xi32, #tpu.memory_space<hbm>>
    %dma_wait3A_19 = arith.constant 0 : i32
    %dma_wait3A_20 = tpu.memref_slice %arg4[%dma_wait3A_19] : memref<320000xi32, #tpu.memory_space<hbm>> -> memref<80xi32, #tpu.memory_space<hbm>>
    tpu.wait_dma2 semaphore(%arg16 : memref<!tpu.dma_semaphore, #tpu.memory_space<semaphore_mem>>) src(%dma_wait3A_20 : memref<80xi32, #tpu.memory_space<hbm>>) dst(%arg8 : memref<80xi32, #tpu.memory_space<vmem>>)
    %dma_start3A_21 = arith.constant 0 : i32
    %dma_start3A_22 = arith.constant 0 : i32
    %dma_start3A_23 = tpu.memref_slice %arg2[%dma_start3A_21, %dma_start3A_22] : memref<10000x128xf32, #tpu.memory_space<hbm>> -> memref<10000x128xf32, #tpu.memory_space<hbm>>
    tpu.enqueue_indirect_dma source(%dma_start3A_23 : memref<10000x128xf32, #tpu.memory_space<hbm>>) target(%arg10 : memref<80x128xf32, #tpu.memory_space<vmem>>) offsets(%arg6 : memref<80xi32, #tpu.memory_space<vmem>>) semaphore(%arg17 : memref<!tpu.dma_semaphore, #tpu.memory_space<semaphore_mem>>)
    %dma_start3A_24 = arith.constant 0 : i32
    %dma_start3A_25 = arith.constant 0 : i32
    %dma_start3A_26 = tpu.memref_slice %arg2[%dma_start3A_24, %dma_start3A_25] : memref<10000x128xf32, #tpu.memory_space<hbm>> -> memref<10000x128xf32, #tpu.memory_space<hbm>>
    tpu.enqueue_indirect_dma source(%dma_start3A_26 : memref<10000x128xf32, #tpu.memory_space<hbm>>) target(%arg12 : memref<80x128xf32, #tpu.memory_space<vmem>>) offsets(%arg8 : memref<80xi32, #tpu.memory_space<vmem>>) semaphore(%arg17 : memref<!tpu.dma_semaphore, #tpu.memory_space<semaphore_mem>>)
    %scan3A = arith.constant 0 : i32
    %scan3A_27 = arith.constant 63 : i32
    %scan3A_28 = arith.addi %scan3A, %scan3A_27 : i32
    %scan3A_29 = arith.constant 1 : i32
    scf.for %scan3A_43 = %scan3A to %scan3A_28 step %scan3A_29  : i32 {
      %mul3A_44 = arith.constant 2 : i32
      %mul3A_45 = arith.muli %scan3A_43, %mul3A_44 : i32
      %add3A_46 = arith.constant 0 : i32
      %add3A_47 = arith.addi %add3A_46, %mul3A_45 : i32
      %add3A_48 = arith.constant 1 : i32
      %add3A_49 = arith.addi %add3A_47, %add3A_48 : i32
      %lt3A = arith.constant 125 : i32
      %lt3A_50 = arith.cmpi slt, %add3A_49, %lt3A : i32
      %convert_element_type3A = arith.extui %lt3A_50 : i1 to i32
      %cond3A = arith.constant 0 : i32
      %cond3A_51 = arith.cmpi ne, %convert_element_type3A, %cond3A : i32
      scf.if %cond3A_51 {
        %dma_wait3A_97 = arith.constant 0 : i32
        %dma_wait3A_98 = tpu.memref_slice %arg3[%dma_wait3A_97] : memref<320000xi32, #tpu.memory_space<hbm>> -> memref<80xi32, #tpu.memory_space<hbm>>
        %dma_wait3A_99 = arith.constant 0 : i32
        %dma_wait3A_100 = tpu.memref_slice %arg3[%dma_wait3A_99] : memref<320000xi32, #tpu.memory_space<hbm>> -> memref<80xi32, #tpu.memory_space<hbm>>
        tpu.wait_dma2 semaphore(%arg16 : memref<!tpu.dma_semaphore, #tpu.memory_space<semaphore_mem>>) src(%dma_wait3A_100 : memref<80xi32, #tpu.memory_space<hbm>>) dst(%arg7 : memref<80xi32, #tpu.memory_space<vmem>>)
        %dma_wait3A_101 = arith.constant 0 : i32
        %dma_wait3A_102 = tpu.memref_slice %arg4[%dma_wait3A_101] : memref<320000xi32, #tpu.memory_space<hbm>> -> memref<80xi32, #tpu.memory_space<hbm>>
        %dma_wait3A_103 = arith.constant 0 : i32
        %dma_wait3A_104 = tpu.memref_slice %arg4[%dma_wait3A_103] : memref<320000xi32, #tpu.memory_space<hbm>> -> memref<80xi32, #tpu.memory_space<hbm>>
        tpu.wait_dma2 semaphore(%arg16 : memref<!tpu.dma_semaphore, #tpu.memory_space<semaphore_mem>>) src(%dma_wait3A_104 : memref<80xi32, #tpu.memory_space<hbm>>) dst(%arg9 : memref<80xi32, #tpu.memory_space<vmem>>)
        %ge3A = arith.constant 1 : i32
        %ge3A_105 = arith.cmpi sge, %add3A_47, %ge3A : i32
        %convert_element_type3A_106 = arith.extui %ge3A_105 : i1 to i32
        %cond3A_107 = arith.constant 0 : i32
        %cond3A_108 = arith.cmpi ne, %convert_element_type3A_106, %cond3A_107 : i32
        scf.if %cond3A_108 {
          %dma_wait3A_115 = arith.constant 0 : i32
          %dma_wait3A_116 = arith.constant 0 : i32
          %dma_wait3A_117 = tpu.memref_slice %arg5[%dma_wait3A_115, %dma_wait3A_116] : memref<320000x32xf32, #tpu.memory_space<hbm>> -> memref<80x32xf32, #tpu.memory_space<hbm>>
          %dma_wait3A_118 = arith.constant 0 : i32
          %dma_wait3A_119 = arith.constant 0 : i32
          %dma_wait3A_120 = tpu.memref_slice %arg5[%dma_wait3A_118, %dma_wait3A_119] : memref<320000x32xf32, #tpu.memory_space<hbm>> -> memref<80x32xf32, #tpu.memory_space<hbm>>
          tpu.wait_dma2 semaphore(%arg18 : memref<!tpu.dma_semaphore, #tpu.memory_space<semaphore_mem>>) src(%dma_wait3A_120 : memref<80x32xf32, #tpu.memory_space<hbm>>) dst(%arg15 : memref<80x32xf32, #tpu.memory_space<vmem>>)
        } else {
        }
        %dma_start3A_109 = arith.constant 0 : i32
        %dma_start3A_110 = arith.constant 0 : i32
        %dma_start3A_111 = tpu.memref_slice %arg2[%dma_start3A_109, %dma_start3A_110] : memref<10000x128xf32, #tpu.memory_space<hbm>> -> memref<10000x128xf32, #tpu.memory_space<hbm>>
        tpu.enqueue_indirect_dma source(%dma_start3A_111 : memref<10000x128xf32, #tpu.memory_space<hbm>>) target(%arg11 : memref<80x128xf32, #tpu.memory_space<vmem>>) offsets(%arg7 : memref<80xi32, #tpu.memory_space<vmem>>) semaphore(%arg17 : memref<!tpu.dma_semaphore, #tpu.memory_space<semaphore_mem>>)
        %dma_start3A_112 = arith.constant 0 : i32
        %dma_start3A_113 = arith.constant 0 : i32
        %dma_start3A_114 = tpu.memref_slice %arg2[%dma_start3A_112, %dma_start3A_113] : memref<10000x128xf32, #tpu.memory_space<hbm>> -> memref<10000x128xf32, #tpu.memory_space<hbm>>
        tpu.enqueue_indirect_dma source(%dma_start3A_114 : memref<10000x128xf32, #tpu.memory_space<hbm>>) target(%arg13 : memref<80x128xf32, #tpu.memory_space<vmem>>) offsets(%arg9 : memref<80xi32, #tpu.memory_space<vmem>>) semaphore(%arg17 : memref<!tpu.dma_semaphore, #tpu.memory_space<semaphore_mem>>)
      } else {
      }
      %dma_wait3A_52 = arith.constant 0 : i32
      %dma_wait3A_53 = arith.constant 0 : i32
      %dma_wait3A_54 = tpu.memref_slice %arg2[%dma_wait3A_52, %dma_wait3A_53] : memref<10000x128xf32, #tpu.memory_space<hbm>> -> memref<80x128xf32, #tpu.memory_space<hbm>>
      %dma_wait3A_55 = arith.constant 0 : i32
      %dma_wait3A_56 = arith.constant 0 : i32
      %dma_wait3A_57 = tpu.memref_slice %arg2[%dma_wait3A_55, %dma_wait3A_56] : memref<10000x128xf32, #tpu.memory_space<hbm>> -> memref<80x128xf32, #tpu.memory_space<hbm>>
      tpu.wait_dma2 semaphore(%arg17 : memref<!tpu.dma_semaphore, #tpu.memory_space<semaphore_mem>>) src(%dma_wait3A_57 : memref<80x128xf32, #tpu.memory_space<hbm>>) dst(%arg10 : memref<80x128xf32, #tpu.memory_space<vmem>>)
      %dma_wait3A_58 = arith.constant 0 : i32
      %dma_wait3A_59 = arith.constant 0 : i32
      %dma_wait3A_60 = tpu.memref_slice %arg2[%dma_wait3A_58, %dma_wait3A_59] : memref<10000x128xf32, #tpu.memory_space<hbm>> -> memref<80x128xf32, #tpu.memory_space<hbm>>
      %dma_wait3A_61 = arith.constant 0 : i32
      %dma_wait3A_62 = arith.constant 0 : i32
      %dma_wait3A_63 = tpu.memref_slice %arg2[%dma_wait3A_61, %dma_wait3A_62] : memref<10000x128xf32, #tpu.memory_space<hbm>> -> memref<80x128xf32, #tpu.memory_space<hbm>>
      tpu.wait_dma2 semaphore(%arg17 : memref<!tpu.dma_semaphore, #tpu.memory_space<semaphore_mem>>) src(%dma_wait3A_63 : memref<80x128xf32, #tpu.memory_space<hbm>>) dst(%arg12 : memref<80x128xf32, #tpu.memory_space<vmem>>)
      %get3A = arith.constant 0 : index
      %get3A_64 = arith.constant 0 : index
      %get3A_65 = tpu.vector_load %arg10[%get3A, %get3A_64] {strides = array<i32>} : memref<80x128xf32, #tpu.memory_space<vmem>>, vector<80x32xf32>,
      %get3A_66 = vector.shape_cast %get3A_65 : vector<80x32xf32> to vector<80x32xf32>
      %get3A_67 = arith.constant 0 : index
      %get3A_68 = arith.constant 32 : index
      %get3A_69 = tpu.vector_load %arg12[%get3A_67, %get3A_68] {strides = array<i32>} : memref<80x128xf32, #tpu.memory_space<vmem>>, vector<80x32xf32>,
      %get3A_70 = vector.shape_cast %get3A_69 : vector<80x32xf32> to vector<80x32xf32>
      %add3A_71 = arith.addf %get3A_66, %get3A_70 : vector<80x32xf32>
      %swap3A = arith.constant 0 : index
      %swap3A_72 = arith.constant 0 : index
      %swap3A_73 = tpu.vector_load %arg14[%swap3A, %swap3A_72] {strides = array<i32>} : memref<80x32xf32, #tpu.memory_space<vmem>>, vector<80x32xf32>,
      %swap3A_74 = vector.shape_cast %swap3A_73 : vector<80x32xf32> to vector<80x32xf32>
      %swap3A_75 = vector.shape_cast %add3A_71 : vector<80x32xf32> to vector<80x32xf32>
      tpu.vector_store %arg14[%swap3A, %swap3A_72], %swap3A_75 {strides = array<i32>} : memref<80x32xf32, #tpu.memory_space<vmem>>, vector<80x32xf32>,
      %mul3A_76 = arith.constant 80 : i32
      %mul3A_77 = arith.muli %add3A_47, %mul3A_76 : i32
      %add3A_78 = arith.addi %mul3A_2, %mul3A_77 : i32
      %dma_start3A_79 = arith.constant 0 : i32
      %dma_start3A_80 = tpu.memref_slice %arg5[%add3A_78, %dma_start3A_79] : memref<320000x32xf32, #tpu.memory_space<hbm>> -> memref<80x32xf32, #tpu.memory_space<hbm>>
      %dma_start3A_81 = arith.constant 0 : i32
      %dma_start3A_82 = tpu.memref_slice %arg5[%add3A_78, %dma_start3A_81] : memref<320000x32xf32, #tpu.memory_space<hbm>> -> memref<80x32xf32, #tpu.memory_space<hbm>>
      tpu.enqueue_dma source(%arg14 : memref<80x32xf32, #tpu.memory_space<vmem>>) target(%dma_start3A_82 : memref<80x32xf32, #tpu.memory_space<hbm>>) target_semaphore(%arg18 : memref<!tpu.dma_semaphore, #tpu.memory_space<semaphore_mem>>)
      %add3A_83 = arith.constant 2 : i32
      %add3A_84 = arith.addi %add3A_47, %add3A_83 : i32
      %lt3A_85 = arith.constant 125 : i32
      %lt3A_86 = arith.cmpi slt, %add3A_84, %lt3A_85 : i32
      %convert_element_type3A_87 = arith.extui %lt3A_86 : i1 to i32
      %cond3A_88 = arith.constant 0 : i32
      %cond3A_89 = arith.cmpi ne, %convert_element_type3A_87, %cond3A_88 : i32
      scf.if %cond3A_89 {
        %add3A_97 = arith.constant 2 : i32
        %add3A_98 = arith.addi %add3A_47, %add3A_97 : i32
        %mul3A_99 = arith.constant 80 : i32
        %mul3A_100 = arith.muli %add3A_98, %mul3A_99 : i32
        %add3A_101 = arith.addi %mul3A_2, %mul3A_100 : i32
        %dma_start3A_102 = tpu.memref_slice %arg3[%add3A_101] : memref<320000xi32, #tpu.memory_space<hbm>> -> memref<80xi32, #tpu.memory_space<hbm>>
        %dma_start3A_103 = tpu.memref_slice %arg3[%add3A_101] : memref<320000xi32, #tpu.memory_space<hbm>> -> memref<80xi32, #tpu.memory_space<hbm>>
        tpu.enqueue_dma source(%dma_start3A_103 : memref<80xi32, #tpu.memory_space<hbm>>) target(%arg6 : memref<80xi32, #tpu.memory_space<vmem>>) target_semaphore(%arg16 : memref<!tpu.dma_semaphore, #tpu.memory_space<semaphore_mem>>)
        %dma_start3A_104 = tpu.memref_slice %arg4[%add3A_101] : memref<320000xi32, #tpu.memory_space<hbm>> -> memref<80xi32, #tpu.memory_space<hbm>>
        %dma_start3A_105 = tpu.memref_slice %arg4[%add3A_101] : memref<320000xi32, #tpu.memory_space<hbm>> -> memref<80xi32, #tpu.memory_space<hbm>>
        tpu.enqueue_dma source(%dma_start3A_105 : memref<80xi32, #tpu.memory_space<hbm>>) target(%arg8 : memref<80xi32, #tpu.memory_space<vmem>>) target_semaphore(%arg16 : memref<!tpu.dma_semaphore, #tpu.memory_space<semaphore_mem>>)
      } else {
      }
      %add3A_90 = arith.constant 1 : i32
      %add3A_91 = arith.addi %add3A_47, %add3A_90 : i32
      %lt3A_92 = arith.constant 125 : i32
      %lt3A_93 = arith.cmpi slt, %add3A_91, %lt3A_92 : i32
      %convert_element_type3A_94 = arith.extui %lt3A_93 : i1 to i32
      %cond3A_95 = arith.constant 0 : i32
      %cond3A_96 = arith.cmpi ne, %convert_element_type3A_94, %cond3A_95 : i32
      scf.if %cond3A_96 {
        %add3A_97 = arith.constant 1 : i32
        %add3A_98 = arith.addi %add3A_47, %add3A_97 : i32
        %add3A_99 = arith.constant 1 : i32
        %add3A_100 = arith.addi %add3A_98, %add3A_99 : i32
        %lt3A_101 = arith.constant 125 : i32
        %lt3A_102 = arith.cmpi slt, %add3A_100, %lt3A_101 : i32
        %convert_element_type3A_103 = arith.extui %lt3A_102 : i1 to i32
        %cond3A_104 = arith.constant 0 : i32
        %cond3A_105 = arith.cmpi ne, %convert_element_type3A_103, %cond3A_104 : i32
        scf.if %cond3A_105 {
          %dma_wait3A_146 = arith.constant 0 : i32
          %dma_wait3A_147 = tpu.memref_slice %arg3[%dma_wait3A_146] : memref<320000xi32, #tpu.memory_space<hbm>> -> memref<80xi32, #tpu.memory_space<hbm>>
          %dma_wait3A_148 = arith.constant 0 : i32
          %dma_wait3A_149 = tpu.memref_slice %arg3[%dma_wait3A_148] : memref<320000xi32, #tpu.memory_space<hbm>> -> memref<80xi32, #tpu.memory_space<hbm>>
          tpu.wait_dma2 semaphore(%arg16 : memref<!tpu.dma_semaphore, #tpu.memory_space<semaphore_mem>>) src(%dma_wait3A_149 : memref<80xi32, #tpu.memory_space<hbm>>) dst(%arg6 : memref<80xi32, #tpu.memory_space<vmem>>)
          %dma_wait3A_150 = arith.constant 0 : i32
          %dma_wait3A_151 = tpu.memref_slice %arg4[%dma_wait3A_150] : memref<320000xi32, #tpu.memory_space<hbm>> -> memref<80xi32, #tpu.memory_space<hbm>>
          %dma_wait3A_152 = arith.constant 0 : i32
          %dma_wait3A_153 = tpu.memref_slice %arg4[%dma_wait3A_152] : memref<320000xi32, #tpu.memory_space<hbm>> -> memref<80xi32, #tpu.memory_space<hbm>>
          tpu.wait_dma2 semaphore(%arg16 : memref<!tpu.dma_semaphore, #tpu.memory_space<semaphore_mem>>) src(%dma_wait3A_153 : memref<80xi32, #tpu.memory_space<hbm>>) dst(%arg8 : memref<80xi32, #tpu.memory_space<vmem>>)
          %ge3A = arith.constant 1 : i32
          %ge3A_154 = arith.cmpi sge, %add3A_98, %ge3A : i32
          %convert_element_type3A_155 = arith.extui %ge3A_154 : i1 to i32
          %cond3A_156 = arith.constant 0 : i32
          %cond3A_157 = arith.cmpi ne, %convert_element_type3A_155, %cond3A_156 : i32
          scf.if %cond3A_157 {
            %dma_wait3A_164 = arith.constant 0 : i32
            %dma_wait3A_165 = arith.constant 0 : i32
            %dma_wait3A_166 = tpu.memref_slice %arg5[%dma_wait3A_164, %dma_wait3A_165] : memref<320000x32xf32, #tpu.memory_space<hbm>> -> memref<80x32xf32, #tpu.memory_space<hbm>>
            %dma_wait3A_167 = arith.constant 0 : i32
            %dma_wait3A_168 = arith.constant 0 : i32
            %dma_wait3A_169 = tpu.memref_slice %arg5[%dma_wait3A_167, %dma_wait3A_168] : memref<320000x32xf32, #tpu.memory_space<hbm>> -> memref<80x32xf32, #tpu.memory_space<hbm>>
            tpu.wait_dma2 semaphore(%arg18 : memref<!tpu.dma_semaphore, #tpu.memory_space<semaphore_mem>>) src(%dma_wait3A_169 : memref<80x32xf32, #tpu.memory_space<hbm>>) dst(%arg14 : memref<80x32xf32, #tpu.memory_space<vmem>>)
          } else {
          }
          %dma_start3A_158 = arith.constant 0 : i32
          %dma_start3A_159 = arith.constant 0 : i32
          %dma_start3A_160 = tpu.memref_slice %arg2[%dma_start3A_158, %dma_start3A_159] : memref<10000x128xf32, #tpu.memory_space<hbm>> -> memref<10000x128xf32, #tpu.memory_space<hbm>>
          tpu.enqueue_indirect_dma source(%dma_start3A_160 : memref<10000x128xf32, #tpu.memory_space<hbm>>) target(%arg10 : memref<80x128xf32, #tpu.memory_space<vmem>>) offsets(%arg6 : memref<80xi32, #tpu.memory_space<vmem>>) semaphore(%arg17 : memref<!tpu.dma_semaphore, #tpu.memory_space<semaphore_mem>>)
          %dma_start3A_161 = arith.constant 0 : i32
          %dma_start3A_162 = arith.constant 0 : i32
          %dma_start3A_163 = tpu.memref_slice %arg2[%dma_start3A_161, %dma_start3A_162] : memref<10000x128xf32, #tpu.memory_space<hbm>> -> memref<10000x128xf32, #tpu.memory_space<hbm>>
          tpu.enqueue_indirect_dma source(%dma_start3A_163 : memref<10000x128xf32, #tpu.memory_space<hbm>>) target(%arg12 : memref<80x128xf32, #tpu.memory_space<vmem>>) offsets(%arg8 : memref<80xi32, #tpu.memory_space<vmem>>) semaphore(%arg17 : memref<!tpu.dma_semaphore, #tpu.memory_space<semaphore_mem>>)
        } else {
        }
        %dma_wait3A_106 = arith.constant 0 : i32
        %dma_wait3A_107 = arith.constant 0 : i32
        %dma_wait3A_108 = tpu.memref_slice %arg2[%dma_wait3A_106, %dma_wait3A_107] : memref<10000x128xf32, #tpu.memory_space<hbm>> -> memref<80x128xf32, #tpu.memory_space<hbm>>
        %dma_wait3A_109 = arith.constant 0 : i32
        %dma_wait3A_110 = arith.constant 0 : i32
        %dma_wait3A_111 = tpu.memref_slice %arg2[%dma_wait3A_109, %dma_wait3A_110] : memref<10000x128xf32, #tpu.memory_space<hbm>> -> memref<80x128xf32, #tpu.memory_space<hbm>>
        tpu.wait_dma2 semaphore(%arg17 : memref<!tpu.dma_semaphore, #tpu.memory_space<semaphore_mem>>) src(%dma_wait3A_111 : memref<80x128xf32, #tpu.memory_space<hbm>>) dst(%arg11 : memref<80x128xf32, #tpu.memory_space<vmem>>)
        %dma_wait3A_112 = arith.constant 0 : i32
        %dma_wait3A_113 = arith.constant 0 : i32
        %dma_wait3A_114 = tpu.memref_slice %arg2[%dma_wait3A_112, %dma_wait3A_113] : memref<10000x128xf32, #tpu.memory_space<hbm>> -> memref<80x128xf32, #tpu.memory_space<hbm>>
        %dma_wait3A_115 = arith.constant 0 : i32
        %dma_wait3A_116 = arith.constant 0 : i32
        %dma_wait3A_117 = tpu.memref_slice %arg2[%dma_wait3A_115, %dma_wait3A_116] : memref<10000x128xf32, #tpu.memory_space<hbm>> -> memref<80x128xf32, #tpu.memory_space<hbm>>
        tpu.wait_dma2 semaphore(%arg17 : memref<!tpu.dma_semaphore, #tpu.memory_space<semaphore_mem>>) src(%dma_wait3A_117 : memref<80x128xf32, #tpu.memory_space<hbm>>) dst(%arg13 : memref<80x128xf32, #tpu.memory_space<vmem>>)
        %get3A_118 = arith.constant 0 : index
        %get3A_119 = arith.constant 0 : index
        %get3A_120 = tpu.vector_load %arg11[%get3A_118, %get3A_119] {strides = array<i32>} : memref<80x128xf32, #tpu.memory_space<vmem>>, vector<80x32xf32>,
        %get3A_121 = vector.shape_cast %get3A_120 : vector<80x32xf32> to vector<80x32xf32>
        %get3A_122 = arith.constant 0 : index
        %get3A_123 = arith.constant 32 : index
        %get3A_124 = tpu.vector_load %arg13[%get3A_122, %get3A_123] {strides = array<i32>} : memref<80x128xf32, #tpu.memory_space<vmem>>, vector<80x32xf32>,
        %get3A_125 = vector.shape_cast %get3A_124 : vector<80x32xf32> to vector<80x32xf32>
        %add3A_126 = arith.addf %get3A_121, %get3A_125 : vector<80x32xf32>
        %swap3A_127 = arith.constant 0 : index
        %swap3A_128 = arith.constant 0 : index
        %swap3A_129 = tpu.vector_load %arg15[%swap3A_127, %swap3A_128] {strides = array<i32>} : memref<80x32xf32, #tpu.memory_space<vmem>>, vector<80x32xf32>,
        %swap3A_130 = vector.shape_cast %swap3A_129 : vector<80x32xf32> to vector<80x32xf32>
        %swap3A_131 = vector.shape_cast %add3A_126 : vector<80x32xf32> to vector<80x32xf32>
        tpu.vector_store %arg15[%swap3A_127, %swap3A_128], %swap3A_131 {strides = array<i32>} : memref<80x32xf32, #tpu.memory_space<vmem>>, vector<80x32xf32>,
        %mul3A_132 = arith.constant 80 : i32
        %mul3A_133 = arith.muli %add3A_98, %mul3A_132 : i32
        %add3A_134 = arith.addi %mul3A_2, %mul3A_133 : i32
        %dma_start3A_135 = arith.constant 0 : i32
        %dma_start3A_136 = tpu.memref_slice %arg5[%add3A_134, %dma_start3A_135] : memref<320000x32xf32, #tpu.memory_space<hbm>> -> memref<80x32xf32, #tpu.memory_space<hbm>>
        %dma_start3A_137 = arith.constant 0 : i32
        %dma_start3A_138 = tpu.memref_slice %arg5[%add3A_134, %dma_start3A_137] : memref<320000x32xf32, #tpu.memory_space<hbm>> -> memref<80x32xf32, #tpu.memory_space<hbm>>
        tpu.enqueue_dma source(%arg15 : memref<80x32xf32, #tpu.memory_space<vmem>>) target(%dma_start3A_138 : memref<80x32xf32, #tpu.memory_space<hbm>>) target_semaphore(%arg18 : memref<!tpu.dma_semaphore, #tpu.memory_space<semaphore_mem>>)
        %add3A_139 = arith.constant 2 : i32
        %add3A_140 = arith.addi %add3A_98, %add3A_139 : i32
        %lt3A_141 = arith.constant 125 : i32
        %lt3A_142 = arith.cmpi slt, %add3A_140, %lt3A_141 : i32
        %convert_element_type3A_143 = arith.extui %lt3A_142 : i1 to i32
        %cond3A_144 = arith.constant 0 : i32
        %cond3A_145 = arith.cmpi ne, %convert_element_type3A_143, %cond3A_144 : i32
        scf.if %cond3A_145 {
          %add3A_146 = arith.constant 2 : i32
          %add3A_147 = arith.addi %add3A_98, %add3A_146 : i32
          %mul3A_148 = arith.constant 80 : i32
          %mul3A_149 = arith.muli %add3A_147, %mul3A_148 : i32
          %add3A_150 = arith.addi %mul3A_2, %mul3A_149 : i32
          %dma_start3A_151 = tpu.memref_slice %arg3[%add3A_150] : memref<320000xi32, #tpu.memory_space<hbm>> -> memref<80xi32, #tpu.memory_space<hbm>>
          %dma_start3A_152 = tpu.memref_slice %arg3[%add3A_150] : memref<320000xi32, #tpu.memory_space<hbm>> -> memref<80xi32, #tpu.memory_space<hbm>>
          tpu.enqueue_dma source(%dma_start3A_152 : memref<80xi32, #tpu.memory_space<hbm>>) target(%arg7 : memref<80xi32, #tpu.memory_space<vmem>>) target_semaphore(%arg16 : memref<!tpu.dma_semaphore, #tpu.memory_space<semaphore_mem>>)
          %dma_start3A_153 = tpu.memref_slice %arg4[%add3A_150] : memref<320000xi32, #tpu.memory_space<hbm>> -> memref<80xi32, #tpu.memory_space<hbm>>
          %dma_start3A_154 = tpu.memref_slice %arg4[%add3A_150] : memref<320000xi32, #tpu.memory_space<hbm>> -> memref<80xi32, #tpu.memory_space<hbm>>
          tpu.enqueue_dma source(%dma_start3A_154 : memref<80xi32, #tpu.memory_space<hbm>>) target(%arg9 : memref<80xi32, #tpu.memory_space<vmem>>) target_semaphore(%arg16 : memref<!tpu.dma_semaphore, #tpu.memory_space<semaphore_mem>>)
        } else {
        }
      } else {
      }
    }
    %scan3A_30 = arith.constant 63 : i32
    %dma_wait3A_31 = arith.constant 0 : i32
    %dma_wait3A_32 = arith.constant 0 : i32
    %dma_wait3A_33 = tpu.memref_slice %arg5[%dma_wait3A_31, %dma_wait3A_32] : memref<320000x32xf32, #tpu.memory_space<hbm>> -> memref<80x32xf32, #tpu.memory_space<hbm>>
    %dma_wait3A_34 = arith.constant 0 : i32
    %dma_wait3A_35 = arith.constant 0 : i32
    %dma_wait3A_36 = tpu.memref_slice %arg5[%dma_wait3A_34, %dma_wait3A_35] : memref<320000x32xf32, #tpu.memory_space<hbm>> -> memref<80x32xf32, #tpu.memory_space<hbm>>
    tpu.wait_dma2 semaphore(%arg18 : memref<!tpu.dma_semaphore, #tpu.memory_space<semaphore_mem>>) src(%dma_wait3A_36 : memref<80x32xf32, #tpu.memory_space<hbm>>) dst(%arg14 : memref<80x32xf32, #tpu.memory_space<vmem>>)
    %dma_wait3A_37 = arith.constant 0 : i32
    %dma_wait3A_38 = arith.constant 0 : i32
    %dma_wait3A_39 = tpu.memref_slice %arg5[%dma_wait3A_37, %dma_wait3A_38] : memref<320000x32xf32, #tpu.memory_space<hbm>> -> memref<80x32xf32, #tpu.memory_space<hbm>>
    %dma_wait3A_40 = arith.constant 0 : i32
    %dma_wait3A_41 = arith.constant 0 : i32
    %dma_wait3A_42 = tpu.memref_slice %arg5[%dma_wait3A_40, %dma_wait3A_41] : memref<320000x32xf32, #tpu.memory_space<hbm>> -> memref<80x32xf32, #tpu.memory_space<hbm>>
    tpu.wait_dma2 semaphore(%arg18 : memref<!tpu.dma_semaphore, #tpu.memory_space<semaphore_mem>>) src(%dma_wait3A_42 : memref<80x32xf32, #tpu.memory_space<hbm>>) dst(%arg15 : memref<80x32xf32, #tpu.memory_space<vmem>>)
    return
  }
}

module attributes {stable_mosaic.version = 14 : i64} {
  func.func @_node_mm_body(%arg0: memref<10000x128xf32, #tpu.memory_space<vmem>>, %arg1: memref<128x384xf32, #tpu.memory_space<vmem>>, %arg2: memref<1x384xf32, #tpu.memory_space<vmem>>, %arg3: memref<10000x128xf32, #tpu.memory_space<vmem>>, %arg4: memref<10000x128xf32, #tpu.memory_space<vmem>>, %arg5: memref<10000x128xf32, #tpu.memory_space<vmem>>) attributes {dimension_semantics = [], scalar_prefetch = 0 : i64, scratch_operands = 0 : i64, tpu.core_type = #tpu.core_type<tc>} {
    %get3A = arith.constant 0 : index
    %get3A_0 = arith.constant 0 : index
    %get3A_1 = vector.load %arg0[%get3A, %get3A_0] : memref<10000x128xf32, #tpu.memory_space<vmem>>, vector<10000x128xf32>
    %get3A_2 = arith.constant 0 : index
    %get3A_3 = arith.constant 0 : index
    %get3A_4 = vector.load %arg1[%get3A_2, %get3A_3] : memref<128x384xf32, #tpu.memory_space<vmem>>, vector<128x384xf32>
    %dot_general3A = arith.constant dense<0.000000e+00> : vector<10000x384xf32>
    %dot_general3A_5 = tpu.matmul %get3A_1, %get3A_4, %dot_general3A {dimension_numbers = #tpu.dot_dimension_numbers<[1], [0], [0], [1], [0, 0, 1, 1], [], []>, transpose_lhs_hint = false} : vector<10000x128xf32>, vector<128x384xf32>, vector<10000x384xf32> -> vector<10000x384xf32>
    %get3A_6 = arith.constant 0 : index
    %get3A_7 = arith.constant 0 : index
    %get3A_8 = vector.load %arg2[%get3A_6, %get3A_7] : memref<1x384xf32, #tpu.memory_space<vmem>>, vector<1x384xf32>
    %add3A = vector.broadcast %get3A_8 : vector<1x384xf32> to vector<10000x384xf32>
    %add3A_9 = arith.addf %dot_general3A_5, %add3A : vector<10000x384xf32>
    %slice3A = vector.extract_strided_slice %add3A_9 {offsets = [0, 0], sizes = [10000, 128], strides = [1, 1]} : vector<10000x384xf32> to vector<10000x128xf32>
    %swap3A = arith.constant 0 : index
    %swap3A_10 = arith.constant 0 : index
    %swap3A_11 = vector.load %arg3[%swap3A, %swap3A_10] : memref<10000x128xf32, #tpu.memory_space<vmem>>, vector<10000x128xf32>
    tpu.vector_store %arg3[%swap3A, %swap3A_10], %slice3A {strides = array<i32>} : memref<10000x128xf32, #tpu.memory_space<vmem>>, vector<10000x128xf32>,
    %slice3A_12 = vector.extract_strided_slice %add3A_9 {offsets = [0, 128], sizes = [10000, 128], strides = [1, 1]} : vector<10000x384xf32> to vector<10000x128xf32>
    %swap3A_13 = arith.constant 0 : index
    %swap3A_14 = arith.constant 0 : index
    %swap3A_15 = vector.load %arg4[%swap3A_13, %swap3A_14] : memref<10000x128xf32, #tpu.memory_space<vmem>>, vector<10000x128xf32>
    tpu.vector_store %arg4[%swap3A_13, %swap3A_14], %slice3A_12 {strides = array<i32>} : memref<10000x128xf32, #tpu.memory_space<vmem>>, vector<10000x128xf32>,
    %slice3A_16 = vector.extract_strided_slice %add3A_9 {offsets = [0, 256], sizes = [10000, 128], strides = [1, 1]} : vector<10000x384xf32> to vector<10000x128xf32>
    %swap3A_17 = arith.constant 0 : index
    %swap3A_18 = arith.constant 0 : index
    %swap3A_19 = vector.load %arg5[%swap3A_17, %swap3A_18] : memref<10000x128xf32, #tpu.memory_space<vmem>>, vector<10000x128xf32>
    tpu.vector_store %arg5[%swap3A_17, %swap3A_18], %slice3A_16 {strides = array<i32>} : memref<10000x128xf32, #tpu.memory_space<vmem>>, vector<10000x128xf32>,
    return
  }
}

module attributes {stable_mosaic.version = 14 : i64} {
  func.func @_e_body(%arg0: i32, %arg1: memref<8000x16xf32, #tpu.memory_space<vmem>>, %arg2: memref<16x128xf32, #tpu.memory_space<vmem>>, %arg3: memref<1x128xf32, #tpu.memory_space<vmem>>, %arg4: memref<8000x128xbf16, #tpu.memory_space<vmem>>) attributes {dimension_semantics = [#tpu.dimension_semantics<arbitrary>], iteration_bounds = array<i64: 40>, scalar_prefetch = 0 : i64, scratch_operands = 0 : i64, tpu.core_type = #tpu.core_type<tc>, window_params = [{transform_indices = @transform_0, window_bounds = array<i64: 8000, 16>}, {pipeline_mode = #tpu.pipeline_mode<synchronous>, transform_indices = @transform_1, window_bounds = array<i64: 16, 128>}, {pipeline_mode = #tpu.pipeline_mode<synchronous>, transform_indices = @transform_2, window_bounds = array<i64: 1, 128>}, {transform_indices = @transform_3, window_bounds = array<i64: 8000, 128>}]} {
    %get3A = arith.constant 0 : index
    %get3A_0 = arith.constant 0 : index
    %get3A_1 = vector.load %arg1[%get3A, %get3A_0] : memref<8000x16xf32, #tpu.memory_space<vmem>>, vector<8000x16xf32>
    %get3A_2 = arith.constant 0 : index
    %get3A_3 = arith.constant 0 : index
    %get3A_4 = vector.load %arg2[%get3A_2, %get3A_3] : memref<16x128xf32, #tpu.memory_space<vmem>>, vector<16x128xf32>
    %dot_general3A = arith.constant dense<0.000000e+00> : vector<8000x128xf32>
    %dot_general3A_5 = tpu.matmul %get3A_1, %get3A_4, %dot_general3A {dimension_numbers = #tpu.dot_dimension_numbers<[1], [0], [0], [1], [0, 0, 1, 1], [], []>, transpose_lhs_hint = false} : vector<8000x16xf32>, vector<16x128xf32>, vector<8000x128xf32> -> vector<8000x128xf32>
    %get3A_6 = arith.constant 0 : index
    %get3A_7 = arith.constant 0 : index
    %get3A_8 = vector.load %arg3[%get3A_6, %get3A_7] : memref<1x128xf32, #tpu.memory_space<vmem>>, vector<1x128xf32>
    %add3A = vector.broadcast %get3A_8 : vector<1x128xf32> to vector<8000x128xf32>
    %add3A_9 = arith.addf %dot_general3A_5, %add3A : vector<8000x128xf32>
    %logistic3A = arith.negf %add3A_9 : vector<8000x128xf32>
    %logistic3A_10 = math.exp %logistic3A : vector<8000x128xf32>
    %logistic3A_11 = arith.constant 1.000000e+00 : f32
    %logistic3A_12 = vector.broadcast %logistic3A_11 : f32 to vector<8000x128xf32>
    %logistic3A_13 = arith.addf %logistic3A_12, %logistic3A_10 : vector<8000x128xf32>
    %logistic3A_14 = arith.divf %logistic3A_12, %logistic3A_13 : vector<8000x128xf32>
    %convert_element_type3A = arith.truncf %logistic3A_14 : vector<8000x128xf32> to vector<8000x128xbf16>
    %swap3A = arith.constant 0 : index
    %swap3A_15 = arith.constant 0 : index
    %swap3A_16 = vector.load %arg4[%swap3A, %swap3A_15] : memref<8000x128xbf16, #tpu.memory_space<vmem>>, vector<8000x128xbf16>
    tpu.vector_store %arg4[%swap3A, %swap3A_15], %convert_element_type3A {strides = array<i32>} : memref<8000x128xbf16, #tpu.memory_space<vmem>>, vector<8000x128xbf16>,
    return
  }
  func.func @transform_0(%arg0: i32) -> (i32, i32) {
    %c0_i32 = arith.constant 0 : i32
    %c0_i32_0 = arith.constant 0 : i32
    return %arg0, %c0_i32 : i32, i32
  }
  func.func @transform_1(%arg0: i32) -> (i32, i32) {
    %c0_i32 = arith.constant 0 : i32
    %c0_i32_0 = arith.constant 0 : i32
    %c0_i32_1 = arith.constant 0 : i32
    return %c0_i32, %c0_i32_0 : i32, i32
  }
  func.func @transform_2(%arg0: i32) -> (i32, i32) {
    %c0_i32 = arith.constant 0 : i32
    %c0_i32_0 = arith.constant 0 : i32
    %c0_i32_1 = arith.constant 0 : i32
    return %c0_i32, %c0_i32_0 : i32, i32
  }
  func.func @transform_3(%arg0: i32) -> (i32, i32) {
    %c0_i32 = arith.constant 0 : i32
    %c0_i32_0 = arith.constant 0 : i32
    return %arg0, %c0_i32 : i32, i32
  }
}

module attributes {stable_mosaic.version = 14 : i64} {
  func.func @_edge_mlp_body(%arg0: i32, %arg1: memref<8000x16xf32, #tpu.memory_space<vmem>>, %arg2: memref<8000x32xf32, #tpu.memory_space<vmem>>, %arg3: memref<16x32xf32, #tpu.memory_space<vmem>>, %arg4: memref<1x32xf32, #tpu.memory_space<vmem>>, %arg5: memref<32x16xf32, #tpu.memory_space<vmem>>, %arg6: memref<1x16xf32, #tpu.memory_space<vmem>>, %arg7: memref<8000x16xf32, #tpu.memory_space<vmem>>) attributes {dimension_semantics = [#tpu.dimension_semantics<arbitrary>], iteration_bounds = array<i64: 40>, scalar_prefetch = 0 : i64, scratch_operands = 0 : i64, tpu.core_type = #tpu.core_type<tc>, window_params = [{transform_indices = @transform_0, window_bounds = array<i64: 8000, 16>}, {transform_indices = @transform_1, window_bounds = array<i64: 8000, 32>}, {pipeline_mode = #tpu.pipeline_mode<synchronous>, transform_indices = @transform_2, window_bounds = array<i64: 16, 32>}, {pipeline_mode = #tpu.pipeline_mode<synchronous>, transform_indices = @transform_3, window_bounds = array<i64: 1, 32>}, {pipeline_mode = #tpu.pipeline_mode<synchronous>, transform_indices = @transform_4, window_bounds = array<i64: 32, 16>}, {pipeline_mode = #tpu.pipeline_mode<synchronous>, transform_indices = @transform_5, window_bounds = array<i64: 1, 16>}, {transform_indices = @transform_6, window_bounds = array<i64: 8000, 16>}]} {
    %get3A = arith.constant 0 : index
    %get3A_0 = arith.constant 0 : index
    %get3A_1 = vector.load %arg1[%get3A, %get3A_0] : memref<8000x16xf32, #tpu.memory_space<vmem>>, vector<8000x16xf32>
    %get3A_2 = arith.constant 0 : index
    %get3A_3 = arith.constant 0 : index
    %get3A_4 = vector.load %arg3[%get3A_2, %get3A_3] : memref<16x32xf32, #tpu.memory_space<vmem>>, vector<16x32xf32>
    %dot_general3A = arith.constant dense<0.000000e+00> : vector<8000x32xf32>
    %dot_general3A_5 = tpu.matmul %get3A_1, %get3A_4, %dot_general3A {dimension_numbers = #tpu.dot_dimension_numbers<[1], [0], [0], [1], [0, 0, 1, 1], [], []>, transpose_lhs_hint = false} : vector<8000x16xf32>, vector<16x32xf32>, vector<8000x32xf32> -> vector<8000x32xf32>
    %get3A_6 = arith.constant 0 : index
    %get3A_7 = arith.constant 0 : index
    %get3A_8 = vector.load %arg2[%get3A_6, %get3A_7] : memref<8000x32xf32, #tpu.memory_space<vmem>>, vector<8000x32xf32>
    %add3A = arith.addf %get3A_8, %dot_general3A_5 : vector<8000x32xf32>
    %get3A_9 = arith.constant 0 : index
    %get3A_10 = arith.constant 0 : index
    %get3A_11 = vector.load %arg4[%get3A_9, %get3A_10] : memref<1x32xf32, #tpu.memory_space<vmem>>, vector<1x32xf32>
    %add3A_12 = vector.broadcast %get3A_11 : vector<1x32xf32> to vector<8000x32xf32>
    %add3A_13 = arith.addf %add3A, %add3A_12 : vector<8000x32xf32>
    %max3A = arith.constant 0.000000e+00 : f32
    %max3A_14 = vector.broadcast %max3A : f32 to vector<8000x32xf32>
    %max3A_15 = arith.maximumf %add3A_13, %max3A_14 : vector<8000x32xf32>
    %get3A_16 = arith.constant 0 : index
    %get3A_17 = arith.constant 0 : index
    %get3A_18 = vector.load %arg5[%get3A_16, %get3A_17] : memref<32x16xf32, #tpu.memory_space<vmem>>, vector<32x16xf32>
    %dot_general3A_19 = arith.constant dense<0.000000e+00> : vector<8000x16xf32>
    %dot_general3A_20 = tpu.matmul %max3A_15, %get3A_18, %dot_general3A_19 {dimension_numbers = #tpu.dot_dimension_numbers<[1], [0], [0], [1], [0, 0, 1, 1], [], []>, transpose_lhs_hint = false} : vector<8000x32xf32>, vector<32x16xf32>, vector<8000x16xf32> -> vector<8000x16xf32>
    %get3A_21 = arith.constant 0 : index
    %get3A_22 = arith.constant 0 : index
    %get3A_23 = vector.load %arg6[%get3A_21, %get3A_22] : memref<1x16xf32, #tpu.memory_space<vmem>>, vector<1x16xf32>
    %add3A_24 = vector.broadcast %get3A_23 : vector<1x16xf32> to vector<8000x16xf32>
    %add3A_25 = arith.addf %dot_general3A_20, %add3A_24 : vector<8000x16xf32>
    %swap3A = arith.constant 0 : index
    %swap3A_26 = arith.constant 0 : index
    %swap3A_27 = vector.load %arg7[%swap3A, %swap3A_26] : memref<8000x16xf32, #tpu.memory_space<vmem>>, vector<8000x16xf32>
    tpu.vector_store %arg7[%swap3A, %swap3A_26], %add3A_25 {strides = array<i32>} : memref<8000x16xf32, #tpu.memory_space<vmem>>, vector<8000x16xf32>,
    return
  }
  func.func @transform_0(%arg0: i32) -> (i32, i32) {
    %c0_i32 = arith.constant 0 : i32
    %c0_i32_0 = arith.constant 0 : i32
    return %arg0, %c0_i32 : i32, i32
  }
  func.func @transform_1(%arg0: i32) -> (i32, i32) {
    %c0_i32 = arith.constant 0 : i32
    %c0_i32_0 = arith.constant 0 : i32
    return %arg0, %c0_i32 : i32, i32
  }
  func.func @transform_2(%arg0: i32) -> (i32, i32) {
    %c0_i32 = arith.constant 0 : i32
    %c0_i32_0 = arith.constant 0 : i32
    %c0_i32_1 = arith.constant 0 : i32
    return %c0_i32, %c0_i32_0 : i32, i32
  }
  func.func @transform_3(%arg0: i32) -> (i32, i32) {
    %c0_i32 = arith.constant 0 : i32
    %c0_i32_0 = arith.constant 0 : i32
    %c0_i32_1 = arith.constant 0 : i32
    return %c0_i32, %c0_i32_0 : i32, i32
  }
  func.func @transform_4(%arg0: i32) -> (i32, i32) {
    %c0_i32 = arith.constant 0 : i32
    %c0_i32_0 = arith.constant 0 : i32
    %c0_i32_1 = arith.constant 0 : i32
    return %c0_i32, %c0_i32_0 : i32, i32
  }
  func.func @transform_5(%arg0: i32) -> (i32, i32) {
    %c0_i32 = arith.constant 0 : i32
    %c0_i32_0 = arith.constant 0 : i32
    %c0_i32_1 = arith.constant 0 : i32
    return %c0_i32, %c0_i32_0 : i32, i32
  }
  func.func @transform_6(%arg0: i32) -> (i32, i32) {
    %c0_i32 = arith.constant 0 : i32
    %c0_i32_0 = arith.constant 0 : i32
    return %arg0, %c0_i32 : i32, i32
  }
}

module attributes {stable_mosaic.version = 14 : i64} {
  func.func @_node_update_body(%arg0: memref<10000x128xf32, #tpu.memory_space<vmem>>, %arg1: memref<10000x128xf32, #tpu.memory_space<vmem>>, %arg2: memref<20000x128xf32, #tpu.memory_space<vmem>>, %arg3: memref<1x128xf32, #tpu.memory_space<vmem>>, %arg4: memref<1x128xf32, #tpu.memory_space<vmem>>, %arg5: memref<1x128xf32, #tpu.memory_space<vmem>>, %arg6: memref<1x128xf32, #tpu.memory_space<vmem>>, %arg7: memref<1x128xf32, #tpu.memory_space<vmem>>, %arg8: memref<10000x128xf32, #tpu.memory_space<vmem>>) attributes {dimension_semantics = [], scalar_prefetch = 0 : i64, scratch_operands = 0 : i64, tpu.core_type = #tpu.core_type<tc>} {
    %get3A = arith.constant 0 : index
    %get3A_0 = arith.constant 0 : index
    %get3A_1 = vector.load %arg1[%get3A, %get3A_0] : memref<10000x128xf32, #tpu.memory_space<vmem>>, vector<10000x128xf32>
    %get3A_2 = arith.constant 0 : index
    %get3A_3 = arith.constant 0 : index
    %get3A_4 = vector.load %arg2[%get3A_2, %get3A_3] : memref<20000x128xf32, #tpu.memory_space<vmem>>, vector<10000x128xf32>
    %get3A_5 = arith.constant 10000 : index
    %get3A_6 = arith.constant 0 : index
    %get3A_7 = vector.load %arg2[%get3A_5, %get3A_6] : memref<20000x128xf32, #tpu.memory_space<vmem>>, vector<10000x128xf32>
    %add3A = arith.addf %get3A_4, %get3A_7 : vector<10000x128xf32>
    %get3A_8 = arith.constant 0 : index
    %get3A_9 = arith.constant 0 : index
    %get3A_10 = vector.load %arg3[%get3A_8, %get3A_9] : memref<1x128xf32, #tpu.memory_space<vmem>>, vector<1x128xf32>
    %mul3A = vector.broadcast %get3A_10 : vector<1x128xf32> to vector<10000x128xf32>
    %mul3A_11 = arith.mulf %get3A_1, %mul3A : vector<10000x128xf32>
    %get3A_12 = arith.constant 0 : index
    %get3A_13 = arith.constant 0 : index
    %get3A_14 = vector.load %arg4[%get3A_12, %get3A_13] : memref<1x128xf32, #tpu.memory_space<vmem>>, vector<1x128xf32>
    %mul3A_15 = vector.broadcast %get3A_14 : vector<1x128xf32> to vector<10000x128xf32>
    %mul3A_16 = arith.mulf %add3A, %mul3A_15 : vector<10000x128xf32>
    %add3A_17 = arith.addf %mul3A_11, %mul3A_16 : vector<10000x128xf32>
    %reduce_sum3A = arith.constant dense<0.000000e+00> : vector<10000xf32>
    %reduce_sum3A_18 = vector.multi_reduction <add>, %add3A_17, %reduce_sum3A [1] : vector<10000x128xf32> to vector<10000xf32>
    %broadcast_in_dim3A = vector.shape_cast %reduce_sum3A_18 : vector<10000xf32> to vector<10000x1xf32>
    %get3A_19 = arith.constant 0 : index
    %get3A_20 = arith.constant 0 : index
    %get3A_21 = vector.load %arg5[%get3A_19, %get3A_20] : memref<1x128xf32, #tpu.memory_space<vmem>>, vector<1x1xf32>
    %add3A_22 = vector.broadcast %get3A_21 : vector<1x1xf32> to vector<10000x1xf32>
    %add3A_23 = arith.addf %broadcast_in_dim3A, %add3A_22 : vector<10000x1xf32>
    %logistic3A = arith.negf %add3A_23 : vector<10000x1xf32>
    %logistic3A_24 = math.exp %logistic3A : vector<10000x1xf32>
    %logistic3A_25 = arith.constant 1.000000e+00 : f32
    %logistic3A_26 = vector.broadcast %logistic3A_25 : f32 to vector<10000x1xf32>
    %logistic3A_27 = arith.addf %logistic3A_26, %logistic3A_24 : vector<10000x1xf32>
    %logistic3A_28 = arith.divf %logistic3A_26, %logistic3A_27 : vector<10000x1xf32>
    %mul3A_29 = vector.broadcast %logistic3A_28 : vector<10000x1xf32> to vector<10000x128xf32>
    %mul3A_30 = arith.mulf %mul3A_29, %get3A_1 : vector<10000x128xf32>
    %sub3A = arith.constant 1.000000e+00 : f32
    %sub3A_31 = vector.broadcast %sub3A : f32 to vector<10000x1xf32>
    %sub3A_32 = arith.subf %sub3A_31, %logistic3A_28 : vector<10000x1xf32>
    %mul3A_33 = vector.broadcast %sub3A_32 : vector<10000x1xf32> to vector<10000x128xf32>
    %mul3A_34 = arith.mulf %mul3A_33, %add3A : vector<10000x128xf32>
    %add3A_35 = arith.addf %mul3A_30, %mul3A_34 : vector<10000x128xf32>
    %reduce_sum3A_36 = arith.constant dense<0.000000e+00> : vector<128xf32>
    %reduce_sum3A_37 = vector.multi_reduction <add>, %add3A_35, %reduce_sum3A_36 [0] : vector<10000x128xf32> to vector<128xf32>
    %broadcast_in_dim3A_38 = vector.shape_cast %reduce_sum3A_37 : vector<128xf32> to vector<1x128xf32>
    %div3A = arith.constant 1.000000e+04 : f32
    %div3A_39 = vector.broadcast %div3A : f32 to vector<1x128xf32>
    %div3A_40 = arith.divf %broadcast_in_dim3A_38, %div3A_39 : vector<1x128xf32>
    %sub3A_41 = vector.broadcast %div3A_40 : vector<1x128xf32> to vector<10000x128xf32>
    %sub3A_42 = arith.subf %add3A_35, %sub3A_41 : vector<10000x128xf32>
    %integer_pow3A = arith.mulf %sub3A_42, %sub3A_42 : vector<10000x128xf32>
    %reduce_sum3A_43 = arith.constant dense<0.000000e+00> : vector<128xf32>
    %reduce_sum3A_44 = vector.multi_reduction <add>, %integer_pow3A, %reduce_sum3A_43 [0] : vector<10000x128xf32> to vector<128xf32>
    %broadcast_in_dim3A_45 = vector.shape_cast %reduce_sum3A_44 : vector<128xf32> to vector<1x128xf32>
    %div3A_46 = arith.constant 1.000000e+04 : f32
    %div3A_47 = vector.broadcast %div3A_46 : f32 to vector<1x128xf32>
    %div3A_48 = arith.divf %broadcast_in_dim3A_45, %div3A_47 : vector<1x128xf32>
    %sub3A_49 = vector.broadcast %div3A_40 : vector<1x128xf32> to vector<10000x128xf32>
    %sub3A_50 = arith.subf %add3A_35, %sub3A_49 : vector<10000x128xf32>
    %add3A_51 = arith.constant 9.99999974E-6 : f32
    %add3A_52 = vector.broadcast %add3A_51 : f32 to vector<1x128xf32>
    %add3A_53 = arith.addf %div3A_48, %add3A_52 : vector<1x128xf32>
    %sqrt3A = math.sqrt %add3A_53 : vector<1x128xf32>
    %div3A_54 = vector.broadcast %sqrt3A : vector<1x128xf32> to vector<10000x128xf32>
    %div3A_55 = arith.divf %sub3A_50, %div3A_54 : vector<10000x128xf32>
    %get3A_56 = arith.constant 0 : index
    %get3A_57 = arith.constant 0 : index
    %get3A_58 = vector.load %arg6[%get3A_56, %get3A_57] : memref<1x128xf32, #tpu.memory_space<vmem>>, vector<1x128xf32>
    %mul3A_59 = vector.broadcast %get3A_58 : vector<1x128xf32> to vector<10000x128xf32>
    %mul3A_60 = arith.mulf %div3A_55, %mul3A_59 : vector<10000x128xf32>
    %get3A_61 = arith.constant 0 : index
    %get3A_62 = arith.constant 0 : index
    %get3A_63 = vector.load %arg7[%get3A_61, %get3A_62] : memref<1x128xf32, #tpu.memory_space<vmem>>, vector<1x128xf32>
    %add3A_64 = vector.broadcast %get3A_63 : vector<1x128xf32> to vector<10000x128xf32>
    %add3A_65 = arith.addf %mul3A_60, %add3A_64 : vector<10000x128xf32>
    %get3A_66 = arith.constant 0 : index
    %get3A_67 = arith.constant 0 : index
    %get3A_68 = vector.load %arg0[%get3A_66, %get3A_67] : memref<10000x128xf32, #tpu.memory_space<vmem>>, vector<10000x128xf32>
    %max3A = arith.constant 0.000000e+00 : f32
    %max3A_69 = vector.broadcast %max3A : f32 to vector<10000x128xf32>
    %max3A_70 = arith.maximumf %add3A_65, %max3A_69 : vector<10000x128xf32>
    %add3A_71 = arith.addf %get3A_68, %max3A_70 : vector<10000x128xf32>
    %swap3A = arith.constant 0 : index
    %swap3A_72 = arith.constant 0 : index
    %swap3A_73 = vector.load %arg8[%swap3A, %swap3A_72] : memref<10000x128xf32, #tpu.memory_space<vmem>>, vector<10000x128xf32>
    tpu.vector_store %arg8[%swap3A, %swap3A_72], %add3A_71 {strides = array<i32>} : memref<10000x128xf32, #tpu.memory_space<vmem>>, vector<10000x128xf32>,
    return
  }
}

</mosaic_0001>

<sc_bundles>
// kernel: kernel.11.cloned.1.call-start
scs
__scs_entry_jumppad:
0x0: {  	(pc) =	sbr.rel $0x88, $3  }
0x1: {  	(tag) =	ssettag $0x0;
	lr =	simm.s32 $0x1  }
0x2: {  	[smem:$0x3F90] =	sst lr;
	_ =	strace $0xD0000000  }
0x3: {  	_ = 	snop  }
0x4: {  	_ = 	snop  }
0x5: {  	_ = 	snop  }
0x6: {  	_ = 	snop  }
0x7: {  	_ = 	snop  }
__scs_overlays_trampoline_lowered:
0x8: {  	[smem:$0x3F9F] =	sst s0  }
0x9: {  	[smem:$0x3FA0] =	sst s1  }
0xa: {  	[smem:$0x3FA1] =	sst s2  }
0xb: {  	[smem:$0x3FA2] =	sst s3  }
0xc: {  	[smem:$0x3FA3] =	sst s4  }
0xd: {  	[smem:$0x3FA4] =	sst s5  }
0xe: {  	[smem:$0x3FA5] =	sst s6  }
0xf: {  	[smem:$0x3FA6] =	sst s7  }
0x10: {  	[smem:$0x3FA7] =	sst s8  }
0x11: {  	[smem:$0x3FA8] =	sst s9;
	s0 =	simm.s32 @!p0 $0x0  }
0x12: {  	s1 =	sld [smem:$0x3F8E];
	s0 =	simm.s32 @p0 $0x1  }
0x13: {  	[smem:$0x3FA9] =	sst s0;
	s0 =	simm.s32 @!p1 $0x0  }
0x14: {  	s2 =	sld [smem:$0x3F8D];
	s0 =	simm.s32 @p1 $0x1  }
0x15: {  	[smem:$0x3FAA] =	sst s0;
	s0 =	simm.s32 @!p2 $0x0  }
0x16: {  	s3 =	sld [smem:$0x3FDB];
	s0 =	simm.s32 @p2 $0x1  }
0x17: {  	s4 =	simm.s32 $0x1BF5;
	[smem:$0x3FAC] =	sst s0  }
0x18: {  	s0 =	sld [smem:$0x3F8F];
	_ =	swait.ge [sflag:s4], $0x0  }
0x19: {  	s7 =	sld [smem:$0x3F90]  }
0x1a: {  	s8 =	sadd.s32 $0xFFFFE003, lr  }
0x1b: {  	s9 =	sadd.s32 $0xFFFFFEF7, lr;
	s5 =	simm.s32 $0xFFFFFFFF;
	p2 =	slt.u32 s8, $0xFFFFF086  }
0x1c: {  	p1 =	slt.u32 s9, $0xF7A;
	s5 =	simm.s32 @!p2 $0x0  }
0x1d: {  	s5 =	simm.s32 @p1 $0x1;
	p0 =	seq.s32 s7, s2  }
0x1e: {  	s7 =	smul.u32 @!p0 $0xF7A, s2;
	p2 =	seq.s32 @!p0 s5, $0x0  }
0x1f: {  	s9 =	smul.u32 $0xF7A, s1;
	s8 =	simm.s32 @!p0 $0x1BF5;
	p2 =	por !p2, p0  }
0x20: {  	[sflag:s8] =	ssyncset.s32 @!p0 $0xFFFFF086;
	s6 =	sadd.s32 @!p0 s3, s7;
	s7 =	simm.s32 @!p0 $0x108  }
0x21: {  	s3 =	sadd.s32 s3, s9;
	s6 =	sadd.s32 @!p0 $0x88, s6;
	s7 =	simm.s32 @p2 $0x1082  }
0x22: {  	[simem:s7], [sflag:s8] =	dma.local @!p0 [hbm:s6], $0xF7A  }
0x23: {  	s9 =	sor.u32 $0xD0000000, s2;
	s6 =	simm.s32 $0x108;
	_ =	swait.ge @!p0 [sflag:s8], $0x0  }
0x24: {  	s3 =	sadd.s32 $0x88, s3;
	s6 =	simm.s32 @!p1 $0x1082;
	[sflag:s4] =	ssyncset.s32 $0xFFFFF086  }
0x25: {  	[simem:s6], [sflag:s4] =	dma.local [hbm:s3], $0xF7A  }
0x26: {  	[smem:$0x3F90] =	sst s1;
	(tag) =	ssettag s2;
	_ =	strace s9  }
0x27: {  	s1 =	sld [smem:$0x3FA0]  }
0x28: {  	s2 =	sld [smem:$0x3FA1]  }
0x29: {  	s4 =	sld [smem:$0x3FA3]  }
0x2a: {  	p0 =	seq.s32 s5, $0x0;
	s5 =	sld [smem:$0x3FA4]  }
0x2b: {  	s6 =	sld [smem:$0x3FA5]  }
0x2c: {  	s7 =	sld [smem:$0x3FA6]  }
0x2d: {  	s3 =	simm.s32 $0x108;
	s8 =	sld [smem:$0x3FA7]  }
0x2e: {  	s3 =	simm.s32 @!p0 $0x1082;
	s9 =	sld [smem:$0x3FA8]  }
0x2f: {  	lr =	sadd.s32 s0, s3;
	s0 =	sld [smem:$0x3F9F]  }
0x30: {  	s3 =	sld [smem:$0x3FA2]  }
0x31: {  	[smem:$0x3FAB] =	sst s10  }
0x32: {  	s10 =	sld [smem:$0x3FA9];
	_ =	sdelay $0x3  }
0x33: {  	p0 =	seq.s32 s10, $0x1;
	s10 =	sld [smem:$0x3FAB];
	_ =	sdelay $0x3  }
0x34: {  	[smem:$0x3FAB] =	sst s10  }
0x35: {  	s10 =	sld [smem:$0x3FAA];
	_ =	sdelay $0x3  }
0x36: {  	p1 =	seq.s32 s10, $0x1;
	s10 =	sld [smem:$0x3FAB];
	_ =	sdelay $0x3  }
0x37: {  	[smem:$0x3FAB] =	sst s10  }
0x38: {  	s10 =	sld [smem:$0x3FAC]  }
0x39: {  	_ = 	snop;
	(pc) =	sbr.ind lr, $3  }
0x3a: {  	_ = 	snop  }
0x3b: {  	_ = 	snop  }
0x3c: {  	p2 =	seq.s32 s10, $0x1;
	s10 =	sld [smem:$0x3FAB]  }
0x3d: {  	_ =	shalt  }
0x3e: {  	_ =	shalt  }
0x3f: {  	_ =	shalt  }
0x40: {  	_ =	shalt  }
0x41: {  	_ =	shalt  }
0x42: {  	_ =	shalt  }
0x43: {  	_ =	shalt  }
0x44: {  	_ =	shalt  }
0x45: {  	_ =	shalt  }
0x46: {  	_ =	shalt  }
0x47: {  	_ =	shalt  }
0x48: {  	_ =	shalt  }
0x49: {  	_ =	shalt  }
0x4a: {  	_ =	shalt  }
0x4b: {  	_ =	shalt  }
0x4c: {  	_ =	shalt  }
0x4d: {  	_ =	shalt  }
0x4e: {  	_ =	shalt  }
0x4f: {  	_ =	shalt  }
0x50: {  	_ =	shalt  }
0x51: {  	_ =	shalt  }
0x52: {  	_ =	shalt  }
0x53: {  	_ =	shalt  }
0x54: {  	_ =	shalt  }
0x55: {  	_ =	shalt  }
0x56: {  	_ =	shalt  }
0x57: {  	_ =	shalt  }
0x58: {  	_ =	shalt  }
0x59: {  	_ =	shalt  }
0x5a: {  	_ =	shalt  }
0x5b: {  	_ =	shalt  }
0x5c: {  	_ =	shalt  }
0x5d: {  	_ =	shalt  }
0x5e: {  	_ =	shalt  }
0x5f: {  	_ =	shalt  }
0x60: {  	_ =	shalt  }
0x61: {  	_ =	shalt  }
0x62: {  	_ =	shalt  }
0x63: {  	_ =	shalt  }
0x64: {  	_ =	shalt  }
0x65: {  	_ =	shalt  }
0x66: {  	_ =	shalt  }
0x67: {  	_ =	shalt  }
0x68: {  	_ =	shalt  }
0x69: {  	_ =	shalt  }
0x6a: {  	_ =	shalt  }
0x6b: {  	_ =	shalt  }
0x6c: {  	_ =	shalt  }
0x6d: {  	_ =	shalt  }
0x6e: {  	_ =	shalt  }
0x6f: {  	_ =	shalt  }
0x70: {  	_ =	shalt  }
0x71: {  	_ =	shalt  }
0x72: {  	_ =	shalt  }
0x73: {  	_ =	shalt  }
0x74: {  	_ =	shalt  }
0x75: {  	_ =	shalt  }
0x76: {  	_ =	shalt  }
0x77: {  	_ =	shalt  }
0x78: {  	_ =	shalt  }
0x79: {  	_ =	shalt  }
0x7a: {  	_ =	shalt  }
0x7b: {  	_ =	shalt  }
0x7c: {  	_ =	shalt  }
0x7d: {  	_ =	shalt  }
0x7e: {  	_ =	shalt  }
0x7f: {  	_ =	shalt  }
0x80: {  	_ =	shalt  }
0x81: {  	_ =	shalt  }
0x82: {  	_ =	shalt  }
0x83: {  	_ =	shalt  }
0x84: {  	_ =	shalt  }
0x85: {  	_ =	shalt  }
0x86: {  	_ =	shalt  }
0x87: {  	_ =	shalt  }
.Lfunc_end0:
.L_simem_size_0:
called_computation.1_lowered:
.L_overlay_start_0:
0x88: {  	s2 =	sld [smem:$0x3FD9]  }
0x89: {  	s3 =	sld [smem:$0x3FFE];
	_ =	sdelay $0x1  }
0x8a: {  	s1 =	srdreg.scid  }
0x8b: {  	s0 =	sand.u32 $0x1, s1  }
0x8c: {  	s17 =	sshll.u32 s0, $0xA;
	s2 =	sadd.s32 s3, s2  }
0x8d: {  	s2 =	sadd.s32 s2, s17  }
0x8e: {  	[smem:$0x3FB7] =	sst s2  }
0x8f: {  	_ = 	snop  }
0x90: {  	(tm) =	ssettm $0x1  }
0x91: {  	s18 =	sld [smem:$0x3FFB];
	_ =	sdelay $0x3  }
0x92: {  	_ =	strace s18  }
0x93: {  	s2 =	sld [smem:$0x3FFC];
	_ =	sdelay $0x3  }
0x94: {  	_ =	strace s2  }
0x95: {  	s2 =	sld [smem:$0x3FFD];
	_ =	sdelay $0x3  }
0x96: {  	_ =	strace s2  }
0x97: {  	_ =	strace $0x8FFFFFFF  }
0x98: {  	s19 =	sld [smem:$0x3FDB];
	_ =	sdelay $0x1  }
0x99: {  	s20 =	simm.s32 $_scs_section_size  }
0x9a: {  	s4 =	simm.s32 $_size__tile_overlayer_lowered;
	s5 =	simm.s32 $_tile_overlayer_lowered  }
0x9b: {  	s6 =	simm.s32 $0x1BFF;
	s21 =	sshll.u32 s5, $0x1;
	s3 =	sadd.s32 s20, s19  }
0x9c: {  	s22 =	simm.s32 $0x0;
	s4 =	sshll.u32 s4, $0x1;
	s5 =	sadd.s32 s21, s3  }
0x9d: {  	[timem:s22], [sflag:s6] =	dma.local [hbm:s5], s4  }
0x9e: {  	_ =	swait.ge [sflag:s6], s4  }
0x9f: {  	s4 =	ssub.s32 $0x0, s4;
	[sflag:s6] =	ssyncset.done $0x0  }
0xa0: {  	[sflag:s6] =	ssyncadd.s32 s4;
	_ =	sdelay $0x1  }
0xa1: {  	s23 =	simm.s32 $0x1B8B  }
0xa2: {  	_ =	swait.ge [sflag:s23], $0x1  }
0xa3: {  	[sflag:s23] =	ssyncset.done $0x0  }
0xa4: {  	[sflag:s23] =	ssyncadd.s32 $0xFFFFFFFF  }
0xa5: {  	s4 =	sld [smem:$0x0]  }
0xa6: {  	s5 =	sand.u32 $0xFFFFFFFE, s1  }
0xa7: {  	p0 =	sne.s32 s1, s5  }
0xa8: {  	s5 =	sshll.u32 @p0 s5, $0xE  }
0xa9: {  	s5 =	sadd.s32 @p0 $0x11B8D, s5;
	s6 =	sshll.u32 @p0 s4, $0x11  }
0xaa: {  	s5 =	sor.u32 @p0 s6, s5  }
0xab: {  	[sflag:s5] =	ssyncadd.remote.s32 @p0 $0x1;
	_ =	sdelay $0x1  }
0xac: {  	s5 =	simm.s32 @p0 $0x1B8D  }
0xad: {  	_ =	swait.eq @p0 [sflag:s5], $0x1  }
0xae: {  	[sflag:s5] =	ssyncadd.s32 @p0 $0xFFFFFFFF  }
0xaf: {  	s6 =	sshll.u32 @!p0 s1, $0xE  }
0xb0: {  	s6 =	sor.u32 @!p0 $0x4000, s6;
	s5 =	simm.s32 @!p0 $0x1B8D  }
0xb1: {  	s4 =	sshll.u32 @!p0 s4, $0x11;
	s6 =	sadd.s32 @!p0 $0x11B8D, s6;
	_ =	swait.eq @!p0 [sflag:s5], $0x1  }
0xb2: {  	s4 =	sor.u32 @!p0 s4, s6;
	[sflag:s5] =	ssyncadd.s32 @!p0 $0xFFFFFFFF  }
0xb3: {  	s25 =	simm.s32 $0x1B8E;
	s24 =	sld [smem:$0x3FFE];
	[sflag:s4] =	ssyncadd.remote.s32 @!p0 $0x1  }
0xb4: {  	s26 =	simm.s32 $execute0_lowered;
	[smem:$0x3FD2] =	sst s25  }
0xb5: {  	s5 =	sshll.u32 s26, $0x1;
	_ =	strace $0x80000049;
	[dreg:$0x1] =	wrdreg $0xFFFFFFFF  }
0xb6: {  	s28 =	simm.s32 $_size_execute0_lowered;
	s3 =	sadd.s32 s3, s5;
	[dreg:$0x0] =	wrdreg $0x0  }
0xb7: {  	s5 =	sshll.u32 s28, $0x1;
	[dreg:$0x2] =	wrdreg s3  }
0xb8: {  	[dreg:$0x3] =	wrdreg s5  }
0xb9: {  	[dreg:$0x4] =	wrdreg $0xC0  }
0xba: {  	_ =	task [dreg:s22], $0x5FFFF  }
0xbb: {  	[dreg:$0x1] =	wrdreg $0xFFFFFFFF  }
0xbc: {  	[dreg:$0x0] =	wrdreg $0x60  }
0xbd: {  	[dreg:$0x2] =	wrdreg s24  }
0xbe: {  	[dreg:$0x3] =	wrdreg $0x7B000  }
0xbf: {  	[dreg:$0x4] =	wrdreg $0xA  }
0xc0: {  	_ =	task.clear_ibuf [dreg:s22], $0x5FFFF;
	_ =	strace $0x90000049  }
0xc1: {  	s29 =	simm.s32 $0xA;
	_ =	strace $0x8000004B  }
0xc2: {  	_ =	swait.ge [sflag:s29], $0x1  }
0xc3: {  	[sflag:s29] =	ssyncadd.s32 $0xFFFFFFFF  }
0xc4: {  	_ =	strace $0x9000004B  }
0xc5: {  	_ =	sfence  }
0xc6: {  	s30 =	sld [smem:$0x0];
	_ =	sdelay $0x2  }
0xc7: {  	s31 =	sshll.u32 s1, $0xD;
	s1 =	sshrl.u32 s1, $0x2  }
0xc8: {  	s4 =	sand.u32 $0x4000, s31;
	s1 =	sadd.s32 s1, s30  }
0xc9: {  	s0 =	sor.u32 s4, s0;
	s1 =	sshll.u32 s1, $0x11  }
0xca: {  	s0 =	sor.u32 s1, s0  }
0xcb: {  	s0 =	sadd.s32 $0x8F2B, s0  }
0xcc: {  	[sflag:s0] =	ssyncadd.remote.s32 $0x1  }
0xcd: {  	_ =	sfence.sel $0xFFFF  }
0xce: {  	[dreg:$0x0] =	wrdreg $0xFFFFFFFF;
	(pc) =	sbr.abs _section_cstart, $3  }
0xcf: {  	[dreg:$0x1] =	wrdreg $0xFFFFFFFF  }
0xd0: {  	_ =	task.clear_ibuf [dreg:s22], $0x2FFFF;
	_ =	strace $0x9FFFFFFF  }
0xd1: {  	(tm) =	ssettm $0x7FFFFFFF  }
tec
execute0_lowered:
.L_overlay_start_1:
0x0: {  	(tag) =	ssettag $0x1  }
0x1: {  	s0 =	rddreg [dreg:$0x0]  }
0x2: {  	s1 =	rddreg [dreg:$0x1];
	s2 =	simm.s32 $0x0  }
0x3: {  	s5 =	srdreg.scid;
	s18 =	stileid.u32;
	s28 =	simm.s32 $0x1  }
0x4: {  	s29 =	simm.s32 $0x50;
	s30 =	simm.s32 $0x200;
	s31 =	simm.s32 $0x5200  }
0x5: {  	[smem:$0x7FF] =	sst s2;
	s3 =	sadd.s32 $0x16800, s0;
	s4 =	sadd.s32 $0xA01A00, s0  }
0x6: {  	s6 =	sadd.s32 $0xCA00, s0;
	s7 =	sadd.s32 $0x2C00, s0;
	s8 =	sadd.s32 $0xC72A00, s0  }
0x7: {  	s5 =	sand.u32 $0x1, s5;
	s10 =	smul.u32 $0x4E000, s18;
	s0 =	sadd.s32 $0xC75200, s0  }
0x8: {  	s13 =	smul.u32 $0x2700, s18;
	s19 =	sshll.u32 s18, $0x6;
	s16 =	sadd.s32 $0x138000, s1  }
0x9: {  	p0 =	sne.s32 s18, $0xF;
	_ =	strace $0x8000004A;
	s9 =	ssub.s32 $0x2, s5  }
0xa: {  	s11 =	sshll.u32 s5, $0x4;
	[dreg:$0x3] =	wrdreg s16;
	s21 =	smul.u32 $0x138800, s5  }
0xb: {  	s5 =	smul.u32 $0x27100, s5;
	s12 =	sshrl.u32 s9, $0x1;
	s11 =	sor.u32 s18, s11  }
0xc: {  	s10 =	sshrl.u32 s10, $0x2;
	s12 =	ssub.s32 s9, s12;
	s9 =	smul.u32 $0x2710, s11  }
0xd: {  	s14 =	sadd.s32 s10, s1;
	s10 =	sor.u32 $0x1C04, s19;
	s23 =	sshrl.u32 s21, $0x3  }
0xe: {  	s11 =	smul.u32 $0x13880, s11;
	s5 =	sadd.s32 s13, s5;
	s24 =	sadd.s32 s0, s23  }
0xf: {  	s0 =	sadd.s32 s0, s5;
	s26 =	smax.u32 s12, $0x1;
	s23 =	simm.s32 $0x4  }
0x10: {  	s5 =	simm.s32 $0x7A00;
	s12 =	simm.s32 $0x0;
	s15 =	sshrl.u32 s9, $0x3  }
0x11: {  	s11 =	sadd.s32 s4, s11;
	[dreg:$0x9] =	wrdreg s0;
	s25 =	sadd.s32 $0x27000, s24  }
0x12: {  	[dreg:$0xb] =	wrdreg s26;
	s21 =	sadd.s32 $0xA0, s9;
	s24 =	simm.s32 $0x100  }
0x13: {  	s0 =	simm.s32 $0x2;
	s26 =	simm.s32 $0x7A80;
	[dreg:$0x8] =	wrdreg s11  }
.Ltmp0:
0x14: {  	s20 =	sadd.s32 s6, s15;
	[dreg:$0xa] =	wrdreg s25;
	(pc) =	sbr.rel .LBB2_1-.Ltmp0, $4  }
0x15: {  	s17 =	sadd.s32 s7, s15;
	s15 =	sadd.s32 $0xA, s15;
	[dreg:$0x4] =	wrdreg s20  }
0x16: {  	s25 =	simm.s32 $0x3;
	[dreg:$0x5] =	wrdreg s17;
	s22 =	sadd.s32 s6, s15  }
0x17: {  	s11 =	simm.s32 $0x2A00;
	s15 =	sadd.s32 s7, s15;
	[dreg:$0x6] =	wrdreg s22  }
0x18: {  	s17 =	sadd.s32 $0xF0, s9;
	[dreg:$0x7] =	wrdreg s15;
	s22 =	sshrl.u32 s14, $0x3  }
.LBB2_10:
0x19: {  	_ =	swait.ge [sflag:s25], $0x2800  }
0x1a: {  	[sflag:s25] =	ssyncset.done $0x0  }
0x1b: {  	[sflag:s25] =	ssyncadd.s32 $0xFFFFD800  }
0x1c: {  	_ =	swait.ge [sflag:s25], $0x2800  }
0x1d: {  	[sflag:s25] =	ssyncset.done $0x0  }
0x1e: {  	[sflag:s25] =	ssyncadd.s32 $0xFFFFD800  }
0x1f: {  	[bflag:$0x0] =	sbarrier.arrive $0xFFFF  }
0x20: {  	s14 =	rddreg [dreg:$0x9]  }
0x21: {  	[hbm:s14], [sflag:s10] =	dma.local [spmem:s22], $0x2700  }
0x22: {  	_ =	swait.ge [sflag:s23], $0x2700  }
0x23: {  	[sflag:s23] =	ssyncset.done $0x0  }
0x24: {  	s14 =	rddreg [dreg:$0xa];
	[sflag:s23] =	ssyncadd.s32 $0xFFFFD900  }
0x25: {  	[hbm:s14], [sflag:s10] =	dma.local @!p0 [spmem:s13], $0x100  }
0x26: {  	s13 =	simm.s32 @!p0 $0x4  }
0x27: {  	_ =	swait.ge @!p0 [sflag:s13], $0x100  }
0x28: {  	s12 =	sadd.s32 $0x1, s12;
	s20 =	rddreg [dreg:$0xb]  }
0x29: {  	p1 =	sne.s32 s12, s20  }
.Ltmp1:
0x2a: {  	_ = 	snop;
	(pc) =	sbr.rel @!p1 .LBB2_11-.Ltmp1, $3  }
0x2b: {  	_ =	sdelay $0x1  }
0x2c: {  	[sflag:s13] =	ssyncset.done @!p0 $0x0  }
0x2d: {  	[sflag:s13] =	ssyncadd.s32 @!p0 $0xFFFFFF00  }
.LBB2_1:
0x2e: {  	[spmem:s22], [sflag:s10] =	dma.local [hbm:s8], $0x2700  }
0x2f: {  	_ =	swait.ge [sflag:s23], $0x2700  }
0x30: {  	[sflag:s23] =	ssyncset.done $0x0;
	s13 =	rddreg [dreg:$0x3]  }
0x31: {  	s14 =	simm.s32 @!p0 $0x4;
	[sflag:s23] =	ssyncadd.s32 $0xFFFFD900;
	s13 =	sshrl.u32 @!p0 s13, $0x3  }
0x32: {  	[spmem:s13], [sflag:s10] =	dma.local @!p0 [hbm:s8], $0x100  }
0x33: {  	_ =	swait.ge @!p0 [sflag:s14], $0x100  }
0x34: {  	[sflag:s14] =	ssyncset.done @!p0 $0x0  }
0x35: {  	[sflag:s14] =	ssyncadd.s32 @!p0 $0xFFFFFF00  }
0x36: {  	[bflag:$0x0] =	sbarrier.arrive $0xFFFF  }
0x37: {  	s20 =	rddreg [dreg:$0x4]  }
0x38: {  	[tilespmem:s2], [sflag:$0x1] =	stream.linear.gather [hbm4b:s20+s2], $0x50, $0x38;
	[tilespmem:$0x1B380] =	vst v63  }
0x39: {  	s15 =	rddreg [dreg:$0x5]  }
0x3a: {  	[tilespmem:s24], [sflag:$0x1] =	stream.linear.gather [hbm4b:s15+s2], $0x50, $0x38;
	[tilespmem:$0x1B380] =	vst v63  }
0x3b: {  	s16 =	rddreg [dreg:$0x6];
	s15 =	simm.s32 $0x80  }
0x3c: {  	[tilespmem:s15], [sflag:$0x1] =	stream.linear.gather [hbm4b:s16+s2], $0x50, $0x38;
	[tilespmem:$0x1B380] =	vst v63  }
0x3d: {  	s19 =	simm.s32 $0x180;
	s18 =	rddreg [dreg:$0x7]  }
0x3e: {  	[tilespmem:s19], [sflag:$0x1] =	stream.linear.gather [hbm4b:s18+s2], $0x50, $0x38;
	[tilespmem:$0x1B380] =	vst v63  }
0x3f: {  	_ =	swait.ge [sflag:s28], $0x50  }
0x40: {  	[sflag:s28] =	ssyncset.done $0x0  }
0x41: {  	[sflag:s28] =	ssyncadd.s32 $0xFFFFFFB0  }
0x42: {  	_ =	swait.ge [sflag:s28], $0x50  }
.Ltmp2:
0x43: {  	[sflag:s28] =	ssyncset.done $0x0;
	(pc) =	sbr.rel .LBB2_2-.Ltmp2, $4  }
0x44: {  	[sflag:s28] =	ssyncadd.s32 $0xFFFFFFB0  }
0x45: {  	[tilespmem:s30], [sflag:$0x2] =	stream.indirect.gather [hbm4b:s3+s29], $0x80, s24, s29, $0xb8;
	[tilespmem:$0x1B380] =	vst v63  }
0x46: {  	s14 =	simm.s32 $0x0;
	s20 =	rddreg [dreg:$0x8]  }
0x47: {  	[tilespmem:s31], [sflag:$0x2] =	stream.linear.gather [hbm4b:s20+s2], $0x1400, $0x38;
	[tilespmem:$0x1B380] =	vst v63  }
.LBB2_9:
0x48: {  	s14 =	sadd.s32 $0x1, s14  }
0x49: {  	p1 =	sne.s32 s14, $0x3F  }
.Ltmp3:
0x4a: {  	_ = 	snop;
	(pc) =	sbr.rel @!p1 .LBB2_10-.Ltmp3, $1  }
0x4b: {  	_ =	sdelay $0x3  }
.LBB2_2:
0x4c: {  	s15 =	sshllo.u32 s14, $0x1  }
0x4d: {  	p1 =	sgt.u32 s15, $0x7C  }
0x4e: {  	s16 =	simm.s32 @!p1 $0x1  }
0x4f: {  	_ =	swait.ge @!p1 [sflag:s16], $0x50  }
0x50: {  	[sflag:s16] =	ssyncset.done @!p1 $0x0  }
0x51: {  	[sflag:s16] =	ssyncadd.s32 @!p1 $0xFFFFFFB0  }
0x52: {  	p2 =	seq.s32 @!p1 s14, $0x0;
	_ =	swait.ge @!p1 [sflag:s16], $0x50  }
0x53: {  	p2 =	por p2, p1;
	[sflag:s16] =	ssyncset.done @!p1 $0x0  }
0x54: {  	s15 =	smul.u32 @!p1 $0x50, s15;
	[sflag:s16] =	ssyncadd.s32 @!p1 $0xFFFFFFB0;
	s16 =	simm.s32 @!p2 $0x3  }
0x55: {  	s18 =	simm.s32 @!p1 $0x180;
	_ =	swait.ge @!p2 [sflag:s16], $0x2800  }
0x56: {  	s19 =	simm.s32 @!p1 $0x2A00;
	s15 =	sadd.s32 @!p1 s9, s15;
	[sflag:s16] =	ssyncset.done @!p2 $0x0  }
0x57: {  	s15 =	sshll.u32 @!p1 s15, $0x3;
	[sflag:s16] =	ssyncadd.s32 @!p2 $0xFFFFD800;
	s16 =	simm.s32 @!p1 $0x50  }
0x58: {  	[tilespmem:s19], [sflag:$0x2] =	stream.indirect.gather @!p1 [hbm4b:s3+s16], $0x80, s18, s16, $0xb8;
	[tilespmem:$0x1B380] =	vst v63  }
0x59: {  	s15 =	sadd.s32 @!p1 s4, s15;
	s16 =	simm.s32 @!p1 $0x0;
	s18 =	simm.s32 @!p1 $0x6600  }
0x5a: {  	[tilespmem:s18], [sflag:$0x2] =	stream.linear.gather @!p1 [hbm4b:s15+s16], $0x1400, $0x38;
	[tilespmem:$0x1B380] =	vst v63  }
0x5b: {  	_ =	swait.ge [sflag:s0], $0x2800  }
0x5c: {  	[sflag:s0] =	ssyncset.done $0x0  }
0x5d: {  	[sflag:s0] =	ssyncadd.s32 $0xFFFFD800  }
0x5e: {  	_ =	swait.ge [sflag:s0], $0x1400  }
0x5f: {  	[sflag:s0] =	ssyncset.done $0x0  }
0x60: {  	s15 =	simm.s32 $0x280;
	[sflag:s0] =	ssyncadd.s32 $0xFFFFEC00  }
0x61: {  	v7 =	vld [tilespmem:s15+$0xFFFFFFD0]  }
0x62: {  	v8 =	vld [tilespmem:s15+$0x50]  }
0x63: {  	v10 =	vld [tilespmem:s15+$0xFFFFFFC0]  }
0x64: {  	v11 =	vld [tilespmem:s15+$0x40]  }
0x65: {  	v4 =	vld [tilespmem:s15+$0x70]  }
0x66: {  	v18 =	vld [tilespmem:s15+$0x10]  }
0x67: {  	v9 =	vld [tilespmem:s15+$0xFFFFFFE0]  }
0x68: {  	v3 =	vld [tilespmem:s15+$0xFFFFFF90]  }
0x69: {  	v14 =	vld [tilespmem:s15+$0x20]  }
0x6a: {  	s20 =	simm.s32 $0x0;
	v2 =	vld [tilespmem:s15+$0xFFFFFFB0]  }
0x6b: {  	v0 =	vld [tilespmem:s20+$0x5270]  }
0x6c: {  	v5 =	vld [tilespmem:s20+$0x5260]  }
0x6d: {  	v12 =	vld [tilespmem:s20+$0x5250]  }
0x6e: {  	v13 =	vld [tilespmem:s20+$0x5240]  }
0x6f: {  	v17 =	vld [tilespmem:s20+$0x5210]  }
0x70: {  	v6 =	vld [tilespmem:s20+$0x5230]  }
0x71: {  	v15 =	vld [tilespmem:s20+$0x5220];
	v16 =	vunpack.i.u.bf16.f32 v0  }
0x72: {  	v1 =	vld [tilespmem:s15+$0xFFFFFFA0];
	v19 =	vunpack.i.l.bf16.f32 v5;
	v16 =	vmul.f32 v16, v4  }
0x73: {  	v20 =	vld [tilespmem:s20+$0x5200];
	v21 =	vunpack.i.u.bf16.f32 v12;
	v12 =	vunpack.i.l.bf16.f32 v12;
	v19 =	vmul.f32 v19, v9  }
0x74: {  	v22 =	vunpack.i.l.bf16.f32 v13;
	v23 =	vunpack.i.u.bf16.f32 v17;
	v4 =	vld [tilespmem:s15+$0x0];
	v7 =	vmul.f32 v12, v7;
	[tilespmem:s15+$0x70] =	vst v16  }
0x75: {  	v17 =	vunpack.i.l.bf16.f32 v17;
	v21 =	vmul.f32 v21, v8;
	v22 =	vmul.f32 v22, v10;
	v10 =	vld [tilespmem:s15+$0x60];
	[tilespmem:s15+$0xFFFFFFE0] =	vst v19  }
0x76: {  	v9 =	vunpack.i.l.bf16.f32 v6;
	v8 =	vunpack.i.u.bf16.f32 v13;
	v13 =	vunpack.i.l.bf16.f32 v15;
	v12 =	vld [tilespmem:s15+$0x30];
	[tilespmem:s15+$0xFFFFFFD0] =	vst v7  }
0x77: {  	v18 =	vmul.f32 v23, v18;
	v19 =	vunpack.i.u.bf16.f32 v15;
	v16 =	vmul.f32 v8, v11;
	[tilespmem:s15+$0x50] =	vst v21;
	v15 =	vld [tilespmem:s15+$0xFFFFFFF0]  }
0x78: {  	s16 =	simm.s32 $0x200;
	s18 =	simm.s32 $0x380;
	v7 =	vld [tilespmem:s15+$0xFFFFFF80];
	v11 =	vunpack.i.u.bf16.f32 v20;
	[tilespmem:s15+$0xFFFFFFC0] =	vst v22;
	v8 =	vmul.f32 v19, v14;
	v14 =	vunpack.i.l.bf16.f32 v20  }
.LBB2_3:
0x79: {  	v19 =	vld [tilespmem:s18+$0xFFFFFFD0];
	p2 =	sne.s32 s16, $0x4E00;
	v3 =	vmul.f32 v17, v3;
	v1 =	vmul.f32 v13, v1;
	[tilespmem:s15+$0x40] =	vst v16;
	s19 =	smov.u32 s16;
	s16 =	sadd.s32 $0x200, s16  }
0x7a: {  	v5 =	vunpack.i.u.bf16.f32 v5;
	v2 =	vmul.f32 v9, v2;
	v13 =	vld [tilespmem:s18+$0x50];
	s19 =	sshra.s32 s19, $0x2;
	[tilespmem:s15+$0x10] =	vst v18  }
0x7b: {  	v6 =	vunpack.i.u.bf16.f32 v6;
	v16 =	vld [tilespmem:s18+$0xFFFFFFC0];
	v5 =	vmul.f32 v5, v10;
	[tilespmem:s15+$0xFFFFFF90] =	vst v3  }
0x7c: {  	v0 =	vunpack.i.l.bf16.f32 v0;
	v17 =	vld [tilespmem:s18+$0x40];
	v3 =	vmul.f32 v6, v12;
	[tilespmem:s15+$0xFFFFFFB0] =	vst v2  }
0x7d: {  	v9 =	vld [tilespmem:s18+$0x70];
	v0 =	vmul.f32 v0, v15;
	[tilespmem:s15+$0x60] =	vst v5  }
0x7e: {  	v4 =	vmul.f32 v11, v4;
	v2 =	vmul.f32 v14, v7;
	v18 =	vld [tilespmem:s18+$0x10];
	[tilespmem:s15+$0x30] =	vst v3  }
0x7f: {  	v7 =	vld [tilespmem:s18+$0xFFFFFFE0];
	[tilespmem:s15+$0xFFFFFFF0] =	vst v0  }
0x80: {  	v3 =	vld [tilespmem:s18+$0xFFFFFF90];
	[tilespmem:s15+$0x20] =	vst v8  }
0x81: {  	v8 =	vld [tilespmem:s18+$0x20];
	[tilespmem:s15+$0xFFFFFF80] =	vst v2  }
0x82: {  	v2 =	vld [tilespmem:s18+$0xFFFFFFB0];
	[tilespmem:s15+$0xFFFFFFA0] =	vst v1  }
0x83: {  	v1 =	vld [tilespmem:s18+$0xFFFFFFA0];
	[tilespmem:s15+$0x0] =	vst v4;
	s15 =	smov.u32 s18  }
0x84: {  	v0 =	vld [tilespmem:s19+$0x5270]  }
0x85: {  	v5 =	vld [tilespmem:s19+$0x5260]  }
0x86: {  	v4 =	vld [tilespmem:s19+$0x5250]  }
0x87: {  	v10 =	vld [tilespmem:s19+$0x5240]  }
0x88: {  	v6 =	vld [tilespmem:s19+$0x5230]  }
0x89: {  	v11 =	vld [tilespmem:s19+$0x5220];
	v12 =	vunpack.i.u.bf16.f32 v0  }
0x8a: {  	v14 =	vld [tilespmem:s19+$0x5210];
	v15 =	vunpack.i.l.bf16.f32 v5;
	v9 =	vmul.f32 v12, v9  }
0x8b: {  	v20 =	vld [tilespmem:s19+$0x5200];
	v12 =	vunpack.i.u.bf16.f32 v4;
	v21 =	vunpack.i.l.bf16.f32 v4;
	v15 =	vmul.f32 v15, v7  }
.Ltmp4:
0x8c: {  	v4 =	vld [tilespmem:s18+$0x0];
	v22 =	vunpack.i.l.bf16.f32 v10;
	v19 =	vmul.f32 v21, v19;
	v21 =	vmul.f32 v12, v13;
	[tilespmem:s18+$0x70] =	vst v9;
	(pc) =	sbr.rel @p2 .LBB2_3-.Ltmp4, $4  }
0x8d: {  	v12 =	vunpack.i.u.bf16.f32 v10;
	v7 =	vld [tilespmem:s18+$0xFFFFFF80];
	v9 =	vunpack.i.l.bf16.f32 v6;
	v22 =	vmul.f32 v22, v16;
	[tilespmem:s18+$0xFFFFFFE0] =	vst v15  }
0x8e: {  	v16 =	vmul.f32 v12, v17;
	v10 =	vld [tilespmem:s18+$0x60];
	v15 =	vunpack.i.u.bf16.f32 v11;
	v13 =	vunpack.i.l.bf16.f32 v11;
	[tilespmem:s18+$0xFFFFFFD0] =	vst v19  }
0x8f: {  	v12 =	vld [tilespmem:s18+$0x30];
	v19 =	vunpack.i.u.bf16.f32 v14;
	v17 =	vunpack.i.l.bf16.f32 v14;
	v8 =	vmul.f32 v15, v8;
	[tilespmem:s18+$0x50] =	vst v21  }
0x90: {  	s18 =	sadd.s32 $0x100, s18;
	v15 =	vld [tilespmem:s15+$0xFFFFFFF0];
	v11 =	vunpack.i.u.bf16.f32 v20;
	v14 =	vunpack.i.l.bf16.f32 v20;
	v18 =	vmul.f32 v19, v18;
	[tilespmem:s15+$0xFFFFFFC0] =	vst v22  }
0x91: {  	[tilespmem:s15+$0x40] =	vst v16  }
0x92: {  	v3 =	vmul.f32 v17, v3;
	[tilespmem:s15+$0x20] =	vst v8  }
0x93: {  	v2 =	vmul.f32 v9, v2;
	[tilespmem:s15+$0x10] =	vst v18  }
0x94: {  	v61 =	vmul.f32 v13, v1;
	[tilespmem:s15+$0xFFFFFF90] =	vst v3  }
0x95: {  	v62 =	vmul.f32 v11, v4;
	[tilespmem:s15+$0xFFFFFFB0] =	vst v2  }
0x96: {  	v5 =	vunpack.i.u.bf16.f32 v5;
	v60 =	vmul.f32 v14, v7;
	[tilespmem:s15+$0xFFFFFFA0] =	vst v61  }
0x97: {  	v6 =	vunpack.i.u.bf16.f32 v6;
	v5 =	vmul.f32 v5, v10;
	[tilespmem:s15+$0x0] =	vst v62  }
0x98: {  	v0 =	vunpack.i.l.bf16.f32 v0;
	v59 =	vmul.f32 v6, v12;
	[tilespmem:s15+$0xFFFFFF80] =	vst v60  }
0x99: {  	v0 =	vmul.f32 v0, v15;
	[tilespmem:s15+$0x60] =	vst v5  }
0x9a: {  	[tilespmem:s15+$0x30] =	vst v59  }
0x9b: {  	[tilespmem:s15+$0xFFFFFFF0] =	vst v0  }
0x9c: {  	v0 =	vld [tilespmem:$0x0]  }
0x9d: {  	v1 =	vld [tilespmem:$0x10]  }
0x9e: {  	v2 =	vld [tilespmem:$0x20]  }
0x9f: {  	v3 =	vld [tilespmem:$0x30]  }
0xa0: {  	v63 =	vld [tilespmem:$0x40]  }
0xa1: {  	p2 =	seq.s32 s14, $0x3E;
	[tilespmem:$0x7A00] =	vst v0  }
.Ltmp5:
0xa2: {  	[tilespmem:$0x7A10] =	vst v1;
	(pc) =	sbr.rel @p2 .LBB2_10-.Ltmp5, $4  }
0xa3: {  	[tilespmem:$0x7A20] =	vst v2  }
0xa4: {  	[tilespmem:$0x7A30] =	vst v3  }
0xa5: {  	[tilespmem:$0x7A40] =	vst v63  }
0xa6: {  	[spmem:s1] =	stream.indirect.scatter.add.f32 [tilespmem:s30], [sflag:$0x3], $0x80, s5, s29, $0xb8;
	[tilespmem:$0x1B380] =	vst v63  }
0xa7: {  	s15 =	smul.u32 $0xA0, s14;
	_ =	sdelay $0x1  }
0xa8: {  	s16 =	sadd.s32 s21, s15  }
.Ltmp6:
0xa9: {  	s18 =	sshrl.u32 s16, $0x3;
	(pc) =	sbr.rel @p1 .LBB2_9-.Ltmp6, $4  }
0xaa: {  	s19 =	sadd.s32 s6, s18  }
0xab: {  	[tilespmem:s2], [sflag:$0x1] =	stream.linear.gather [hbm4b:s19+s2], $0x50, $0x38;
	[tilespmem:$0x1B380] =	vst v63  }
0xac: {  	s18 =	sadd.s32 s7, s18  }
0xad: {  	[tilespmem:s24], [sflag:$0x1] =	stream.linear.gather [hbm4b:s18+s2], $0x50, $0x38;
	[tilespmem:$0x1B380] =	vst v63  }
0xae: {  	_ =	swait.ge [sflag:s28], $0x50  }
0xaf: {  	[sflag:s28] =	ssyncset.done $0x0  }
0xb0: {  	[sflag:s28] =	ssyncadd.s32 $0xFFFFFFB0  }
0xb1: {  	_ =	swait.ge [sflag:s28], $0x50  }
0xb2: {  	[sflag:s28] =	ssyncset.done $0x0  }
0xb3: {  	[sflag:s28] =	ssyncadd.s32 $0xFFFFFFB0  }
0xb4: {  	_ =	swait.ge [sflag:s25], $0x2800  }
0xb5: {  	[sflag:s25] =	ssyncset.done $0x0  }
0xb6: {  	s16 =	sshll.u32 s16, $0x3;
	[sflag:s25] =	ssyncadd.s32 $0xFFFFD800  }
0xb7: {  	[tilespmem:s30], [sflag:$0x2] =	stream.indirect.gather [hbm4b:s3+s29], $0x80, s24, s29, $0xb8;
	[tilespmem:$0x1B380] =	vst v63  }
0xb8: {  	s18 =	simm.s32 $0x0;
	s16 =	sadd.s32 s4, s16  }
0xb9: {  	[tilespmem:s31], [sflag:$0x2] =	stream.linear.gather [hbm4b:s16+s18], $0x1400, $0x38;
	[tilespmem:$0x1B380] =	vst v63  }
0xba: {  	_ =	swait.ge [sflag:s0], $0x2800  }
0xbb: {  	[sflag:s0] =	ssyncset.done $0x0  }
0xbc: {  	[sflag:s0] =	ssyncadd.s32 $0xFFFFD800  }
0xbd: {  	_ =	swait.ge [sflag:s0], $0x1400  }
0xbe: {  	[sflag:s0] =	ssyncset.done $0x0  }
0xbf: {  	s16 =	simm.s32 $0x2A80;
	[sflag:s0] =	ssyncadd.s32 $0xFFFFEC00  }
0xc0: {  	v7 =	vld [tilespmem:s16+$0xFFFFFFD0]  }
0xc1: {  	v8 =	vld [tilespmem:s16+$0x50]  }
0xc2: {  	v10 =	vld [tilespmem:s16+$0xFFFFFFC0]  }
0xc3: {  	v11 =	vld [tilespmem:s16+$0x40]  }
0xc4: {  	v4 =	vld [tilespmem:s16+$0x70]  }
0xc5: {  	v18 =	vld [tilespmem:s16+$0x10]  }
0xc6: {  	v9 =	vld [tilespmem:s16+$0xFFFFFFE0]  }
0xc7: {  	v3 =	vld [tilespmem:s16+$0xFFFFFF90]  }
0xc8: {  	v14 =	vld [tilespmem:s16+$0x20]  }
0xc9: {  	s20 =	simm.s32 $0x0;
	v2 =	vld [tilespmem:s16+$0xFFFFFFB0]  }
0xca: {  	v0 =	vld [tilespmem:s20+$0x6670]  }
0xcb: {  	v5 =	vld [tilespmem:s20+$0x6660]  }
0xcc: {  	v12 =	vld [tilespmem:s20+$0x6650]  }
0xcd: {  	v13 =	vld [tilespmem:s20+$0x6640]  }
0xce: {  	v17 =	vld [tilespmem:s20+$0x6610]  }
0xcf: {  	v6 =	vld [tilespmem:s20+$0x6630]  }
0xd0: {  	v15 =	vld [tilespmem:s20+$0x6620];
	v16 =	vunpack.i.u.bf16.f32 v0  }
0xd1: {  	v1 =	vld [tilespmem:s16+$0xFFFFFFA0];
	v19 =	vunpack.i.l.bf16.f32 v5;
	v16 =	vmul.f32 v16, v4  }
0xd2: {  	v20 =	vld [tilespmem:s20+$0x6600];
	v21 =	vunpack.i.u.bf16.f32 v12;
	v12 =	vunpack.i.l.bf16.f32 v12;
	v19 =	vmul.f32 v19, v9  }
0xd3: {  	v22 =	vunpack.i.l.bf16.f32 v13;
	v23 =	vunpack.i.u.bf16.f32 v17;
	v4 =	vld [tilespmem:s16+$0x0];
	v7 =	vmul.f32 v12, v7;
	[tilespmem:s16+$0x70] =	vst v16  }
0xd4: {  	v17 =	vunpack.i.l.bf16.f32 v17;
	v21 =	vmul.f32 v21, v8;
	v22 =	vmul.f32 v22, v10;
	v10 =	vld [tilespmem:s16+$0x60];
	[tilespmem:s16+$0xFFFFFFE0] =	vst v19  }
0xd5: {  	v9 =	vunpack.i.l.bf16.f32 v6;
	v8 =	vunpack.i.u.bf16.f32 v13;
	v13 =	vunpack.i.l.bf16.f32 v15;
	v12 =	vld [tilespmem:s16+$0x30];
	[tilespmem:s16+$0xFFFFFFD0] =	vst v7  }
0xd6: {  	v18 =	vmul.f32 v23, v18;
	v19 =	vunpack.i.u.bf16.f32 v15;
	v16 =	vmul.f32 v8, v11;
	[tilespmem:s16+$0x50] =	vst v21;
	v15 =	vld [tilespmem:s16+$0xFFFFFFF0]  }
0xd7: {  	s19 =	simm.s32 $0x2B80;
	s18 =	simm.s32 $0x200;
	v7 =	vld [tilespmem:s16+$0xFFFFFF80];
	v11 =	vunpack.i.u.bf16.f32 v20;
	[tilespmem:s16+$0xFFFFFFC0] =	vst v22;
	v8 =	vmul.f32 v19, v14;
	v14 =	vunpack.i.l.bf16.f32 v20  }
.LBB2_7:
0xd8: {  	v19 =	vld [tilespmem:s19+$0xFFFFFFD0];
	p1 =	sne.s32 s18, $0x4E00;
	v3 =	vmul.f32 v17, v3;
	v1 =	vmul.f32 v13, v1;
	[tilespmem:s16+$0x40] =	vst v16;
	s20 =	smov.u32 s18;
	s18 =	sadd.s32 $0x200, s18  }
0xd9: {  	v5 =	vunpack.i.u.bf16.f32 v5;
	v2 =	vmul.f32 v9, v2;
	v13 =	vld [tilespmem:s19+$0x50];
	s20 =	sshra.s32 s20, $0x2;
	[tilespmem:s16+$0x10] =	vst v18  }
0xda: {  	v6 =	vunpack.i.u.bf16.f32 v6;
	v16 =	vld [tilespmem:s19+$0xFFFFFFC0];
	v5 =	vmul.f32 v5, v10;
	[tilespmem:s16+$0xFFFFFF90] =	vst v3  }
0xdb: {  	v0 =	vunpack.i.l.bf16.f32 v0;
	v17 =	vld [tilespmem:s19+$0x40];
	v3 =	vmul.f32 v6, v12;
	[tilespmem:s16+$0xFFFFFFB0] =	vst v2  }
0xdc: {  	v9 =	vld [tilespmem:s19+$0x70];
	v0 =	vmul.f32 v0, v15;
	[tilespmem:s16+$0x60] =	vst v5  }
0xdd: {  	v4 =	vmul.f32 v11, v4;
	v2 =	vmul.f32 v14, v7;
	v18 =	vld [tilespmem:s19+$0x10];
	[tilespmem:s16+$0x30] =	vst v3  }
0xde: {  	v7 =	vld [tilespmem:s19+$0xFFFFFFE0];
	[tilespmem:s16+$0xFFFFFFF0] =	vst v0  }
0xdf: {  	v3 =	vld [tilespmem:s19+$0xFFFFFF90];
	[tilespmem:s16+$0x20] =	vst v8  }
0xe0: {  	v8 =	vld [tilespmem:s19+$0x20];
	[tilespmem:s16+$0xFFFFFF80] =	vst v2  }
0xe1: {  	v2 =	vld [tilespmem:s19+$0xFFFFFFB0];
	[tilespmem:s16+$0xFFFFFFA0] =	vst v1  }
0xe2: {  	v1 =	vld [tilespmem:s19+$0xFFFFFFA0];
	[tilespmem:s16+$0x0] =	vst v4;
	s16 =	smov.u32 s19  }
0xe3: {  	v0 =	vld [tilespmem:s20+$0x6670]  }
0xe4: {  	v5 =	vld [tilespmem:s20+$0x6660]  }
0xe5: {  	v4 =	vld [tilespmem:s20+$0x6650]  }
0xe6: {  	v10 =	vld [tilespmem:s20+$0x6640]  }
0xe7: {  	v6 =	vld [tilespmem:s20+$0x6630]  }
0xe8: {  	v11 =	vld [tilespmem:s20+$0x6620];
	v12 =	vunpack.i.u.bf16.f32 v0  }
0xe9: {  	v14 =	vld [tilespmem:s20+$0x6610];
	v15 =	vunpack.i.l.bf16.f32 v5;
	v9 =	vmul.f32 v12, v9  }
0xea: {  	v20 =	vld [tilespmem:s20+$0x6600];
	v12 =	vunpack.i.u.bf16.f32 v4;
	v21 =	vunpack.i.l.bf16.f32 v4;
	v15 =	vmul.f32 v15, v7  }
.Ltmp7:
0xeb: {  	v4 =	vld [tilespmem:s19+$0x0];
	v22 =	vunpack.i.l.bf16.f32 v10;
	v19 =	vmul.f32 v21, v19;
	v21 =	vmul.f32 v12, v13;
	[tilespmem:s19+$0x70] =	vst v9;
	(pc) =	sbr.rel @p1 .LBB2_7-.Ltmp7, $4  }
0xec: {  	v12 =	vunpack.i.u.bf16.f32 v10;
	v7 =	vld [tilespmem:s19+$0xFFFFFF80];
	v9 =	vunpack.i.l.bf16.f32 v6;
	v22 =	vmul.f32 v22, v16;
	[tilespmem:s19+$0xFFFFFFE0] =	vst v15  }
0xed: {  	v16 =	vmul.f32 v12, v17;
	v10 =	vld [tilespmem:s19+$0x60];
	v15 =	vunpack.i.u.bf16.f32 v11;
	v13 =	vunpack.i.l.bf16.f32 v11;
	[tilespmem:s19+$0xFFFFFFD0] =	vst v19  }
0xee: {  	v12 =	vld [tilespmem:s19+$0x30];
	v19 =	vunpack.i.u.bf16.f32 v14;
	v17 =	vunpack.i.l.bf16.f32 v14;
	v8 =	vmul.f32 v15, v8;
	[tilespmem:s19+$0x50] =	vst v21  }
0xef: {  	s19 =	sadd.s32 $0x100, s19;
	v15 =	vld [tilespmem:s16+$0xFFFFFFF0];
	v11 =	vunpack.i.u.bf16.f32 v20;
	v14 =	vunpack.i.l.bf16.f32 v20;
	v18 =	vmul.f32 v19, v18;
	[tilespmem:s16+$0xFFFFFFC0] =	vst v22  }
0xf0: {  	[tilespmem:s16+$0x40] =	vst v16  }
0xf1: {  	v3 =	vmul.f32 v17, v3;
	[tilespmem:s16+$0x20] =	vst v8  }
0xf2: {  	v2 =	vmul.f32 v9, v2;
	[tilespmem:s16+$0x10] =	vst v18  }
0xf3: {  	v61 =	vmul.f32 v13, v1;
	[tilespmem:s16+$0xFFFFFF90] =	vst v3  }
0xf4: {  	v62 =	vmul.f32 v11, v4;
	[tilespmem:s16+$0xFFFFFFB0] =	vst v2  }
0xf5: {  	v5 =	vunpack.i.u.bf16.f32 v5;
	v60 =	vmul.f32 v14, v7;
	[tilespmem:s16+$0xFFFFFFA0] =	vst v61  }
0xf6: {  	v6 =	vunpack.i.u.bf16.f32 v6;
	v5 =	vmul.f32 v5, v10;
	[tilespmem:s16+$0x0] =	vst v62  }
0xf7: {  	v0 =	vunpack.i.l.bf16.f32 v0;
	v59 =	vmul.f32 v6, v12;
	[tilespmem:s16+$0xFFFFFF80] =	vst v60  }
0xf8: {  	v0 =	vmul.f32 v0, v15;
	[tilespmem:s16+$0x60] =	vst v5  }
0xf9: {  	[tilespmem:s16+$0x30] =	vst v59  }
0xfa: {  	[tilespmem:s16+$0xFFFFFFF0] =	vst v0  }
0xfb: {  	v0 =	vld [tilespmem:$0x80]  }
0xfc: {  	v1 =	vld [tilespmem:$0x90]  }
0xfd: {  	v2 =	vld [tilespmem:$0xA0]  }
0xfe: {  	v3 =	vld [tilespmem:$0xB0]  }
0xff: {  	v63 =	vld [tilespmem:$0xC0]  }
0x100: {  	[tilespmem:$0x7A80] =	vst v0  }
0x101: {  	[tilespmem:$0x7A90] =	vst v1  }
0x102: {  	[tilespmem:$0x7AA0] =	vst v2  }
0x103: {  	p1 =	sgt.u32 s14, $0x3C;
	[tilespmem:$0x7AB0] =	vst v3  }
0x104: {  	s15 =	sadd.s32 @!p1 s15, s17;
	[tilespmem:$0x7AC0] =	vst v63  }
0x105: {  	[spmem:s1] =	stream.indirect.scatter.add.f32 [tilespmem:s11], [sflag:$0x3], $0x80, s26, s29, $0xb8;
	[tilespmem:$0x1B380] =	vst v63  }
.Ltmp8:
0x106: {  	s15 =	sshrl.u32 @!p1 s15, $0x3;
	(pc) =	sbr.rel .LBB2_9-.Ltmp8, $4  }
0x107: {  	s18 =	simm.s32 @!p1 $0x0;
	s19 =	simm.s32 @!p1 $0x80;
	s16 =	sadd.s32 @!p1 s6, s15  }
0x108: {  	[tilespmem:s19], [sflag:$0x1] =	stream.linear.gather @!p1 [hbm4b:s16+s18], $0x50, $0x38;
	[tilespmem:$0x1B380] =	vst v63  }
0x109: {  	s15 =	sadd.s32 @!p1 s7, s15;
	s16 =	simm.s32 @!p1 $0x180  }
0x10a: {  	[tilespmem:s16], [sflag:$0x1] =	stream.linear.gather @!p1 [hbm4b:s15+s18], $0x50, $0x38;
	[tilespmem:$0x1B380] =	vst v63  }
.LBB2_11:
0x10b: {  	_ =	sfence.sel $0x180000  }
0x10c: {  	[bflag:$0x0] =	sbarrier.arrive $0xFFFF  }
0x10d: {  	_ =	strace $0x9000004A  }
0x10e: {  	s0 =	stileid.u32;
	[bflag:$0x2] =	sbarrier.arrive $0xFFFF  }
0x10f: {  	p0 =	sne.s32 s0, $0x0;
	s0 =	rddreg [dreg:$0x2]  }
0x110: {  	s0 =	sadd.s32 @!p0 $0x100000, s0  }
0x111: {  	[sflag:s0] =	ssyncadd.tile.s32 @!p0 $0x1;
	_ =	shalt  }
.Lfunc_end2:
_tile_overlayer_lowered:
.L_overlay_start_2:
0x112: {  	(tag) =	ssettag $0x2  }
0x113: {  	s0 =	rddreg [dreg:$0x0];
	s2 =	stileid.u32  }
0x114: {  	s1 =	rddreg [dreg:$0x1];
	p0 =	sne.s32 s2, $0x0  }
0x115: {  	s3 =	rddreg [dreg:$0x2];
	[bflag:$0x3] =	sbarrier.arrive $0xFFFF;
	s2 =	simm.s32 @!p0 $0x1C04  }
0x116: {  	[timem:s3], [sflag:s2] =	dma.local @!p0 [hbm:s0], s1  }
0x117: {  	s0 =	simm.s32 @!p0 $0x4  }
0x118: {  	_ =	swait.ge @!p0 [sflag:s0], s1  }
0x119: {  	s1 =	ssub.s32 @!p0 $0x0, s1;
	[sflag:s0] =	ssyncset.done @!p0 $0x0  }
0x11a: {  	[sflag:s0] =	ssyncadd.s32 @!p0 s1  }
0x11b: {  	[bflag:$0x3] =	sbarrier.arrive $0xFFFF  }
0x11c: {  	_ =	shalt  }

// kernel: kernel.8.cloned.1.call-start
scs
__scs_entry_jumppad:
0x0: {  	(pc) =	sbr.rel $0x88, $3  }
0x1: {  	(tag) =	ssettag $0x0;
	lr =	simm.s32 $0x1  }
0x2: {  	[smem:$0x3F90] =	sst lr;
	_ =	strace $0xD0000000  }
0x3: {  	_ = 	snop  }
0x4: {  	_ = 	snop  }
0x5: {  	_ = 	snop  }
0x6: {  	_ = 	snop  }
0x7: {  	_ = 	snop  }
__scs_overlays_trampoline_lowered:
0x8: {  	[smem:$0x3F9F] =	sst s0  }
0x9: {  	[smem:$0x3FA0] =	sst s1  }
0xa: {  	[smem:$0x3FA1] =	sst s2  }
0xb: {  	[smem:$0x3FA2] =	sst s3  }
0xc: {  	[smem:$0x3FA3] =	sst s4  }
0xd: {  	[smem:$0x3FA4] =	sst s5  }
0xe: {  	[smem:$0x3FA5] =	sst s6  }
0xf: {  	[smem:$0x3FA6] =	sst s7  }
0x10: {  	[smem:$0x3FA7] =	sst s8  }
0x11: {  	[smem:$0x3FA8] =	sst s9;
	s0 =	simm.s32 @!p0 $0x0  }
0x12: {  	s1 =	sld [smem:$0x3F8E];
	s0 =	simm.s32 @p0 $0x1  }
0x13: {  	[smem:$0x3FA9] =	sst s0;
	s0 =	simm.s32 @!p1 $0x0  }
0x14: {  	s2 =	sld [smem:$0x3F8D];
	s0 =	simm.s32 @p1 $0x1  }
0x15: {  	[smem:$0x3FAA] =	sst s0;
	s0 =	simm.s32 @!p2 $0x0  }
0x16: {  	s3 =	sld [smem:$0x3FDB];
	s0 =	simm.s32 @p2 $0x1  }
0x17: {  	s4 =	simm.s32 $0x1BF5;
	[smem:$0x3FAC] =	sst s0  }
0x18: {  	s0 =	sld [smem:$0x3F8F];
	_ =	swait.ge [sflag:s4], $0x0  }
0x19: {  	s7 =	sld [smem:$0x3F90]  }
0x1a: {  	s8 =	sadd.s32 $0xFFFFE003, lr  }
0x1b: {  	s9 =	sadd.s32 $0xFFFFFEF7, lr;
	s5 =	simm.s32 $0xFFFFFFFF;
	p2 =	slt.u32 s8, $0xFFFFF086  }
0x1c: {  	p1 =	slt.u32 s9, $0xF7A;
	s5 =	simm.s32 @!p2 $0x0  }
0x1d: {  	s5 =	simm.s32 @p1 $0x1;
	p0 =	seq.s32 s7, s2  }
0x1e: {  	s7 =	smul.u32 @!p0 $0xF7A, s2;
	p2 =	seq.s32 @!p0 s5, $0x0  }
0x1f: {  	s9 =	smul.u32 $0xF7A, s1;
	s8 =	simm.s32 @!p0 $0x1BF5;
	p2 =	por !p2, p0  }
0x20: {  	[sflag:s8] =	ssyncset.s32 @!p0 $0xFFFFF086;
	s6 =	sadd.s32 @!p0 s3, s7;
	s7 =	simm.s32 @!p0 $0x108  }
0x21: {  	s3 =	sadd.s32 s3, s9;
	s6 =	sadd.s32 @!p0 $0x88, s6;
	s7 =	simm.s32 @p2 $0x1082  }
0x22: {  	[simem:s7], [sflag:s8] =	dma.local @!p0 [hbm:s6], $0xF7A  }
0x23: {  	s9 =	sor.u32 $0xD0000000, s2;
	s6 =	simm.s32 $0x108;
	_ =	swait.ge @!p0 [sflag:s8], $0x0  }
0x24: {  	s3 =	sadd.s32 $0x88, s3;
	s6 =	simm.s32 @!p1 $0x1082;
	[sflag:s4] =	ssyncset.s32 $0xFFFFF086  }
0x25: {  	[simem:s6], [sflag:s4] =	dma.local [hbm:s3], $0xF7A  }
0x26: {  	[smem:$0x3F90] =	sst s1;
	(tag) =	ssettag s2;
	_ =	strace s9  }
0x27: {  	s1 =	sld [smem:$0x3FA0]  }
0x28: {  	s2 =	sld [smem:$0x3FA1]  }
0x29: {  	s4 =	sld [smem:$0x3FA3]  }
0x2a: {  	p0 =	seq.s32 s5, $0x0;
	s5 =	sld [smem:$0x3FA4]  }
0x2b: {  	s6 =	sld [smem:$0x3FA5]  }
0x2c: {  	s7 =	sld [smem:$0x3FA6]  }
0x2d: {  	s3 =	simm.s32 $0x108;
	s8 =	sld [smem:$0x3FA7]  }
0x2e: {  	s3 =	simm.s32 @!p0 $0x1082;
	s9 =	sld [smem:$0x3FA8]  }
0x2f: {  	lr =	sadd.s32 s0, s3;
	s0 =	sld [smem:$0x3F9F]  }
0x30: {  	s3 =	sld [smem:$0x3FA2]  }
0x31: {  	[smem:$0x3FAB] =	sst s10  }
0x32: {  	s10 =	sld [smem:$0x3FA9];
	_ =	sdelay $0x3  }
0x33: {  	p0 =	seq.s32 s10, $0x1;
	s10 =	sld [smem:$0x3FAB];
	_ =	sdelay $0x3  }
0x34: {  	[smem:$0x3FAB] =	sst s10  }
0x35: {  	s10 =	sld [smem:$0x3FAA];
	_ =	sdelay $0x3  }
0x36: {  	p1 =	seq.s32 s10, $0x1;
	s10 =	sld [smem:$0x3FAB];
	_ =	sdelay $0x3  }
0x37: {  	[smem:$0x3FAB] =	sst s10  }
0x38: {  	s10 =	sld [smem:$0x3FAC]  }
0x39: {  	_ = 	snop;
	(pc) =	sbr.ind lr, $3  }
0x3a: {  	_ = 	snop  }
0x3b: {  	_ = 	snop  }
0x3c: {  	p2 =	seq.s32 s10, $0x1;
	s10 =	sld [smem:$0x3FAB]  }
0x3d: {  	_ =	shalt  }
0x3e: {  	_ =	shalt  }
0x3f: {  	_ =	shalt  }
0x40: {  	_ =	shalt  }
0x41: {  	_ =	shalt  }
0x42: {  	_ =	shalt  }
0x43: {  	_ =	shalt  }
0x44: {  	_ =	shalt  }
0x45: {  	_ =	shalt  }
0x46: {  	_ =	shalt  }
0x47: {  	_ =	shalt  }
0x48: {  	_ =	shalt  }
0x49: {  	_ =	shalt  }
0x4a: {  	_ =	shalt  }
0x4b: {  	_ =	shalt  }
0x4c: {  	_ =	shalt  }
0x4d: {  	_ =	shalt  }
0x4e: {  	_ =	shalt  }
0x4f: {  	_ =	shalt  }
0x50: {  	_ =	shalt  }
0x51: {  	_ =	shalt  }
0x52: {  	_ =	shalt  }
0x53: {  	_ =	shalt  }
0x54: {  	_ =	shalt  }
0x55: {  	_ =	shalt  }
0x56: {  	_ =	shalt  }
0x57: {  	_ =	shalt  }
0x58: {  	_ =	shalt  }
0x59: {  	_ =	shalt  }
0x5a: {  	_ =	shalt  }
0x5b: {  	_ =	shalt  }
0x5c: {  	_ =	shalt  }
0x5d: {  	_ =	shalt  }
0x5e: {  	_ =	shalt  }
0x5f: {  	_ =	shalt  }
0x60: {  	_ =	shalt  }
0x61: {  	_ =	shalt  }
0x62: {  	_ =	shalt  }
0x63: {  	_ =	shalt  }
0x64: {  	_ =	shalt  }
0x65: {  	_ =	shalt  }
0x66: {  	_ =	shalt  }
0x67: {  	_ =	shalt  }
0x68: {  	_ =	shalt  }
0x69: {  	_ =	shalt  }
0x6a: {  	_ =	shalt  }
0x6b: {  	_ =	shalt  }
0x6c: {  	_ =	shalt  }
0x6d: {  	_ =	shalt  }
0x6e: {  	_ =	shalt  }
0x6f: {  	_ =	shalt  }
0x70: {  	_ =	shalt  }
0x71: {  	_ =	shalt  }
0x72: {  	_ =	shalt  }
0x73: {  	_ =	shalt  }
0x74: {  	_ =	shalt  }
0x75: {  	_ =	shalt  }
0x76: {  	_ =	shalt  }
0x77: {  	_ =	shalt  }
0x78: {  	_ =	shalt  }
0x79: {  	_ =	shalt  }
0x7a: {  	_ =	shalt  }
0x7b: {  	_ =	shalt  }
0x7c: {  	_ =	shalt  }
0x7d: {  	_ =	shalt  }
0x7e: {  	_ =	shalt  }
0x7f: {  	_ =	shalt  }
0x80: {  	_ =	shalt  }
0x81: {  	_ =	shalt  }
0x82: {  	_ =	shalt  }
0x83: {  	_ =	shalt  }
0x84: {  	_ =	shalt  }
0x85: {  	_ =	shalt  }
0x86: {  	_ =	shalt  }
0x87: {  	_ =	shalt  }
.Lfunc_end0:
.L_simem_size_0:
called_computation_lowered:
.L_overlay_start_0:
0x88: {  	s2 =	sld [smem:$0x3FD9]  }
0x89: {  	s3 =	sld [smem:$0x3FFE];
	_ =	sdelay $0x1  }
0x8a: {  	s1 =	srdreg.scid  }
0x8b: {  	s0 =	sand.u32 $0x1, s1  }
0x8c: {  	s14 =	sshll.u32 s0, $0xA;
	s2 =	sadd.s32 s3, s2  }
0x8d: {  	s2 =	sadd.s32 s2, s14  }
0x8e: {  	[smem:$0x3FB7] =	sst s2  }
0x8f: {  	_ = 	snop  }
0x90: {  	s2 =	sld [smem:$0x3FD0];
	_ =	sdelay $0x2  }
0x91: {  	s15 =	simm.s32 $0xB;
	s4 =	simm.s32 $0x10  }
0x92: {  	[smem:s4], [sflag:s15] =	dma.local [hbm:s2], $0x1  }
0x93: {  	_ =	swait.eq [sflag:s15], $0x1  }
0x94: {  	[sflag:s15] =	ssyncset.done $0x0  }
0x95: {  	[sflag:s15] =	ssyncadd.s32 $0xFFFFFFFF  }
0x96: {  	s16 =	sld [smem:$0x11];
	(tm) =	ssettm $0x1  }
0x97: {  	s17 =	sld [smem:$0x3FFB];
	_ =	sdelay $0x3  }
0x98: {  	_ =	strace s17  }
0x99: {  	s3 =	sld [smem:$0x3FFC];
	_ =	sdelay $0x3  }
0x9a: {  	_ =	strace s3  }
0x9b: {  	s3 =	sld [smem:$0x3FFD];
	_ =	sdelay $0x3  }
0x9c: {  	_ =	strace s3  }
0x9d: {  	_ =	strace $0x8FFFFFFF  }
0x9e: {  	s18 =	sld [smem:$0x3FDB];
	_ =	sdelay $0x1  }
0x9f: {  	s19 =	simm.s32 $_scs_section_size  }
0xa0: {  	s5 =	simm.s32 $_size__tile_overlayer_lowered;
	s6 =	simm.s32 $_tile_overlayer_lowered  }
0xa1: {  	s22 =	simm.s32 $0x1BFF;
	s21 =	sshll.u32 s6, $0x1;
	s3 =	sadd.s32 s19, s18  }
0xa2: {  	s7 =	simm.s32 $0x0;
	s20 =	sshll.u32 s5, $0x1;
	s5 =	sadd.s32 s21, s3  }
0xa3: {  	[timem:s7], [sflag:s22] =	dma.local [hbm:s5], s20  }
0xa4: {  	_ =	swait.ge [sflag:s22], s20  }
0xa5: {  	s4 =	ssub.s32 $0x0, s20;
	[sflag:s22] =	ssyncset.done $0x0  }
0xa6: {  	[sflag:s22] =	ssyncadd.s32 s4;
	_ =	sdelay $0x1  }
0xa7: {  	s23 =	simm.s32 $0x1B8B  }
0xa8: {  	_ =	swait.ge [sflag:s23], $0x1  }
0xa9: {  	[sflag:s23] =	ssyncset.done $0x0  }
0xaa: {  	s25 =	simm.s32 $0x1B8E;
	s24 =	sld [smem:$0x3FFE];
	[sflag:s23] =	ssyncadd.s32 $0xFFFFFFFF  }
0xab: {  	s26 =	simm.s32 $execute0_lowered;
	[smem:$0x3FD2] =	sst s25  }
0xac: {  	s5 =	sshll.u32 s26, $0x1;
	_ =	strace $0x80000046;
	[dreg:$0x1] =	wrdreg $0xFFFFFFFF  }
0xad: {  	s28 =	simm.s32 $_size_execute0_lowered;
	s3 =	sadd.s32 s3, s5;
	[dreg:$0x0] =	wrdreg $0x0  }
0xae: {  	s5 =	sshll.u32 s28, $0x1;
	[dreg:$0x2] =	wrdreg s3  }
0xaf: {  	[dreg:$0x3] =	wrdreg s5  }
0xb0: {  	[dreg:$0x4] =	wrdreg $0xC0  }
0xb1: {  	_ =	task [dreg:s7], $0x5FFFF  }
0xb2: {  	[dreg:$0x1] =	wrdreg $0xFFFFFFFF  }
0xb3: {  	[dreg:$0x0] =	wrdreg $0x60  }
0xb4: {  	[dreg:$0x2] =	wrdreg s16  }
0xb5: {  	[dreg:$0x3] =	wrdreg s24  }
0xb6: {  	[dreg:$0x4] =	wrdreg $0x9  }
0xb7: {  	_ =	task.clear_ibuf [dreg:s7], $0x5FFFF;
	_ =	strace $0x90000046  }
0xb8: {  	s29 =	simm.s32 $0x9;
	_ =	strace $0x80000048  }
0xb9: {  	_ =	swait.ge [sflag:s29], $0x1  }
0xba: {  	[sflag:s29] =	ssyncadd.s32 $0xFFFFFFFF  }
0xbb: {  	_ =	strace $0x90000048  }
0xbc: {  	_ =	sfence  }
0xbd: {  	s30 =	sld [smem:$0x0];
	_ =	sdelay $0x2  }
0xbe: {  	s31 =	sshll.u32 s1, $0xD;
	s1 =	sshrl.u32 s1, $0x2  }
0xbf: {  	s3 =	sand.u32 $0x4000, s31;
	s1 =	sadd.s32 s1, s30  }
0xc0: {  	s0 =	sor.u32 s3, s0;
	s1 =	sshll.u32 s1, $0x11  }
0xc1: {  	s0 =	sor.u32 s1, s0  }
0xc2: {  	s0 =	sadd.s32 $0x8F2B, s0  }
0xc3: {  	[sflag:s0] =	ssyncadd.remote.s32 $0x1  }
0xc4: {  	_ =	sfence.sel $0xFFFF  }
0xc5: {  	[dreg:$0x0] =	wrdreg $0xFFFFFFFF;
	(pc) =	sbr.abs _section_cstart, $3  }
0xc6: {  	[dreg:$0x1] =	wrdreg $0xFFFFFFFF  }
0xc7: {  	_ =	task.clear_ibuf [dreg:s7], $0x2FFFF;
	_ =	strace $0x9FFFFFFF  }
0xc8: {  	(tm) =	ssettm $0x7FFFFFFF  }
0xc9: {  	_ =	shalt  }
tec
execute0_lowered:
.L_overlay_start_1:
0x0: {  	(tag) =	ssettag $0x1  }
0x1: {  	s1 =	rddreg [dreg:$0x0]  }
0x2: {  	s0 =	rddreg [dreg:$0x1]  }
0x3: {  	s2 =	srdreg.scid;
	s3 =	simm.s32 $0x0;
	s29 =	stileid.u32  }
0x4: {  	s15 =	simm.s32 $0x100;
	s18 =	simm.s32 $0x50;
	s19 =	simm.s32 $0x200  }
0x5: {  	s20 =	simm.s32 $0x5200;
	s21 =	simm.s32 $0x2;
	s22 =	simm.s32 $0xA200  }
0x6: {  	s23 =	simm.s32 $0x3;
	s24 =	simm.s32 $0x1;
	s25 =	simm.s32 $0xCA00  }
0x7: {  	s26 =	simm.s32 $0x0;
	s5 =	sand.u32 $0x1, s2;
	s11 =	smul.u32 $0x2710, s29  }
0x8: {  	[smem:$0x7FF] =	sst s3;
	s12 =	smul.u32 $0x27100, s29;
	s4 =	sshll.u32 s5, $0x4  }
0x9: {  	s6 =	smul.u32 $0x271000, s5;
	_ =	strace $0x80000047;
	s8 =	ssub.s32 $0x2, s5  }
0xa: {  	s9 =	smul.u32 $0x27100, s5;
	s5 =	sadd.s32 $0x2C00, s0;
	s4 =	sor.u32 s29, s4  }
0xb: {  	s10 =	sshrl.u32 s8, $0x1;
	s7 =	smul.u32 $0x2710, s4;
	s4 =	sadd.s32 $0xCA00, s0  }
0xc: {  	s0 =	sadd.s32 s6, s0;
	s10 =	ssub.s32 s8, s10;
	s13 =	sadd.s32 s11, s9  }
.Ltmp0:
0xd: {  	s11 =	sadd.s32 $0xF0, s13;
	s10 =	smax.u32 s10, $0x1;
	(pc) =	sbr.rel .LBB2_1-.Ltmp0, $4  }
0xe: {  	s0 =	sadd.s32 s12, s0;
	s13 =	sadd.s32 $0xA0, s13;
	s30 =	sshrl.u32 s7, $0x3  }
0xf: {  	s14 =	sshrl.u32 s11, $0x3;
	s6 =	sadd.s32 s4, s30;
	s7 =	sadd.s32 s5, s30  }
0x10: {  	s31 =	sadd.s32 $0xA, s30;
	s11 =	sadd.s32 s14, s5;
	s12 =	sadd.s32 s14, s4  }
0x11: {  	s14 =	sadd.s32 $0x3DA00, s0;
	s8 =	sadd.s32 s4, s31;
	s9 =	sadd.s32 s5, s31  }
.LBB2_6:
0x12: {  	s26 =	sadd.s32 $0x1, s26  }
0x13: {  	_ =	swait.ge [sflag:s23], $0x2800;
	p0 =	sne.s32 s26, s10  }
.Ltmp1:
0x14: {  	[sflag:s23] =	ssyncset.done $0x0;
	(pc) =	sbr.rel @!p0 .LBB2_7-.Ltmp1, $4  }
0x15: {  	[sflag:s23] =	ssyncadd.s32 $0xFFFFD800  }
0x16: {  	_ =	swait.ge [sflag:s23], $0x2800  }
0x17: {  	[sflag:s23] =	ssyncset.done $0x0  }
0x18: {  	[sflag:s23] =	ssyncadd.s32 $0xFFFFD800  }
.LBB2_1:
0x19: {  	[tilespmem:s3], [sflag:$0x1] =	stream.linear.gather [hbm4b:s6+s3], $0x50, $0x38;
	[tilespmem:$0xF200] =	vst v63  }
0x1a: {  	_ = 	snop  }
0x1b: {  	[tilespmem:s15], [sflag:$0x1] =	stream.linear.gather [hbm4b:s7+s3], $0x50, $0x38;
	[tilespmem:$0xF200] =	vst v63  }
0x1c: {  	s0 =	simm.s32 $0x80  }
0x1d: {  	[tilespmem:s0], [sflag:$0x1] =	stream.linear.gather [hbm4b:s8+s3], $0x50, $0x38;
	[tilespmem:$0xF200] =	vst v63  }
0x1e: {  	s17 =	simm.s32 $0x180  }
0x1f: {  	[tilespmem:s17], [sflag:$0x1] =	stream.linear.gather [hbm4b:s9+s3], $0x50, $0x38;
	[tilespmem:$0xF200] =	vst v63  }
0x20: {  	_ =	swait.ge [sflag:s24], $0x50  }
0x21: {  	[sflag:s24] =	ssyncset.done $0x0  }
0x22: {  	[sflag:s24] =	ssyncadd.s32 $0xFFFFFFB0  }
0x23: {  	_ =	swait.ge [sflag:s24], $0x50  }
.Ltmp2:
0x24: {  	[sflag:s24] =	ssyncset.done $0x0;
	(pc) =	sbr.rel .LBB2_2-.Ltmp2, $4  }
0x25: {  	s28 =	simm.s32 $0x1;
	s29 =	smov.u32 s14;
	[sflag:s24] =	ssyncadd.s32 $0xFFFFFFB0  }
0x26: {  	[tilespmem:s19], [sflag:$0x2] =	stream.indirect.gather [hbm4b:s1+s18], $0x80, s3, s18, $0xb8;
	[tilespmem:$0xF200] =	vst v63  }
0x27: {  	s30 =	smov.u32 s13;
	s31 =	simm.s32 $0x0;
	s0 =	simm.s32 $0x0  }
0x28: {  	[tilespmem:s20], [sflag:$0x2] =	stream.indirect.gather [hbm4b:s1+s18], $0x80, s15, s18, $0xb8;
	[tilespmem:$0xF200] =	vst v63  }
.LBB2_5:
0x29: {  	s31 =	sadd.s32 $0x14, s31  }
0x2a: {  	p0 =	sne.s32 s31, $0x4EC  }
.Ltmp3:
0x2b: {  	_ = 	snop;
	(pc) =	sbr.rel @!p0 .LBB2_6-.Ltmp3, $3  }
0x2c: {  	_ =	sdelay $0x1  }
0x2d: {  	s0 =	sadd.s32 $0x1, s0  }
0x2e: {  	s30 =	sadd.s32 $0xA0, s30;
	s29 =	sadd.s32 $0xA00, s29;
	s28 =	sadd.s32 $0x2, s28  }
.LBB2_2:
0x2f: {  	p0 =	sgt.u32 s28, $0x7C  }
0x30: {  	s2 =	simm.s32 @!p0 $0x1  }
0x31: {  	_ =	swait.ge @!p0 [sflag:s2], $0x50  }
0x32: {  	[sflag:s2] =	ssyncset.done @!p0 $0x0  }
0x33: {  	[sflag:s2] =	ssyncadd.s32 @!p0 $0xFFFFFFB0  }
0x34: {  	p1 =	seq.s32 @!p0 s31, $0x0;
	_ =	swait.ge @!p0 [sflag:s2], $0x50  }
0x35: {  	p1 =	por p1, p0;
	[sflag:s2] =	ssyncset.done @!p0 $0x0  }
0x36: {  	[sflag:s2] =	ssyncadd.s32 @!p0 $0xFFFFFFB0;
	s2 =	simm.s32 @!p1 $0x3  }
0x37: {  	_ =	swait.ge @!p1 [sflag:s2], $0x2800  }
0x38: {  	s16 =	simm.s32 @!p0 $0x80;
	[sflag:s2] =	ssyncset.done @!p1 $0x0  }
0x39: {  	s17 =	simm.s32 @!p0 $0x2A00;
	[sflag:s2] =	ssyncadd.s32 @!p1 $0xFFFFD800;
	s2 =	simm.s32 @!p0 $0x50  }
0x3a: {  	[tilespmem:s17], [sflag:$0x2] =	stream.indirect.gather @!p0 [hbm4b:s1+s2], $0x80, s16, s2, $0xb8;
	[tilespmem:$0xF200] =	vst v63  }
0x3b: {  	s16 =	simm.s32 @!p0 $0x180;
	s17 =	simm.s32 @!p0 $0x7A00  }
0x3c: {  	[tilespmem:s17], [sflag:$0x2] =	stream.indirect.gather @!p0 [hbm4b:s1+s2], $0x80, s16, s2, $0xb8;
	[tilespmem:$0xF200] =	vst v63  }
0x3d: {  	_ =	swait.ge [sflag:s21], $0x2800  }
0x3e: {  	[sflag:s21] =	ssyncset.done $0x0  }
0x3f: {  	[sflag:s21] =	ssyncadd.s32 $0xFFFFD800  }
0x40: {  	_ =	swait.ge [sflag:s21], $0x2800  }
0x41: {  	[sflag:s21] =	ssyncset.done $0x0  }
0x42: {  	[sflag:s21] =	ssyncadd.s32 $0xFFFFD800  }
0x43: {  	v4 =	vld [tilespmem:$0x1100];
	_ =	sdelay $0x4  }
0x44: {  	[tilespmem:$0x1F9C0] =	vst v4;
	v4 =	vld [tilespmem:$0x1110];
	_ =	sdelay $0x4  }
0x45: {  	[tilespmem:$0x1F9D0] =	vst v4;
	v4 =	vld [tilespmem:$0x1180];
	_ =	sdelay $0x4  }
0x46: {  	[tilespmem:$0x1F9E0] =	vst v4;
	v4 =	vld [tilespmem:$0x1190];
	_ =	sdelay $0x4  }
0x47: {  	[tilespmem:$0x1F9F0] =	vst v4;
	v4 =	vld [tilespmem:$0x1200];
	_ =	sdelay $0x4  }
0x48: {  	[tilespmem:$0x1FA00] =	vst v4;
	v4 =	vld [tilespmem:$0x1210];
	_ =	sdelay $0x4  }
0x49: {  	[tilespmem:$0x1FA10] =	vst v4;
	v4 =	vld [tilespmem:$0x1280];
	_ =	sdelay $0x4  }
0x4a: {  	[tilespmem:$0x1FA20] =	vst v4;
	v4 =	vld [tilespmem:$0x1290];
	_ =	sdelay $0x4  }
0x4b: {  	[tilespmem:$0x1FA30] =	vst v4;
	v4 =	vld [tilespmem:$0x1300];
	_ =	sdelay $0x4  }
0x4c: {  	[tilespmem:$0x1FA40] =	vst v4;
	v4 =	vld [tilespmem:$0x1310];
	_ =	sdelay $0x4  }
0x4d: {  	[tilespmem:$0x1FA50] =	vst v4;
	v4 =	vld [tilespmem:$0x1380];
	_ =	sdelay $0x4  }
0x4e: {  	[tilespmem:$0x1FA60] =	vst v4;
	v4 =	vld [tilespmem:$0x1390];
	_ =	sdelay $0x4  }
0x4f: {  	[tilespmem:$0x1FA70] =	vst v4;
	v4 =	vld [tilespmem:$0x1400];
	_ =	sdelay $0x4  }
0x50: {  	[tilespmem:$0x1FA80] =	vst v4;
	v4 =	vld [tilespmem:$0x1410];
	_ =	sdelay $0x4  }
0x51: {  	[tilespmem:$0x1FA90] =	vst v4;
	v4 =	vld [tilespmem:$0x1480];
	_ =	sdelay $0x4  }
0x52: {  	[tilespmem:$0x1FAA0] =	vst v4;
	v4 =	vld [tilespmem:$0x1490];
	_ =	sdelay $0x4  }
0x53: {  	[tilespmem:$0x1FAB0] =	vst v4;
	v4 =	vld [tilespmem:$0x1500];
	_ =	sdelay $0x4  }
0x54: {  	[tilespmem:$0x1FAC0] =	vst v4;
	v4 =	vld [tilespmem:$0x1510];
	_ =	sdelay $0x4  }
0x55: {  	[tilespmem:$0x1FAD0] =	vst v4;
	v4 =	vld [tilespmem:$0x1580];
	_ =	sdelay $0x4  }
0x56: {  	[tilespmem:$0x1FAE0] =	vst v4;
	v4 =	vld [tilespmem:$0x1590];
	_ =	sdelay $0x4  }
0x57: {  	[tilespmem:$0x1FAF0] =	vst v4;
	v4 =	vld [tilespmem:$0x1600];
	_ =	sdelay $0x4  }
0x58: {  	[tilespmem:$0x1FB00] =	vst v4;
	v4 =	vld [tilespmem:$0x1610];
	_ =	sdelay $0x4  }
0x59: {  	[tilespmem:$0x1FB10] =	vst v4;
	v4 =	vld [tilespmem:$0x1680];
	_ =	sdelay $0x4  }
0x5a: {  	[tilespmem:$0x1FB20] =	vst v4;
	v4 =	vld [tilespmem:$0x1690];
	_ =	sdelay $0x4  }
0x5b: {  	[tilespmem:$0x1FB30] =	vst v4;
	v4 =	vld [tilespmem:$0x1700];
	_ =	sdelay $0x4  }
0x5c: {  	[tilespmem:$0x1FB40] =	vst v4;
	v4 =	vld [tilespmem:$0x1710];
	_ =	sdelay $0x4  }
0x5d: {  	[tilespmem:$0x1FB50] =	vst v4;
	v4 =	vld [tilespmem:$0x1780];
	_ =	sdelay $0x4  }
0x5e: {  	[tilespmem:$0x1FB60] =	vst v4;
	v4 =	vld [tilespmem:$0x1790];
	_ =	sdelay $0x4  }
0x5f: {  	[tilespmem:$0x1FB70] =	vst v4;
	v4 =	vld [tilespmem:$0x1800];
	_ =	sdelay $0x4  }
0x60: {  	[tilespmem:$0x1FB80] =	vst v4;
	v4 =	vld [tilespmem:$0x1810];
	_ =	sdelay $0x4  }
0x61: {  	[tilespmem:$0x1FB90] =	vst v4;
	v4 =	vld [tilespmem:$0x1880];
	_ =	sdelay $0x4  }
0x62: {  	[tilespmem:$0x1FBA0] =	vst v4;
	v4 =	vld [tilespmem:$0x1890];
	_ =	sdelay $0x4  }
0x63: {  	[tilespmem:$0x1FBB0] =	vst v4;
	v4 =	vld [tilespmem:$0x1900];
	_ =	sdelay $0x4  }
0x64: {  	[tilespmem:$0x1FBC0] =	vst v4;
	v4 =	vld [tilespmem:$0x1910];
	_ =	sdelay $0x4  }
0x65: {  	[tilespmem:$0x1FBD0] =	vst v4;
	v4 =	vld [tilespmem:$0x1980];
	_ =	sdelay $0x4  }
0x66: {  	[tilespmem:$0x1FBE0] =	vst v4;
	v4 =	vld [tilespmem:$0x1990];
	_ =	sdelay $0x4  }
0x67: {  	[tilespmem:$0x1FBF0] =	vst v4;
	v4 =	vld [tilespmem:$0x1A00];
	_ =	sdelay $0x4  }
0x68: {  	[tilespmem:$0x1FC00] =	vst v4;
	v4 =	vld [tilespmem:$0x1A10];
	_ =	sdelay $0x4  }
0x69: {  	[tilespmem:$0x1FC10] =	vst v4;
	v4 =	vld [tilespmem:$0x1A80];
	_ =	sdelay $0x4  }
0x6a: {  	[tilespmem:$0x1FC20] =	vst v4;
	v4 =	vld [tilespmem:$0x1A90];
	_ =	sdelay $0x4  }
0x6b: {  	[tilespmem:$0x1FC30] =	vst v4;
	v4 =	vld [tilespmem:$0x1B00];
	_ =	sdelay $0x4  }
0x6c: {  	[tilespmem:$0x1FC40] =	vst v4;
	v4 =	vld [tilespmem:$0x1B10];
	_ =	sdelay $0x4  }
0x6d: {  	[tilespmem:$0x1FC50] =	vst v4;
	v4 =	vld [tilespmem:$0x1B80];
	_ =	sdelay $0x4  }
0x6e: {  	[tilespmem:$0x1FC60] =	vst v4;
	v4 =	vld [tilespmem:$0x1B90];
	_ =	sdelay $0x4  }
0x6f: {  	[tilespmem:$0x1FC70] =	vst v4;
	v4 =	vld [tilespmem:$0x1C00];
	_ =	sdelay $0x4  }
0x70: {  	[tilespmem:$0x1FC80] =	vst v4;
	v4 =	vld [tilespmem:$0x1C10];
	_ =	sdelay $0x4  }
0x71: {  	[tilespmem:$0x1FC90] =	vst v4;
	v4 =	vld [tilespmem:$0x1C80];
	_ =	sdelay $0x1  }
0x72: {  	v5 =	vld [tilespmem:$0x200]  }
0x73: {  	v6 =	vld [tilespmem:$0x210]  }
0x74: {  	v7 =	vld [tilespmem:$0x280]  }
0x75: {  	[tilespmem:$0x1FCA0] =	vst v4;
	v4 =	vld [tilespmem:$0x1C90]  }
0x76: {  	v8 =	vld [tilespmem:$0x290]  }
0x77: {  	v9 =	vld [tilespmem:$0x300]  }
0x78: {  	v10 =	vld [tilespmem:$0x310]  }
0x79: {  	v11 =	vld [tilespmem:$0x380]  }
0x7a: {  	[tilespmem:$0x1FCB0] =	vst v4;
	v4 =	vld [tilespmem:$0x1D00]  }
0x7b: {  	v12 =	vld [tilespmem:$0x390]  }
0x7c: {  	v13 =	vld [tilespmem:$0x400]  }
0x7d: {  	v14 =	vld [tilespmem:$0x410]  }
0x7e: {  	v15 =	vld [tilespmem:$0x480]  }
0x7f: {  	[tilespmem:$0x1FCC0] =	vst v4;
	v4 =	vld [tilespmem:$0x1D10]  }
0x80: {  	v16 =	vld [tilespmem:$0x490]  }
0x81: {  	v17 =	vld [tilespmem:$0x500]  }
0x82: {  	v18 =	vld [tilespmem:$0x510]  }
0x83: {  	v19 =	vld [tilespmem:$0x580]  }
0x84: {  	[tilespmem:$0x1FCD0] =	vst v4;
	v4 =	vld [tilespmem:$0x1D80]  }
0x85: {  	v20 =	vld [tilespmem:$0x590]  }
0x86: {  	v21 =	vld [tilespmem:$0x600]  }
0x87: {  	v22 =	vld [tilespmem:$0x610]  }
0x88: {  	v23 =	vld [tilespmem:$0x680]  }
0x89: {  	[tilespmem:$0x1FCE0] =	vst v4;
	v4 =	vld [tilespmem:$0x1D90]  }
0x8a: {  	v24 =	vld [tilespmem:$0x690]  }
0x8b: {  	v25 =	vld [tilespmem:$0x700]  }
0x8c: {  	v26 =	vld [tilespmem:$0x710]  }
0x8d: {  	v27 =	vld [tilespmem:$0x780]  }
0x8e: {  	[tilespmem:$0x1FCF0] =	vst v4;
	v4 =	vld [tilespmem:$0x1E00]  }
0x8f: {  	v28 =	vld [tilespmem:$0x790]  }
0x90: {  	v29 =	vld [tilespmem:$0x800]  }
0x91: {  	v30 =	vld [tilespmem:$0x810]  }
0x92: {  	v31 =	vld [tilespmem:$0x880]  }
0x93: {  	[tilespmem:$0x1FD00] =	vst v4;
	v4 =	vld [tilespmem:$0x1E10]  }
0x94: {  	v32 =	vld [tilespmem:$0x890]  }
0x95: {  	v33 =	vld [tilespmem:$0x900]  }
0x96: {  	v34 =	vld [tilespmem:$0x910]  }
0x97: {  	v35 =	vld [tilespmem:$0x980]  }
0x98: {  	[tilespmem:$0x1FD10] =	vst v4;
	v4 =	vld [tilespmem:$0x1E80]  }
0x99: {  	v36 =	vld [tilespmem:$0x990]  }
0x9a: {  	v37 =	vld [tilespmem:$0xA00]  }
0x9b: {  	v38 =	vld [tilespmem:$0xA10]  }
0x9c: {  	v39 =	vld [tilespmem:$0xA80]  }
0x9d: {  	[tilespmem:$0x1FD20] =	vst v4;
	v4 =	vld [tilespmem:$0x1E90]  }
0x9e: {  	v40 =	vld [tilespmem:$0xA90]  }
0x9f: {  	v41 =	vld [tilespmem:$0xB00]  }
0xa0: {  	v42 =	vld [tilespmem:$0xB10]  }
0xa1: {  	v43 =	vld [tilespmem:$0xB80]  }
0xa2: {  	[tilespmem:$0x1FD30] =	vst v4;
	v4 =	vld [tilespmem:$0x1F00]  }
0xa3: {  	v44 =	vld [tilespmem:$0xB90]  }
0xa4: {  	v45 =	vld [tilespmem:$0xC00]  }
0xa5: {  	v46 =	vld [tilespmem:$0xC10]  }
0xa6: {  	v47 =	vld [tilespmem:$0xC80]  }
0xa7: {  	[tilespmem:$0x1FD40] =	vst v4;
	v4 =	vld [tilespmem:$0x1F10]  }
0xa8: {  	v48 =	vld [tilespmem:$0xC90]  }
0xa9: {  	v49 =	vld [tilespmem:$0xD00]  }
0xaa: {  	v50 =	vld [tilespmem:$0xD10]  }
0xab: {  	v51 =	vld [tilespmem:$0xD80]  }
0xac: {  	[tilespmem:$0x1FD50] =	vst v4;
	v4 =	vld [tilespmem:$0x1F80]  }
0xad: {  	v52 =	vld [tilespmem:$0xD90]  }
0xae: {  	v53 =	vld [tilespmem:$0xE00]  }
0xaf: {  	v54 =	vld [tilespmem:$0xE10]  }
0xb0: {  	v55 =	vld [tilespmem:$0xE80]  }
0xb1: {  	[tilespmem:$0x1FD60] =	vst v4;
	v4 =	vld [tilespmem:$0x1F90]  }
0xb2: {  	v56 =	vld [tilespmem:$0xE90]  }
0xb3: {  	v57 =	vld [tilespmem:$0xF00]  }
0xb4: {  	v58 =	vld [tilespmem:$0xF10]  }
0xb5: {  	v0 =	vld [tilespmem:$0x1090]  }
0xb6: {  	[tilespmem:$0x1FD70] =	vst v4;
	v4 =	vld [tilespmem:$0x2000]  }
0xb7: {  	v59 =	vld [tilespmem:$0xF80]  }
0xb8: {  	v60 =	vld [tilespmem:$0xF90]  }
0xb9: {  	v61 =	vld [tilespmem:$0x1000]  }
0xba: {  	v62 =	vld [tilespmem:$0x1010];
	[tilespmem:$0x1F9B0] =	vst v0  }
0xbb: {  	v63 =	vld [tilespmem:$0x1080];
	[tilespmem:$0x1FD80] =	vst v4  }
0xbc: {  	v0 =	vld [tilespmem:$0x2010]  }
0xbd: {  	v4 =	vld [tilespmem:$0x2080];
	_ =	sdelay $0x4  }
0xbe: {  	[tilespmem:$0x1FDA0] =	vst v4;
	v4 =	vld [tilespmem:$0x2090];
	_ =	sdelay $0x4  }
0xbf: {  	[tilespmem:$0x1FDB0] =	vst v4;
	v4 =	vld [tilespmem:$0x2100];
	_ =	sdelay $0x4  }
0xc0: {  	[tilespmem:$0x1FDC0] =	vst v4;
	v4 =	vld [tilespmem:$0x2110];
	_ =	sdelay $0x4  }
0xc1: {  	[tilespmem:$0x1FDD0] =	vst v4;
	v4 =	vld [tilespmem:$0x2180];
	_ =	sdelay $0x4  }
0xc2: {  	[tilespmem:$0x1FDE0] =	vst v4;
	v4 =	vld [tilespmem:$0x2190];
	_ =	sdelay $0x4  }
0xc3: {  	[tilespmem:$0x1FDF0] =	vst v4;
	v4 =	vld [tilespmem:$0x2200];
	_ =	sdelay $0x4  }
0xc4: {  	[tilespmem:$0x1FE00] =	vst v4;
	v4 =	vld [tilespmem:$0x2210];
	_ =	sdelay $0x4  }
0xc5: {  	[tilespmem:$0x1FE10] =	vst v4;
	v4 =	vld [tilespmem:$0x2280];
	_ =	sdelay $0x4  }
0xc6: {  	[tilespmem:$0x1FE20] =	vst v4;
	v4 =	vld [tilespmem:$0x2290];
	_ =	sdelay $0x4  }
0xc7: {  	[tilespmem:$0x1FE30] =	vst v4;
	v4 =	vld [tilespmem:$0x2300];
	_ =	sdelay $0x4  }
0xc8: {  	[tilespmem:$0x1FE40] =	vst v4;
	v4 =	vld [tilespmem:$0x2310];
	_ =	sdelay $0x4  }
0xc9: {  	[tilespmem:$0x1FE50] =	vst v4;
	v4 =	vld [tilespmem:$0x2380];
	_ =	sdelay $0x4  }
0xca: {  	[tilespmem:$0x1FE60] =	vst v4;
	v4 =	vld [tilespmem:$0x2390];
	_ =	sdelay $0x4  }
0xcb: {  	[tilespmem:$0x1FE70] =	vst v4;
	v4 =	vld [tilespmem:$0x2400];
	_ =	sdelay $0x4  }
0xcc: {  	[tilespmem:$0x1FE80] =	vst v4;
	v4 =	vld [tilespmem:$0x2410];
	_ =	sdelay $0x4  }
0xcd: {  	[tilespmem:$0x1FE90] =	vst v4;
	v4 =	vld [tilespmem:$0x2480];
	_ =	sdelay $0x4  }
0xce: {  	[tilespmem:$0x1FEA0] =	vst v4;
	v4 =	vld [tilespmem:$0x2490];
	_ =	sdelay $0x4  }
0xcf: {  	[tilespmem:$0x1FEB0] =	vst v4;
	v4 =	vld [tilespmem:$0x2500];
	_ =	sdelay $0x4  }
0xd0: {  	[tilespmem:$0x1FEC0] =	vst v4;
	v4 =	vld [tilespmem:$0x2510];
	_ =	sdelay $0x4  }
0xd1: {  	[tilespmem:$0x1FED0] =	vst v4;
	v4 =	vld [tilespmem:$0x2580];
	_ =	sdelay $0x4  }
0xd2: {  	[tilespmem:$0x1FEE0] =	vst v4;
	v4 =	vld [tilespmem:$0x2590];
	_ =	sdelay $0x4  }
0xd3: {  	[tilespmem:$0x1FEF0] =	vst v4;
	v4 =	vld [tilespmem:$0x2600];
	_ =	sdelay $0x4  }
0xd4: {  	[tilespmem:$0x1FF00] =	vst v4;
	v4 =	vld [tilespmem:$0x2610];
	_ =	sdelay $0x4  }
0xd5: {  	[tilespmem:$0x1FF10] =	vst v4;
	v4 =	vld [tilespmem:$0x2680];
	_ =	sdelay $0x4  }
0xd6: {  	[tilespmem:$0x1FF20] =	vst v4;
	v4 =	vld [tilespmem:$0x2690];
	_ =	sdelay $0x4  }
0xd7: {  	[tilespmem:$0x1FF30] =	vst v4;
	v4 =	vld [tilespmem:$0x2700];
	_ =	sdelay $0x4  }
0xd8: {  	[tilespmem:$0x1FF40] =	vst v4;
	v4 =	vld [tilespmem:$0x2710];
	_ =	sdelay $0x4  }
0xd9: {  	[tilespmem:$0x1FF50] =	vst v4;
	v4 =	vld [tilespmem:$0x2780];
	_ =	sdelay $0x4  }
0xda: {  	[tilespmem:$0x1FF60] =	vst v4;
	v4 =	vld [tilespmem:$0x2790];
	_ =	sdelay $0x4  }
0xdb: {  	[tilespmem:$0x1FF70] =	vst v4;
	v4 =	vld [tilespmem:$0x2800];
	_ =	sdelay $0x4  }
0xdc: {  	[tilespmem:$0x1FF80] =	vst v4;
	v4 =	vld [tilespmem:$0x2810];
	_ =	sdelay $0x3  }
0xdd: {  	v1 =	vld [tilespmem:$0x5230]  }
0xde: {  	[tilespmem:$0x1FF90] =	vst v4;
	v4 =	vld [tilespmem:$0x2880];
	_ =	sdelay $0x1  }
0xdf: {  	[tilespmem:$0x1FD90] =	vst v0;
	v0 =	vld [tilespmem:$0x5220];
	_ =	sdelay $0x1  }
0xe0: {  	v2 =	vld [tilespmem:$0x52A0]  }
0xe1: {  	v1 =	vadd.f32 v1, v6;
	[tilespmem:$0x1FFA0] =	vst v4;
	v4 =	vld [tilespmem:$0x2890]  }
0xe2: {  	v3 =	vld [tilespmem:$0x52B0]  }
0xe3: {  	[tilespmem:$0xA210] =	vst v1;
	v1 =	vld [tilespmem:$0x5420];
	v0 =	vadd.f32 v0, v5  }
0xe4: {  	v6 =	vld [tilespmem:$0x53A0]  }
0xe5: {  	[tilespmem:$0xA200] =	vst v0;
	v0 =	vld [tilespmem:$0x53B0]  }
0xe6: {  	[tilespmem:$0x1FFB0] =	vst v4;
	v4 =	vld [tilespmem:$0x2900]  }
0xe7: {  	v5 =	vld [tilespmem:$0x5330]  }
0xe8: {  	v1 =	vadd.f32 v1, v13;
	v13 =	vld [tilespmem:$0x5530]  }
0xe9: {  	v6 =	vadd.f32 v6, v11;
	v11 =	vld [tilespmem:$0x54B0]  }
0xea: {  	v0 =	vadd.f32 v0, v12;
	v12 =	vld [tilespmem:$0x5520]  }
0xeb: {  	[tilespmem:$0x1FFC0] =	vst v4;
	v4 =	vld [tilespmem:$0x2910]  }
0xec: {  	v5 =	vadd.f32 v5, v10;
	v10 =	vld [tilespmem:$0x54A0]  }
0xed: {  	[tilespmem:$0xA380] =	vst v6;
	v6 =	vadd.f32 v13, v18;
	v18 =	vld [tilespmem:$0x56A0]  }
0xee: {  	v13 =	vld [tilespmem:$0x5D30]  }
0xef: {  	v3 =	vadd.f32 v3, v8;
	[tilespmem:$0xA310] =	vst v5;
	v5 =	vadd.f32 v12, v17;
	v17 =	vld [tilespmem:$0x5630]  }
0xf0: {  	[tilespmem:$0x1FFD0] =	vst v4;
	v4 =	vld [tilespmem:$0x2980]  }
0xf1: {  	[tilespmem:$0xA290] =	vst v3;
	v3 =	vadd.f32 v10, v15;
	v15 =	vld [tilespmem:$0x55B0]  }
0xf2: {  	v10 =	vld [tilespmem:$0x5CA0]  }
0xf3: {  	v12 =	vld [tilespmem:$0x5D20]  }
0xf4: {  	[tilespmem:$0xA480] =	vst v3;
	v3 =	vadd.f32 v17, v22;
	v22 =	vld [tilespmem:$0x57A0]  }
0xf5: {  	[tilespmem:$0x1FFE0] =	vst v4;
	v4 =	vld [tilespmem:$0x2990]  }
0xf6: {  	[tilespmem:$0xA400] =	vst v1;
	v1 =	vadd.f32 v15, v20;
	v20 =	vld [tilespmem:$0x5720]  }
0xf7: {  	v15 =	vld [tilespmem:$0x5DB0]  }
0xf8: {  	v17 =	vld [tilespmem:$0x5E30]  }
0xf9: {  	[tilespmem:$0xA590] =	vst v1;
	v1 =	vadd.f32 v22, v27;
	v27 =	vld [tilespmem:$0x58B0]  }
0xfa: {  	[tilespmem:$0x1FFF0] =	vst v4;
	v4 =	vld [tilespmem:$0x5320]  }
0xfb: {  	[tilespmem:$0xA510] =	vst v6;
	v6 =	vadd.f32 v20, v25;
	v25 =	vld [tilespmem:$0x5830]  }
0xfc: {  	v20 =	vld [tilespmem:$0x5F20]  }
0xfd: {  	v22 =	vld [tilespmem:$0x5FA0]  }
0xfe: {  	[tilespmem:$0xA700] =	vst v6;
	v6 =	vadd.f32 v27, v32;
	v32 =	vld [tilespmem:$0x5A20]  }
0xff: {  	v27 =	vld [tilespmem:$0x60B0];
	v4 =	vadd.f32 v4, v9  }
0x100: {  	v9 =	vld [tilespmem:$0x5430]  }
0x101: {  	[tilespmem:$0xA300] =	vst v4;
	v4 =	vadd.f32 v11, v16;
	v16 =	vld [tilespmem:$0x5620]  }
0x102: {  	v11 =	vld [tilespmem:$0x5CB0]  }
0x103: {  	v2 =	vadd.f32 v2, v7;
	[tilespmem:$0xA490] =	vst v4;
	v4 =	vadd.f32 v18, v23;
	v23 =	vld [tilespmem:$0x57B0]  }
0x104: {  	v18 =	vld [tilespmem:$0x5EA0]  }
0x105: {  	[tilespmem:$0xA280] =	vst v2;
	v2 =	vadd.f32 v9, v14;
	v14 =	vld [tilespmem:$0x55A0]  }
0x106: {  	v9 =	vld [tilespmem:$0x5C30]  }
0x107: {  	[tilespmem:$0xA680] =	vst v4;
	v4 =	vadd.f32 v25, v30;
	v30 =	vld [tilespmem:$0x59A0]  }
0x108: {  	v25 =	vld [tilespmem:$0x6030]  }
0x109: {  	[tilespmem:$0xA410] =	vst v2;
	v2 =	vadd.f32 v16, v21;
	v21 =	vld [tilespmem:$0x5730]  }
0x10a: {  	v16 =	vld [tilespmem:$0x5E20]  }
0x10b: {  	[tilespmem:$0xA810] =	vst v4;
	v4 =	vadd.f32 v32, v37;
	v37 =	vld [tilespmem:$0x5B30]  }
0x10c: {  	v32 =	vld [tilespmem:$0x1F9B0]  }
0x10d: {  	[tilespmem:$0xA600] =	vst v2;
	v2 =	vadd.f32 v23, v28;
	v28 =	vld [tilespmem:$0x5920]  }
0x10e: {  	v23 =	vld [tilespmem:$0x5FB0]  }
0x10f: {  	[tilespmem:$0xA390] =	vst v0;
	v0 =	vadd.f32 v14, v19;
	v19 =	vld [tilespmem:$0x56B0]  }
0x110: {  	v14 =	vld [tilespmem:$0x5DA0]  }
0x111: {  	[tilespmem:$0xA790] =	vst v2;
	v2 =	vadd.f32 v30, v35;
	v35 =	vld [tilespmem:$0x5AB0]  }
0x112: {  	v30 =	vld [tilespmem:$0x61A0]  }
0x113: {  	[tilespmem:$0xA580] =	vst v0;
	v0 =	vadd.f32 v21, v26;
	v26 =	vld [tilespmem:$0x58A0]  }
0x114: {  	v21 =	vld [tilespmem:$0x5F30]  }
0x115: {  	[tilespmem:$0xA980] =	vst v2;
	v2 =	vadd.f32 v37, v42;
	v37 =	vld [tilespmem:$0x62A0]  }
0x116: {  	v42 =	vld [tilespmem:$0x1FA00]  }
0x117: {  	[tilespmem:$0xA710] =	vst v0;
	v0 =	vadd.f32 v28, v33;
	v33 =	vld [tilespmem:$0x5A30]  }
0x118: {  	v28 =	vld [tilespmem:$0x6120]  }
0x119: {  	[tilespmem:$0xA500] =	vst v5;
	v5 =	vadd.f32 v19, v24;
	v24 =	vld [tilespmem:$0x5820]  }
0x11a: {  	v19 =	vld [tilespmem:$0x5EB0]  }
0x11b: {  	[tilespmem:$0xAB10] =	vst v2;
	v2 =	vadd.f32 v12, v49;
	v49 =	vld [tilespmem:$0x6420]  }
0x11c: {  	v12 =	vld [tilespmem:$0x6630]  }
0x11d: {  	[tilespmem:$0xA900] =	vst v0;
	v0 =	vadd.f32 v35, v40;
	v40 =	vld [tilespmem:$0x5C20]  }
0x11e: {  	v35 =	vld [tilespmem:$0x6230]  }
0x11f: {  	[tilespmem:$0xA690] =	vst v5;
	v5 =	vadd.f32 v26, v31;
	v31 =	vld [tilespmem:$0x59B0]  }
0x120: {  	v26 =	vld [tilespmem:$0x60A0]  }
0x121: {  	[tilespmem:$0xAA90] =	vst v0;
	v0 =	vadd.f32 v10, v47;
	v47 =	vld [tilespmem:$0x63B0]  }
0x122: {  	v10 =	vld [tilespmem:$0x6620]  }
0x123: {  	[tilespmem:$0xA880] =	vst v5;
	v5 =	vadd.f32 v33, v38;
	v38 =	vld [tilespmem:$0x5BA0]  }
0x124: {  	v33 =	vld [tilespmem:$0x6220]  }
0x125: {  	[tilespmem:$0xA610] =	vst v3;
	v3 =	vadd.f32 v24, v29;
	v29 =	vld [tilespmem:$0x5930]  }
0x126: {  	v24 =	vld [tilespmem:$0x6020]  }
0x127: {  	[tilespmem:$0xAC80] =	vst v0;
	v0 =	vadd.f32 v17, v54;
	v54 =	vld [tilespmem:$0x1FA60]  }
0x128: {  	[tilespmem:$0xAD00] =	vst v2;
	v2 =	vadd.f32 v19, v56;
	v56 =	vld [tilespmem:$0x1FA70]  }
0x129: {  	v17 =	vld [tilespmem:$0x1FAF0]  }
0x12a: {  	v19 =	vld [tilespmem:$0x1FB00]  }
0x12b: {  	[tilespmem:$0xAA10] =	vst v5;
	v5 =	vadd.f32 v40, v45;
	v40 =	vld [tilespmem:$0x1F9F0]  }
0x12c: {  	v45 =	vld [tilespmem:$0x63A0]  }
0x12d: {  	[tilespmem:$0xA800] =	vst v3;
	v3 =	vadd.f32 v31, v36;
	v36 =	vld [tilespmem:$0x5B20]  }
0x12e: {  	v31 =	vld [tilespmem:$0x61B0]  }
0x12f: {  	[tilespmem:$0xAE90] =	vst v2;
	v2 =	vadd.f32 v26, v63;
	v63 =	vld [tilespmem:$0x65B0]  }
0x130: {  	v26 =	vld [tilespmem:$0x6820]  }
0x131: {  	[tilespmem:$0xAC00] =	vst v5;
	v5 =	vadd.f32 v15, v52;
	v52 =	vld [tilespmem:$0x1FA50]  }
0x132: {  	v15 =	vld [tilespmem:$0x1FAE0]  }
0x133: {  	[tilespmem:$0xA990] =	vst v3;
	v3 =	vadd.f32 v38, v43;
	v38 =	vld [tilespmem:$0x1F9E0]  }
0x134: {  	v43 =	vld [tilespmem:$0x6330]  }
0x135: {  	[tilespmem:$0xA780] =	vst v1;
	v1 =	vadd.f32 v29, v34;
	v34 =	vld [tilespmem:$0x5AA0]  }
0x136: {  	v29 =	vld [tilespmem:$0x6130]  }
0x137: {  	[tilespmem:$0xAD90] =	vst v5;
	v5 =	vadd.f32 v22, v59;
	v59 =	vld [tilespmem:$0x6530]  }
0x138: {  	[tilespmem:$0xAE10] =	vst v0;
	v0 =	vadd.f32 v24, v61;
	v61 =	vld [tilespmem:$0x65A0]  }
0x139: {  	v22 =	vld [tilespmem:$0x67A0]  }
0x13a: {  	v24 =	vld [tilespmem:$0x67B0]  }
0x13b: {  	[tilespmem:$0xAB80] =	vst v3;
	v3 =	vadd.f32 v13, v50;
	v50 =	vld [tilespmem:$0x1FA40]  }
0x13c: {  	v13 =	vld [tilespmem:$0x1FAD0]  }
0x13d: {  	[tilespmem:$0xA910] =	vst v1;
	v1 =	vadd.f32 v36, v41;
	v36 =	vld [tilespmem:$0x1F9D0]  }
0x13e: {  	v41 =	vld [tilespmem:$0x6320]  }
0x13f: {  	[tilespmem:$0xB000] =	vst v0;
	v0 =	vadd.f32 v31, v40;
	v31 =	vld [tilespmem:$0x1FB60]  }
0x140: {  	v40 =	vld [tilespmem:$0x69B0]  }
0x141: {  	[tilespmem:$0xAD10] =	vst v3;
	v3 =	vadd.f32 v20, v57;
	v57 =	vld [tilespmem:$0x6520]  }
0x142: {  	v20 =	vld [tilespmem:$0x6730]  }
0x143: {  	[tilespmem:$0xAB00] =	vst v1;
	v1 =	vadd.f32 v11, v48;
	v48 =	vld [tilespmem:$0x1FA30]  }
0x144: {  	v11 =	vld [tilespmem:$0x1FAC0]  }
0x145: {  	[tilespmem:$0xB190] =	vst v0;
	v0 =	vadd.f32 v45, v54;
	v45 =	vld [tilespmem:$0x1FBD0]  }
0x146: {  	v54 =	vld [tilespmem:$0x6BA0]  }
0x147: {  	[tilespmem:$0xA890] =	vst v6;
	v6 =	vadd.f32 v34, v39;
	v39 =	vld [tilespmem:$0x5BB0]  }
0x148: {  	v34 =	vld [tilespmem:$0x1F9C0]  }
0x149: {  	[tilespmem:$0xAF00] =	vst v3;
	v3 =	vadd.f32 v27, v32;
	v27 =	vld [tilespmem:$0x1FB40]  }
0x14a: {  	v32 =	vld [tilespmem:$0x68B0]  }
0x14b: {  	[tilespmem:$0xAC90] =	vst v1;
	v1 =	vadd.f32 v18, v55;
	v55 =	vld [tilespmem:$0x64B0]  }
0x14c: {  	v18 =	vld [tilespmem:$0x6720]  }
0x14d: {  	[tilespmem:$0xB380] =	vst v0;
	v0 =	vadd.f32 v59, v13;
	v59 =	vld [tilespmem:$0x1FC40]  }
0x14e: {  	v13 =	vld [tilespmem:$0x6D30]  }
0x14f: {  	[tilespmem:$0xAA80] =	vst v6;
	v6 =	vadd.f32 v9, v46;
	v46 =	vld [tilespmem:$0x1FA20]  }
0x150: {  	v9 =	vld [tilespmem:$0x1FAB0]  }
0x151: {  	[tilespmem:$0xAF80] =	vst v5;
	v5 =	vadd.f32 v29, v36;
	v29 =	vld [tilespmem:$0x1FB50]  }
0x152: {  	v36 =	vld [tilespmem:$0x6930]  }
0x153: {  	[tilespmem:$0xAE80] =	vst v1;
	v1 =	vadd.f32 v25, v62;
	v62 =	vld [tilespmem:$0x1FAA0]  }
0x154: {  	v25 =	vld [tilespmem:$0x1FB30]  }
0x155: {  	[tilespmem:$0xAC10] =	vst v6;
	v6 =	vadd.f32 v16, v53;
	v53 =	vld [tilespmem:$0x64A0]  }
0x156: {  	v16 =	vld [tilespmem:$0x66B0]  }
0x157: {  	[tilespmem:$0xB110] =	vst v5;
	v5 =	vadd.f32 v41, v50;
	v41 =	vld [tilespmem:$0x1FBB0]  }
0x158: {  	v50 =	vld [tilespmem:$0x6B20]  }
0x159: {  	[tilespmem:$0xAA00] =	vst v4;
	v4 =	vadd.f32 v39, v44;
	v39 =	vld [tilespmem:$0x62B0]  }
0x15a: {  	v44 =	vld [tilespmem:$0x1FA10]  }
0x15b: {  	[tilespmem:$0xB010] =	vst v1;
	v1 =	vadd.f32 v33, v42;
	v33 =	vld [tilespmem:$0x1FB70]  }
0x15c: {  	v42 =	vld [tilespmem:$0x6A20]  }
0x15d: {  	[tilespmem:$0xAE00] =	vst v6;
	v6 =	vadd.f32 v23, v60;
	v60 =	vld [tilespmem:$0x1FA90]  }
0x15e: {  	v23 =	vld [tilespmem:$0x1FB20]  }
0x15f: {  	[tilespmem:$0xB510] =	vst v0;
	v0 =	vadd.f32 v18, v27;
	v18 =	vld [tilespmem:$0x1FCB0]  }
0x160: {  	v27 =	vld [tilespmem:$0x6F20]  }
0x161: {  	[tilespmem:$0xAB90] =	vst v4;
	v4 =	vadd.f32 v14, v51;
	v51 =	vld [tilespmem:$0x6430]  }
0x162: {  	v14 =	vld [tilespmem:$0x66A0]  }
0x163: {  	[tilespmem:$0xB090] =	vst v3;
	v3 =	vadd.f32 v37, v46;
	v37 =	vld [tilespmem:$0x1FB90]  }
0x164: {  	v46 =	vld [tilespmem:$0x6AA0]  }
0x165: {  	[tilespmem:$0xB200] =	vst v1;
	v1 =	vadd.f32 v47, v56;
	v47 =	vld [tilespmem:$0x1FBE0]  }
0x166: {  	[tilespmem:$0xB300] =	vst v5;
	v5 =	vadd.f32 v55, v9;
	v55 =	vld [tilespmem:$0x1FC20]  }
0x167: {  	v56 =	vld [tilespmem:$0x6BB0]  }
0x168: {  	v9 =	vld [tilespmem:$0x6CB0]  }
0x169: {  	[tilespmem:$0xAF90] =	vst v6;
	v6 =	vadd.f32 v30, v38;
	v30 =	vld [tilespmem:$0x68A0]  }
0x16a: {  	v38 =	vld [tilespmem:$0x69A0]  }
0x16b: {  	[tilespmem:$0xAD80] =	vst v4;
	v4 =	vadd.f32 v21, v58;
	v58 =	vld [tilespmem:$0x1FA80]  }
0x16c: {  	v21 =	vld [tilespmem:$0x1FB10]  }
0x16d: {  	[tilespmem:$0xB390] =	vst v1;
	v1 =	vadd.f32 v61, v15;
	v61 =	vld [tilespmem:$0x1FC50]  }
0x16e: {  	v15 =	vld [tilespmem:$0x6DA0]  }
0x16f: {  	[tilespmem:$0xB700] =	vst v0;
	v0 =	vadd.f32 v32, v41;
	v32 =	vld [tilespmem:$0x1FD20]  }
0x170: {  	v41 =	vld [tilespmem:$0x70B0]  }
0x171: {  	[tilespmem:$0xB080] =	vst v2;
	v2 =	vadd.f32 v35, v44;
	v35 =	vld [tilespmem:$0x1FB80]  }
0x172: {  	[tilespmem:$0xB180] =	vst v6;
	v6 =	vadd.f32 v43, v52;
	v43 =	vld [tilespmem:$0x1FBC0]  }
0x173: {  	v44 =	vld [tilespmem:$0x6A30]  }
0x174: {  	v52 =	vld [tilespmem:$0x6B30]  }
0x175: {  	[tilespmem:$0xAF10] =	vst v4;
	v4 =	vadd.f32 v28, v34;
	v28 =	vld [tilespmem:$0x6830]  }
0x176: {  	v34 =	vld [tilespmem:$0x6920]  }
0x177: {  	[tilespmem:$0xB580] =	vst v1;
	v1 =	vadd.f32 v20, v29;
	v20 =	vld [tilespmem:$0x1FCC0]  }
0x178: {  	v29 =	vld [tilespmem:$0x6F30]  }
0x179: {  	[tilespmem:$0xB280] =	vst v3;
	v3 =	vadd.f32 v51, v60;
	v51 =	vld [tilespmem:$0x1FC00]  }
0x17a: {  	[tilespmem:$0xB310] =	vst v6;
	v6 =	vadd.f32 v57, v11;
	v57 =	vld [tilespmem:$0x1FC30]  }
0x17b: {  	v60 =	vld [tilespmem:$0x6C30]  }
0x17c: {  	v11 =	vld [tilespmem:$0x6D20]  }
0x17d: {  	[tilespmem:$0xB490] =	vst v5;
	v5 =	vadd.f32 v14, v23;
	v14 =	vld [tilespmem:$0x1FC90]  }
0x17e: {  	v23 =	vld [tilespmem:$0x6EA0]  }
0x17f: {  	[tilespmem:$0xB890] =	vst v0;
	v0 =	vadd.f32 v46, v55;
	v46 =	vld [tilespmem:$0x1FD90]  }
0x180: {  	v55 =	vld [tilespmem:$0x72A0]  }
0x181: {  	[tilespmem:$0xB100] =	vst v4;
	v4 =	vadd.f32 v39, v48;
	v39 =	vld [tilespmem:$0x1FBA0]  }
0x182: {  	v48 =	vld [tilespmem:$0x6AB0]  }
0x183: {  	[tilespmem:$0xB210] =	vst v2;
	v2 =	vadd.f32 v49, v58;
	v49 =	vld [tilespmem:$0x1FBF0]  }
0x184: {  	v58 =	vld [tilespmem:$0x6C20]  }
0x185: {  	[tilespmem:$0xB410] =	vst v3;
	v3 =	vadd.f32 v10, v19;
	v10 =	vld [tilespmem:$0x1FC70]  }
0x186: {  	[tilespmem:$0xB500] =	vst v6;
	v6 =	vadd.f32 v16, v25;
	v16 =	vld [tilespmem:$0x1FCA0]  }
0x187: {  	v19 =	vld [tilespmem:$0x6E20]  }
0x188: {  	v25 =	vld [tilespmem:$0x6EB0]  }
0x189: {  	[tilespmem:$0xB290] =	vst v4;
	v4 =	vadd.f32 v53, v62;
	v53 =	vld [tilespmem:$0x1FC10]  }
0x18a: {  	v62 =	vld [tilespmem:$0x6CA0]  }
0x18b: {  	[tilespmem:$0xB400] =	vst v2;
	v2 =	vadd.f32 v63, v17;
	v63 =	vld [tilespmem:$0x1FC60]  }
0x18c: {  	v17 =	vld [tilespmem:$0x6DB0]  }
0x18d: {  	[tilespmem:$0xB600] =	vst v3;
	v3 =	vadd.f32 v24, v33;
	v24 =	vld [tilespmem:$0x1FCE0]  }
0x18e: {  	[tilespmem:$0xB680] =	vst v5;
	v5 =	vadd.f32 v28, v37;
	v28 =	vld [tilespmem:$0x1FD00]  }
0x18f: {  	v33 =	vld [tilespmem:$0x6FB0]  }
0x190: {  	[tilespmem:$0xB710] =	vst v1;
	v1 =	vadd.f32 v34, v43;
	v34 =	vld [tilespmem:$0x1FD30]  }
0x191: {  	v37 =	vld [tilespmem:$0x7030]  }
0x192: {  	v43 =	vld [tilespmem:$0x7120]  }
0x193: {  	[tilespmem:$0xB480] =	vst v4;
	v4 =	vadd.f32 v12, v21;
	v12 =	vld [tilespmem:$0x1FC80]  }
0x194: {  	v21 =	vld [tilespmem:$0x6E30]  }
0x195: {  	[tilespmem:$0xBA80] =	vst v0;
	v0 =	vadd.f32 v60, v14;
	v60 =	vld [tilespmem:$0x1FE00]  }
0x196: {  	v14 =	vld [tilespmem:$0x7430]  }
0x197: {  	[tilespmem:$0xB590] =	vst v2;
	v2 =	vadd.f32 v22, v31;
	v22 =	vld [tilespmem:$0x1FCD0]  }
0x198: {  	[tilespmem:$0xB690] =	vst v6;
	v6 =	vadd.f32 v30, v39;
	v30 =	vld [tilespmem:$0x1FD10]  }
0x199: {  	v31 =	vld [tilespmem:$0x6FA0]  }
0x19a: {  	[tilespmem:$0xB790] =	vst v3;
	v3 =	vadd.f32 v38, v47;
	v38 =	vld [tilespmem:$0x1FD50]  }
0x19b: {  	v39 =	vld [tilespmem:$0x70A0]  }
0x19c: {  	[tilespmem:$0xB810] =	vst v5;
	v5 =	vadd.f32 v42, v51;
	v42 =	vld [tilespmem:$0x1FD70]  }
0x19d: {  	v47 =	vld [tilespmem:$0x71A0]  }
0x19e: {  	[tilespmem:$0xB900] =	vst v1;
	v1 =	vadd.f32 v48, v57;
	v48 =	vld [tilespmem:$0x1FDA0]  }
0x19f: {  	v51 =	vld [tilespmem:$0x7220]  }
0x1a0: {  	v57 =	vld [tilespmem:$0x72B0]  }
0x1a1: {  	[tilespmem:$0xB610] =	vst v4;
	v4 =	vadd.f32 v26, v35;
	v26 =	vld [tilespmem:$0x1FCF0]  }
0x1a2: {  	v35 =	vld [tilespmem:$0x7020]  }
0x1a3: {  	[tilespmem:$0xB780] =	vst v2;
	v2 =	vadd.f32 v36, v45;
	v36 =	vld [tilespmem:$0x1FD40]  }
0x1a4: {  	[tilespmem:$0xB880] =	vst v6;
	v6 =	vadd.f32 v44, v53;
	v44 =	vld [tilespmem:$0x1FD80]  }
0x1a5: {  	v45 =	vld [tilespmem:$0x7130]  }
0x1a6: {  	[tilespmem:$0xB980] =	vst v3;
	v3 =	vadd.f32 v52, v61;
	v52 =	vld [tilespmem:$0x1FDC0]  }
0x1a7: {  	v53 =	vld [tilespmem:$0x7230]  }
0x1a8: {  	[tilespmem:$0xBA00] =	vst v5;
	v5 =	vadd.f32 v56, v10;
	v56 =	vld [tilespmem:$0x1FDE0]  }
0x1a9: {  	v61 =	vld [tilespmem:$0x7330]  }
0x1aa: {  	[tilespmem:$0xBA90] =	vst v1;
	v1 =	vadd.f32 v62, v16;
	v62 =	vld [tilespmem:$0x1FE10]  }
0x1ab: {  	v10 =	vld [tilespmem:$0x73B0]  }
0x1ac: {  	v16 =	vld [tilespmem:$0x74A0]  }
0x1ad: {  	[tilespmem:$0xB800] =	vst v4;
	v4 =	vadd.f32 v40, v49;
	v40 =	vld [tilespmem:$0x1FD60]  }
0x1ae: {  	v49 =	vld [tilespmem:$0x71B0]  }
0x1af: {  	[tilespmem:$0xBC10] =	vst v0;
	v0 =	vadd.f32 v19, v28;
	v19 =	vld [tilespmem:$0x1FE70]  }
0x1b0: {  	v28 =	vld [tilespmem:$0x7620]  }
0x1b1: {  	[tilespmem:$0xB910] =	vst v2;
	v2 =	vadd.f32 v50, v59;
	v50 =	vld [tilespmem:$0x1FDB0]  }
0x1b2: {  	[tilespmem:$0xBA10] =	vst v6;
	v6 =	vadd.f32 v58, v12;
	v58 =	vld [tilespmem:$0x1FDF0]  }
0x1b3: {  	[tilespmem:$0xBB10] =	vst v3;
	v59 =	vld [tilespmem:$0x7320]  }
0x1b4: {  	[tilespmem:$0xBB90] =	vst v5;
	v3 =	vadd.f32 v11, v20;
	v11 =	vld [tilespmem:$0x1FE30]  }
0x1b5: {  	[tilespmem:$0xBC80] =	vst v1;
	v12 =	vld [tilespmem:$0x7420]  }
0x1b6: {  	v5 =	vadd.f32 v15, v24;
	v15 =	vld [tilespmem:$0x1FE50];
	[tilespmem:$0xB990] =	vst v4  }
0x1b7: {  	v20 =	vld [tilespmem:$0x7520];
	[tilespmem:$0xBE00] =	vst v0  }
0x1b8: {  	v24 =	vld [tilespmem:$0x75A0];
	[tilespmem:$0xBB00] =	vst v2  }
0x1b9: {  	v4 =	vadd.f32 v54, v63;
	v54 =	vld [tilespmem:$0x1FDD0];
	[tilespmem:$0xBC00] =	vst v6  }
0x1ba: {  	v63 =	vld [tilespmem:$0x73A0];
	[tilespmem:$0xBD00] =	vst v3  }
0x1bb: {  	v1 =	vadd.f32 v21, v30;
	v21 =	vld [tilespmem:$0x1FE80];
	[tilespmem:$0xBD80] =	vst v5  }
0x1bc: {  	v0 =	vadd.f32 v33, v42;
	v30 =	vld [tilespmem:$0x7630];
	[tilespmem:$0xBB80] =	vst v4  }
0x1bd: {  	v33 =	vld [tilespmem:$0x1FEE0];
	v2 =	vadd.f32 v9, v18;
	[tilespmem:$0xBE10] =	vst v1  }
0x1be: {  	v42 =	vld [tilespmem:$0x77B0];
	v6 =	vadd.f32 v17, v26;
	[tilespmem:$0xBF90] =	vst v0  }
0x1bf: {  	v3 =	vadd.f32 v25, v34;
	v9 =	vld [tilespmem:$0x1FE20];
	[tilespmem:$0xBC90] =	vst v2  }
0x1c0: {  	v5 =	vadd.f32 v29, v38;
	v17 =	vld [tilespmem:$0x1FE60];
	[tilespmem:$0xBD90] =	vst v6  }
0x1c1: {  	v18 =	vld [tilespmem:$0x74B0];
	v4 =	vadd.f32 v13, v22;
	[tilespmem:$0xBE90] =	vst v3  }
0x1c2: {  	v25 =	vld [tilespmem:$0x1FEA0];
	v1 =	vadd.f32 v35, v44;
	[tilespmem:$0xBF10] =	vst v5  }
0x1c3: {  	v26 =	vld [tilespmem:$0x75B0];
	v0 =	vadd.f32 v47, v56;
	[tilespmem:$0xBD10] =	vst v4  }
0x1c4: {  	v29 =	vld [tilespmem:$0x1FEC0];
	v2 =	vadd.f32 v23, v32;
	[tilespmem:$0xC000] =	vst v1  }
0x1c5: {  	v34 =	vld [tilespmem:$0x76B0];
	v6 =	vadd.f32 v31, v40;
	[tilespmem:$0xC180] =	vst v0  }
0x1c6: {  	v38 =	vld [tilespmem:$0x7730];
	v3 =	vadd.f32 v39, v48;
	[tilespmem:$0xBE80] =	vst v2  }
0x1c7: {  	v13 =	vld [tilespmem:$0x1FE40];
	v5 =	vadd.f32 v43, v52;
	[tilespmem:$0xBF80] =	vst v6  }
0x1c8: {  	v22 =	vld [tilespmem:$0x7530];
	v4 =	vadd.f32 v27, v36;
	[tilespmem:$0xC080] =	vst v3  }
0x1c9: {  	v35 =	vld [tilespmem:$0x1FEF0];
	v1 =	vadd.f32 v49, v58;
	[tilespmem:$0xC100] =	vst v5  }
0x1ca: {  	v44 =	vld [tilespmem:$0x7820];
	v0 =	vadd.f32 v61, v15;
	[tilespmem:$0xBF00] =	vst v4  }
0x1cb: {  	v47 =	vld [tilespmem:$0x1FF50];
	v2 =	vadd.f32 v37, v46;
	[tilespmem:$0xC190] =	vst v1  }
0x1cc: {  	v56 =	vld [tilespmem:$0x79A0];
	v6 =	vadd.f32 v45, v54;
	[tilespmem:$0xC310] =	vst v0  }
0x1cd: {  	v23 =	vld [tilespmem:$0x1FE90];
	v3 =	vadd.f32 v53, v62;
	[tilespmem:$0xC010] =	vst v2  }
0x1ce: {  	v31 =	vld [tilespmem:$0x1FED0];
	v5 =	vadd.f32 v57, v11;
	[tilespmem:$0xC110] =	vst v6  }
0x1cf: {  	v32 =	vld [tilespmem:$0x76A0];
	v4 =	vadd.f32 v41, v50;
	[tilespmem:$0xC210] =	vst v3  }
0x1d0: {  	v39 =	vld [tilespmem:$0x1FF10];
	v1 =	vadd.f32 v63, v17;
	[tilespmem:$0xC290] =	vst v5  }
0x1d1: {  	v40 =	vld [tilespmem:$0x77A0];
	v0 =	vadd.f32 v20, v29;
	[tilespmem:$0xC090] =	vst v4  }
0x1d2: {  	v43 =	vld [tilespmem:$0x1FF30];
	v2 =	vadd.f32 v51, v60;
	[tilespmem:$0xC380] =	vst v1  }
0x1d3: {  	v48 =	vld [tilespmem:$0x78A0];
	v6 =	vadd.f32 v59, v13;
	[tilespmem:$0xC500] =	vst v0  }
0x1d4: {  	v52 =	vld [tilespmem:$0x7920];
	v3 =	vadd.f32 v12, v21;
	[tilespmem:$0xC200] =	vst v2  }
0x1d5: {  	v27 =	vld [tilespmem:$0x1FEB0];
	v5 =	vadd.f32 v16, v25;
	[tilespmem:$0xC300] =	vst v6  }
0x1d6: {  	v36 =	vld [tilespmem:$0x7720];
	v4 =	vadd.f32 v55, v9;
	[tilespmem:$0xC400] =	vst v3  }
0x1d7: {  	v49 =	vld [tilespmem:$0x1FF60];
	v1 =	vadd.f32 v22, v31;
	[tilespmem:$0xC480] =	vst v5  }
0x1d8: {  	v58 =	vld [tilespmem:$0x79B0];
	v0 =	vadd.f32 v34, v43;
	[tilespmem:$0xC280] =	vst v4  }
0x1d9: {  	v45 =	vld [tilespmem:$0x1FF40];
	v2 =	vadd.f32 v10, v19;
	[tilespmem:$0xC510] =	vst v1  }
0x1da: {  	v57 =	vld [tilespmem:$0x1FFA0];
	v6 =	vadd.f32 v18, v27;
	[tilespmem:$0xC690] =	vst v0  }
0x1db: {  	v61 =	vld [tilespmem:$0x1FFD0];
	v3 =	vadd.f32 v26, v35;
	[tilespmem:$0xC390] =	vst v2  }
0x1dc: {  	v41 =	vld [tilespmem:$0x1FF20];
	v5 =	vadd.f32 v30, v39;
	[tilespmem:$0xC490] =	vst v6  }
0x1dd: {  	v37 =	vld [tilespmem:$0x1FF00];
	v4 =	vadd.f32 v14, v23;
	[tilespmem:$0xC590] =	vst v3  }
0x1de: {  	v53 =	vld [tilespmem:$0x1FF80];
	v1 =	vadd.f32 v36, v45;
	[tilespmem:$0xC610] =	vst v5  }
0x1df: {  	v50 =	vld [tilespmem:$0x78B0];
	v0 =	vadd.f32 v48, v57;
	[tilespmem:$0xC410] =	vst v4  }
0x1e0: {  	v59 =	vld [tilespmem:$0x1FFB0];
	v2 =	vadd.f32 v24, v33;
	[tilespmem:$0xC700] =	vst v1  }
0x1e1: {  	v54 =	vld [tilespmem:$0x7930];
	v6 =	vadd.f32 v32, v41;
	[tilespmem:$0xC880] =	vst v0  }
0x1e2: {  	v46 =	vld [tilespmem:$0x7830];
	v3 =	vadd.f32 v40, v49;
	[tilespmem:$0xC580] =	vst v2  }
0x1e3: {  	v55 =	vld [tilespmem:$0x1FF90];
	v5 =	vadd.f32 v44, v53;
	[tilespmem:$0xC680] =	vst v6  }
0x1e4: {  	v51 =	vld [tilespmem:$0x1FF70];
	v4 =	vadd.f32 v28, v37;
	[tilespmem:$0xC780] =	vst v3  }
0x1e5: {  	v60 =	vld [tilespmem:$0x1FFC0];
	v1 =	vadd.f32 v50, v59;
	[tilespmem:$0xC800] =	vst v5  }
0x1e6: {  	v62 =	vld [tilespmem:$0x1FFE0];
	v0 =	vadd.f32 v54, v61;
	[tilespmem:$0xC600] =	vst v4  }
0x1e7: {  	v63 =	vld [tilespmem:$0x1FFF0];
	v2 =	vadd.f32 v38, v47;
	[tilespmem:$0xC890] =	vst v1  }
0x1e8: {  	v6 =	vadd.f32 v46, v55;
	[tilespmem:$0xC910] =	vst v0  }
0x1e9: {  	v4 =	vadd.f32 v42, v51;
	[tilespmem:$0xC710] =	vst v2  }
0x1ea: {  	p1 =	seq.s32 s31, $0x4D8;
	[tilespmem:$0xC810] =	vst v6;
	v2 =	vadd.f32 v52, v60  }
.Ltmp4:
0x1eb: {  	v1 =	vadd.f32 v56, v62;
	[tilespmem:$0xC790] =	vst v4;
	(pc) =	sbr.rel @p1 .LBB2_6-.Ltmp4, $4  }
0x1ec: {  	[tilespmem:$0xC900] =	vst v2;
	v2 =	vadd.f32 v58, v63  }
0x1ed: {  	[tilespmem:$0xC980] =	vst v1  }
0x1ee: {  	[tilespmem:$0xC990] =	vst v2  }
0x1ef: {  	[hbm4b:s29+s3] =	stream.linear.scatter [tilespmem:s22], [sflag:$0x3], $0x2800, $0x38;
	[tilespmem:$0xF200] =	vst v63  }
.Ltmp5:
0x1f0: {  	s2 =	sshrl.u32 s30, $0x3;
	(pc) =	sbr.rel @p0 .LBB2_5-.Ltmp5, $4  }
0x1f1: {  	s16 =	sadd.s32 s4, s2  }
0x1f2: {  	[tilespmem:s3], [sflag:$0x1] =	stream.linear.gather [hbm4b:s16+s3], $0x50, $0x38;
	[tilespmem:$0xF200] =	vst v63  }
0x1f3: {  	s2 =	sadd.s32 s5, s2  }
0x1f4: {  	[tilespmem:s15], [sflag:$0x1] =	stream.linear.gather [hbm4b:s2+s3], $0x50, $0x38;
	[tilespmem:$0xF200] =	vst v63  }
0x1f5: {  	_ =	swait.ge [sflag:s24], $0x50  }
0x1f6: {  	[sflag:s24] =	ssyncset.done $0x0  }
0x1f7: {  	[sflag:s24] =	ssyncadd.s32 $0xFFFFFFB0  }
0x1f8: {  	_ =	swait.ge [sflag:s24], $0x50  }
0x1f9: {  	[sflag:s24] =	ssyncset.done $0x0  }
0x1fa: {  	[sflag:s24] =	ssyncadd.s32 $0xFFFFFFB0  }
0x1fb: {  	_ =	swait.ge [sflag:s23], $0x2800  }
0x1fc: {  	[sflag:s23] =	ssyncset.done $0x0  }
0x1fd: {  	[sflag:s23] =	ssyncadd.s32 $0xFFFFD800  }
0x1fe: {  	[tilespmem:s19], [sflag:$0x2] =	stream.indirect.gather [hbm4b:s1+s18], $0x80, s3, s18, $0xb8;
	[tilespmem:$0xF200] =	vst v63  }
0x1ff: {  	_ = 	snop  }
0x200: {  	[tilespmem:s20], [sflag:$0x2] =	stream.indirect.gather [hbm4b:s1+s18], $0x80, s15, s18, $0xb8;
	[tilespmem:$0xF200] =	vst v63  }
0x201: {  	_ =	swait.ge [sflag:s21], $0x2800  }
0x202: {  	[sflag:s21] =	ssyncset.done $0x0  }
0x203: {  	[sflag:s21] =	ssyncadd.s32 $0xFFFFD800  }
0x204: {  	_ =	swait.ge [sflag:s21], $0x2800  }
0x205: {  	[sflag:s21] =	ssyncset.done $0x0  }
0x206: {  	[sflag:s21] =	ssyncadd.s32 $0xFFFFD800  }
0x207: {  	v4 =	vld [tilespmem:$0x3900];
	_ =	sdelay $0x4  }
0x208: {  	[tilespmem:$0x1F370] =	vst v4;
	v4 =	vld [tilespmem:$0x3910];
	_ =	sdelay $0x4  }
0x209: {  	[tilespmem:$0x1F380] =	vst v4;
	v4 =	vld [tilespmem:$0x3980];
	_ =	sdelay $0x4  }
0x20a: {  	[tilespmem:$0x1F390] =	vst v4;
	v4 =	vld [tilespmem:$0x3990];
	_ =	sdelay $0x4  }
0x20b: {  	[tilespmem:$0x1F3A0] =	vst v4;
	v4 =	vld [tilespmem:$0x3A00];
	_ =	sdelay $0x4  }
0x20c: {  	[tilespmem:$0x1F3B0] =	vst v4;
	v4 =	vld [tilespmem:$0x3A10];
	_ =	sdelay $0x4  }
0x20d: {  	[tilespmem:$0x1F3C0] =	vst v4;
	v4 =	vld [tilespmem:$0x3A80];
	_ =	sdelay $0x4  }
0x20e: {  	[tilespmem:$0x1F3D0] =	vst v4;
	v4 =	vld [tilespmem:$0x3A90];
	_ =	sdelay $0x4  }
0x20f: {  	[tilespmem:$0x1F3E0] =	vst v4;
	v4 =	vld [tilespmem:$0x3B00];
	_ =	sdelay $0x4  }
0x210: {  	[tilespmem:$0x1F3F0] =	vst v4;
	v4 =	vld [tilespmem:$0x3B10];
	_ =	sdelay $0x4  }
0x211: {  	[tilespmem:$0x1F400] =	vst v4;
	v4 =	vld [tilespmem:$0x3B80];
	_ =	sdelay $0x4  }
0x212: {  	[tilespmem:$0x1F410] =	vst v4;
	v4 =	vld [tilespmem:$0x3B90];
	_ =	sdelay $0x4  }
0x213: {  	[tilespmem:$0x1F420] =	vst v4;
	v4 =	vld [tilespmem:$0x3C00];
	_ =	sdelay $0x4  }
0x214: {  	[tilespmem:$0x1F430] =	vst v4;
	v4 =	vld [tilespmem:$0x3C10];
	_ =	sdelay $0x4  }
0x215: {  	[tilespmem:$0x1F440] =	vst v4;
	v4 =	vld [tilespmem:$0x3C80];
	_ =	sdelay $0x4  }
0x216: {  	[tilespmem:$0x1F450] =	vst v4;
	v4 =	vld [tilespmem:$0x3C90];
	_ =	sdelay $0x4  }
0x217: {  	[tilespmem:$0x1F460] =	vst v4;
	v4 =	vld [tilespmem:$0x3D00];
	_ =	sdelay $0x4  }
0x218: {  	[tilespmem:$0x1F470] =	vst v4;
	v4 =	vld [tilespmem:$0x3D10];
	_ =	sdelay $0x4  }
0x219: {  	[tilespmem:$0x1F480] =	vst v4;
	v4 =	vld [tilespmem:$0x3D80];
	_ =	sdelay $0x4  }
0x21a: {  	[tilespmem:$0x1F490] =	vst v4;
	v4 =	vld [tilespmem:$0x3D90];
	_ =	sdelay $0x4  }
0x21b: {  	[tilespmem:$0x1F4A0] =	vst v4;
	v4 =	vld [tilespmem:$0x3E00];
	_ =	sdelay $0x4  }
0x21c: {  	[tilespmem:$0x1F4B0] =	vst v4;
	v4 =	vld [tilespmem:$0x3E10];
	_ =	sdelay $0x4  }
0x21d: {  	[tilespmem:$0x1F4C0] =	vst v4;
	v4 =	vld [tilespmem:$0x3E80];
	_ =	sdelay $0x4  }
0x21e: {  	[tilespmem:$0x1F4D0] =	vst v4;
	v4 =	vld [tilespmem:$0x3E90];
	_ =	sdelay $0x4  }
0x21f: {  	[tilespmem:$0x1F4E0] =	vst v4;
	v4 =	vld [tilespmem:$0x3F00];
	_ =	sdelay $0x4  }
0x220: {  	[tilespmem:$0x1F4F0] =	vst v4;
	v4 =	vld [tilespmem:$0x3F10];
	_ =	sdelay $0x4  }
0x221: {  	[tilespmem:$0x1F500] =	vst v4;
	v4 =	vld [tilespmem:$0x3F80];
	_ =	sdelay $0x4  }
0x222: {  	[tilespmem:$0x1F510] =	vst v4;
	v4 =	vld [tilespmem:$0x3F90];
	_ =	sdelay $0x4  }
0x223: {  	[tilespmem:$0x1F520] =	vst v4;
	v4 =	vld [tilespmem:$0x4000];
	_ =	sdelay $0x4  }
0x224: {  	[tilespmem:$0x1F530] =	vst v4;
	v4 =	vld [tilespmem:$0x4010];
	_ =	sdelay $0x4  }
0x225: {  	[tilespmem:$0x1F540] =	vst v4;
	v4 =	vld [tilespmem:$0x4080];
	_ =	sdelay $0x4  }
0x226: {  	[tilespmem:$0x1F550] =	vst v4;
	v4 =	vld [tilespmem:$0x4090];
	_ =	sdelay $0x4  }
0x227: {  	[tilespmem:$0x1F560] =	vst v4;
	v4 =	vld [tilespmem:$0x4100];
	_ =	sdelay $0x4  }
0x228: {  	[tilespmem:$0x1F570] =	vst v4;
	v4 =	vld [tilespmem:$0x4110];
	_ =	sdelay $0x4  }
0x229: {  	[tilespmem:$0x1F580] =	vst v4;
	v4 =	vld [tilespmem:$0x4180];
	_ =	sdelay $0x4  }
0x22a: {  	[tilespmem:$0x1F590] =	vst v4;
	v4 =	vld [tilespmem:$0x4190];
	_ =	sdelay $0x4  }
0x22b: {  	[tilespmem:$0x1F5A0] =	vst v4;
	v4 =	vld [tilespmem:$0x4200];
	_ =	sdelay $0x4  }
0x22c: {  	[tilespmem:$0x1F5B0] =	vst v4;
	v4 =	vld [tilespmem:$0x4210];
	_ =	sdelay $0x4  }
0x22d: {  	[tilespmem:$0x1F5C0] =	vst v4;
	v4 =	vld [tilespmem:$0x4280];
	_ =	sdelay $0x4  }
0x22e: {  	[tilespmem:$0x1F5D0] =	vst v4;
	v4 =	vld [tilespmem:$0x4290];
	_ =	sdelay $0x4  }
0x22f: {  	[tilespmem:$0x1F5E0] =	vst v4;
	v4 =	vld [tilespmem:$0x4300];
	_ =	sdelay $0x4  }
0x230: {  	[tilespmem:$0x1F5F0] =	vst v4;
	v4 =	vld [tilespmem:$0x4310];
	_ =	sdelay $0x4  }
0x231: {  	[tilespmem:$0x1F600] =	vst v4;
	v4 =	vld [tilespmem:$0x4380];
	_ =	sdelay $0x4  }
0x232: {  	[tilespmem:$0x1F610] =	vst v4;
	v4 =	vld [tilespmem:$0x4390];
	_ =	sdelay $0x4  }
0x233: {  	[tilespmem:$0x1F620] =	vst v4;
	v4 =	vld [tilespmem:$0x4400];
	_ =	sdelay $0x4  }
0x234: {  	[tilespmem:$0x1F630] =	vst v4;
	v4 =	vld [tilespmem:$0x4410];
	_ =	sdelay $0x4  }
0x235: {  	[tilespmem:$0x1F640] =	vst v4;
	v4 =	vld [tilespmem:$0x4480];
	_ =	sdelay $0x4  }
0x236: {  	[tilespmem:$0x1F650] =	vst v4;
	v4 =	vld [tilespmem:$0x4490];
	_ =	sdelay $0x1  }
0x237: {  	v5 =	vld [tilespmem:$0x2A00]  }
0x238: {  	v6 =	vld [tilespmem:$0x2A10]  }
0x239: {  	v7 =	vld [tilespmem:$0x2A80]  }
0x23a: {  	[tilespmem:$0x1F660] =	vst v4;
	v4 =	vld [tilespmem:$0x4500]  }
0x23b: {  	v8 =	vld [tilespmem:$0x2A90]  }
0x23c: {  	v9 =	vld [tilespmem:$0x2B00]  }
0x23d: {  	v10 =	vld [tilespmem:$0x2B10]  }
0x23e: {  	v11 =	vld [tilespmem:$0x2B80]  }
0x23f: {  	[tilespmem:$0x1F670] =	vst v4;
	v4 =	vld [tilespmem:$0x4510]  }
0x240: {  	v12 =	vld [tilespmem:$0x2B90]  }
0x241: {  	v13 =	vld [tilespmem:$0x2C00]  }
0x242: {  	v14 =	vld [tilespmem:$0x2C10]  }
0x243: {  	v15 =	vld [tilespmem:$0x2C80]  }
0x244: {  	[tilespmem:$0x1F680] =	vst v4;
	v4 =	vld [tilespmem:$0x4580]  }
0x245: {  	v16 =	vld [tilespmem:$0x2C90]  }
0x246: {  	v17 =	vld [tilespmem:$0x2D00]  }
0x247: {  	v18 =	vld [tilespmem:$0x2D10]  }
0x248: {  	v19 =	vld [tilespmem:$0x2D80]  }
0x249: {  	[tilespmem:$0x1F690] =	vst v4;
	v4 =	vld [tilespmem:$0x4590]  }
0x24a: {  	v20 =	vld [tilespmem:$0x2D90]  }
0x24b: {  	v21 =	vld [tilespmem:$0x2E00]  }
0x24c: {  	v22 =	vld [tilespmem:$0x2E10]  }
0x24d: {  	v23 =	vld [tilespmem:$0x2E80]  }
0x24e: {  	[tilespmem:$0x1F6A0] =	vst v4;
	v4 =	vld [tilespmem:$0x4600]  }
0x24f: {  	v24 =	vld [tilespmem:$0x2E90]  }
0x250: {  	v25 =	vld [tilespmem:$0x2F00]  }
0x251: {  	v26 =	vld [tilespmem:$0x2F10]  }
0x252: {  	v27 =	vld [tilespmem:$0x2F80]  }
0x253: {  	[tilespmem:$0x1F6B0] =	vst v4;
	v4 =	vld [tilespmem:$0x4610]  }
0x254: {  	v28 =	vld [tilespmem:$0x2F90]  }
0x255: {  	v29 =	vld [tilespmem:$0x3000]  }
0x256: {  	v30 =	vld [tilespmem:$0x3010]  }
0x257: {  	v31 =	vld [tilespmem:$0x3080]  }
0x258: {  	[tilespmem:$0x1F6C0] =	vst v4;
	v4 =	vld [tilespmem:$0x4680]  }
0x259: {  	v32 =	vld [tilespmem:$0x3090]  }
0x25a: {  	v33 =	vld [tilespmem:$0x3100]  }
0x25b: {  	v34 =	vld [tilespmem:$0x3110]  }
0x25c: {  	v35 =	vld [tilespmem:$0x3180]  }
0x25d: {  	[tilespmem:$0x1F6D0] =	vst v4;
	v4 =	vld [tilespmem:$0x4690]  }
0x25e: {  	v36 =	vld [tilespmem:$0x3190]  }
0x25f: {  	v37 =	vld [tilespmem:$0x3200]  }
0x260: {  	v38 =	vld [tilespmem:$0x3210]  }
0x261: {  	v39 =	vld [tilespmem:$0x3280]  }
0x262: {  	[tilespmem:$0x1F6E0] =	vst v4;
	v4 =	vld [tilespmem:$0x4700]  }
0x263: {  	v40 =	vld [tilespmem:$0x3290]  }
0x264: {  	v41 =	vld [tilespmem:$0x3300]  }
0x265: {  	v42 =	vld [tilespmem:$0x3310]  }
0x266: {  	v43 =	vld [tilespmem:$0x3380]  }
0x267: {  	[tilespmem:$0x1F6F0] =	vst v4;
	v4 =	vld [tilespmem:$0x4710]  }
0x268: {  	v44 =	vld [tilespmem:$0x3390]  }
0x269: {  	v45 =	vld [tilespmem:$0x3400]  }
0x26a: {  	v46 =	vld [tilespmem:$0x3410]  }
0x26b: {  	v47 =	vld [tilespmem:$0x3480]  }
0x26c: {  	[tilespmem:$0x1F700] =	vst v4;
	v4 =	vld [tilespmem:$0x4780]  }
0x26d: {  	v48 =	vld [tilespmem:$0x3490]  }
0x26e: {  	v49 =	vld [tilespmem:$0x3500]  }
0x26f: {  	v50 =	vld [tilespmem:$0x3510]  }
0x270: {  	v51 =	vld [tilespmem:$0x3580]  }
0x271: {  	[tilespmem:$0x1F710] =	vst v4;
	v4 =	vld [tilespmem:$0x4790]  }
0x272: {  	v52 =	vld [tilespmem:$0x3590]  }
0x273: {  	v53 =	vld [tilespmem:$0x3600]  }
0x274: {  	v54 =	vld [tilespmem:$0x3610]  }
0x275: {  	v55 =	vld [tilespmem:$0x3680]  }
0x276: {  	[tilespmem:$0x1F720] =	vst v4;
	v4 =	vld [tilespmem:$0x4800]  }
0x277: {  	v56 =	vld [tilespmem:$0x3690]  }
0x278: {  	v57 =	vld [tilespmem:$0x3700]  }
0x279: {  	v58 =	vld [tilespmem:$0x3710]  }
0x27a: {  	v0 =	vld [tilespmem:$0x3890]  }
0x27b: {  	[tilespmem:$0x1F730] =	vst v4;
	v4 =	vld [tilespmem:$0x4810]  }
0x27c: {  	v59 =	vld [tilespmem:$0x3780]  }
0x27d: {  	v60 =	vld [tilespmem:$0x3790]  }
0x27e: {  	v61 =	vld [tilespmem:$0x3800]  }
0x27f: {  	v62 =	vld [tilespmem:$0x3810];
	[tilespmem:$0x1F360] =	vst v0  }
0x280: {  	v63 =	vld [tilespmem:$0x3880];
	[tilespmem:$0x1F740] =	vst v4  }
0x281: {  	v0 =	vld [tilespmem:$0x4880]  }
0x282: {  	v4 =	vld [tilespmem:$0x4890];
	_ =	sdelay $0x4  }
0x283: {  	[tilespmem:$0x1F760] =	vst v4;
	v4 =	vld [tilespmem:$0x4900];
	_ =	sdelay $0x4  }
0x284: {  	[tilespmem:$0x1F770] =	vst v4;
	v4 =	vld [tilespmem:$0x4910];
	_ =	sdelay $0x4  }
0x285: {  	[tilespmem:$0x1F780] =	vst v4;
	v4 =	vld [tilespmem:$0x4980];
	_ =	sdelay $0x4  }
0x286: {  	[tilespmem:$0x1F790] =	vst v4;
	v4 =	vld [tilespmem:$0x4990];
	_ =	sdelay $0x4  }
0x287: {  	[tilespmem:$0x1F7A0] =	vst v4;
	v4 =	vld [tilespmem:$0x4A00];
	_ =	sdelay $0x4  }
0x288: {  	[tilespmem:$0x1F7B0] =	vst v4;
	v4 =	vld [tilespmem:$0x4A10];
	_ =	sdelay $0x4  }
0x289: {  	[tilespmem:$0x1F7C0] =	vst v4;
	v4 =	vld [tilespmem:$0x4A80];
	_ =	sdelay $0x4  }
0x28a: {  	[tilespmem:$0x1F7D0] =	vst v4;
	v4 =	vld [tilespmem:$0x4A90];
	_ =	sdelay $0x4  }
0x28b: {  	[tilespmem:$0x1F7E0] =	vst v4;
	v4 =	vld [tilespmem:$0x4B00];
	_ =	sdelay $0x4  }
0x28c: {  	[tilespmem:$0x1F7F0] =	vst v4;
	v4 =	vld [tilespmem:$0x4B10];
	_ =	sdelay $0x4  }
0x28d: {  	[tilespmem:$0x1F800] =	vst v4;
	v4 =	vld [tilespmem:$0x4B80];
	_ =	sdelay $0x4  }
0x28e: {  	[tilespmem:$0x1F810] =	vst v4;
	v4 =	vld [tilespmem:$0x4B90];
	_ =	sdelay $0x4  }
0x28f: {  	[tilespmem:$0x1F820] =	vst v4;
	v4 =	vld [tilespmem:$0x4C00];
	_ =	sdelay $0x4  }
0x290: {  	[tilespmem:$0x1F830] =	vst v4;
	v4 =	vld [tilespmem:$0x4C10];
	_ =	sdelay $0x4  }
0x291: {  	[tilespmem:$0x1F840] =	vst v4;
	v4 =	vld [tilespmem:$0x4C80];
	_ =	sdelay $0x4  }
0x292: {  	[tilespmem:$0x1F850] =	vst v4;
	v4 =	vld [tilespmem:$0x4C90];
	_ =	sdelay $0x4  }
0x293: {  	[tilespmem:$0x1F860] =	vst v4;
	v4 =	vld [tilespmem:$0x4D00];
	_ =	sdelay $0x4  }
0x294: {  	[tilespmem:$0x1F870] =	vst v4;
	v4 =	vld [tilespmem:$0x4D10];
	_ =	sdelay $0x4  }
0x295: {  	[tilespmem:$0x1F880] =	vst v4;
	v4 =	vld [tilespmem:$0x4D80];
	_ =	sdelay $0x4  }
0x296: {  	[tilespmem:$0x1F890] =	vst v4;
	v4 =	vld [tilespmem:$0x4D90];
	_ =	sdelay $0x4  }
0x297: {  	[tilespmem:$0x1F8A0] =	vst v4;
	v4 =	vld [tilespmem:$0x4E00];
	_ =	sdelay $0x4  }
0x298: {  	[tilespmem:$0x1F8B0] =	vst v4;
	v4 =	vld [tilespmem:$0x4E10];
	_ =	sdelay $0x4  }
0x299: {  	[tilespmem:$0x1F8C0] =	vst v4;
	v4 =	vld [tilespmem:$0x4E80];
	_ =	sdelay $0x4  }
0x29a: {  	[tilespmem:$0x1F8D0] =	vst v4;
	v4 =	vld [tilespmem:$0x4E90];
	_ =	sdelay $0x4  }
0x29b: {  	[tilespmem:$0x1F8E0] =	vst v4;
	v4 =	vld [tilespmem:$0x4F00];
	_ =	sdelay $0x4  }
0x29c: {  	[tilespmem:$0x1F8F0] =	vst v4;
	v4 =	vld [tilespmem:$0x4F10];
	_ =	sdelay $0x4  }
0x29d: {  	[tilespmem:$0x1F900] =	vst v4;
	v4 =	vld [tilespmem:$0x4F80];
	_ =	sdelay $0x4  }
0x29e: {  	[tilespmem:$0x1F910] =	vst v4;
	v4 =	vld [tilespmem:$0x4F90];
	_ =	sdelay $0x4  }
0x29f: {  	[tilespmem:$0x1F920] =	vst v4;
	v4 =	vld [tilespmem:$0x5000];
	_ =	sdelay $0x4  }
0x2a0: {  	[tilespmem:$0x1F930] =	vst v4;
	v4 =	vld [tilespmem:$0x5010];
	_ =	sdelay $0x3  }
0x2a1: {  	v1 =	vld [tilespmem:$0x7A30]  }
0x2a2: {  	[tilespmem:$0x1F940] =	vst v4;
	v4 =	vld [tilespmem:$0x5080];
	_ =	sdelay $0x1  }
0x2a3: {  	[tilespmem:$0x1F750] =	vst v0;
	v0 =	vld [tilespmem:$0x7A20];
	_ =	sdelay $0x1  }
0x2a4: {  	v2 =	vld [tilespmem:$0x7AA0]  }
0x2a5: {  	v1 =	vadd.f32 v1, v6;
	[tilespmem:$0x1F950] =	vst v4;
	v4 =	vld [tilespmem:$0x5090]  }
0x2a6: {  	v3 =	vld [tilespmem:$0x7AB0]  }
0x2a7: {  	[tilespmem:$0xCA10] =	vst v1;
	v1 =	vld [tilespmem:$0x7C20];
	v0 =	vadd.f32 v0, v5  }
0x2a8: {  	v6 =	vld [tilespmem:$0x7BA0]  }
0x2a9: {  	[tilespmem:$0xCA00] =	vst v0;
	v0 =	vld [tilespmem:$0x7BB0]  }
0x2aa: {  	[tilespmem:$0x1F960] =	vst v4;
	v4 =	vld [tilespmem:$0x5100]  }
0x2ab: {  	v5 =	vld [tilespmem:$0x7B30]  }
0x2ac: {  	v1 =	vadd.f32 v1, v13;
	v13 =	vld [tilespmem:$0x7D30]  }
0x2ad: {  	v6 =	vadd.f32 v6, v11;
	v11 =	vld [tilespmem:$0x7CB0]  }
0x2ae: {  	v0 =	vadd.f32 v0, v12;
	v12 =	vld [tilespmem:$0x7D20]  }
0x2af: {  	[tilespmem:$0x1F970] =	vst v4;
	v4 =	vld [tilespmem:$0x5110]  }
0x2b0: {  	v5 =	vadd.f32 v5, v10;
	v10 =	vld [tilespmem:$0x7CA0]  }
0x2b1: {  	[tilespmem:$0xCB80] =	vst v6;
	v6 =	vadd.f32 v13, v18;
	v18 =	vld [tilespmem:$0x7EA0]  }
0x2b2: {  	v13 =	vld [tilespmem:$0x8530]  }
0x2b3: {  	v3 =	vadd.f32 v3, v8;
	[tilespmem:$0xCB10] =	vst v5;
	v5 =	vadd.f32 v12, v17;
	v17 =	vld [tilespmem:$0x7E30]  }
0x2b4: {  	[tilespmem:$0x1F980] =	vst v4;
	v4 =	vld [tilespmem:$0x5180]  }
0x2b5: {  	[tilespmem:$0xCA90] =	vst v3;
	v3 =	vadd.f32 v10, v15;
	v15 =	vld [tilespmem:$0x7DB0]  }
0x2b6: {  	v10 =	vld [tilespmem:$0x84A0]  }
0x2b7: {  	v12 =	vld [tilespmem:$0x8520]  }
0x2b8: {  	[tilespmem:$0xCC80] =	vst v3;
	v3 =	vadd.f32 v17, v22;
	v22 =	vld [tilespmem:$0x7FA0]  }
0x2b9: {  	[tilespmem:$0x1F990] =	vst v4;
	v4 =	vld [tilespmem:$0x5190]  }
0x2ba: {  	[tilespmem:$0xCC00] =	vst v1;
	v1 =	vadd.f32 v15, v20;
	v20 =	vld [tilespmem:$0x7F20]  }
0x2bb: {  	v15 =	vld [tilespmem:$0x85B0]  }
0x2bc: {  	v17 =	vld [tilespmem:$0x8630]  }
0x2bd: {  	[tilespmem:$0xCD90] =	vst v1;
	v1 =	vadd.f32 v22, v27;
	v27 =	vld [tilespmem:$0x80B0]  }
0x2be: {  	[tilespmem:$0x1F9A0] =	vst v4;
	v4 =	vld [tilespmem:$0x7B20]  }
0x2bf: {  	[tilespmem:$0xCD10] =	vst v6;
	v6 =	vadd.f32 v20, v25;
	v25 =	vld [tilespmem:$0x8030]  }
0x2c0: {  	v20 =	vld [tilespmem:$0x8720]  }
0x2c1: {  	v22 =	vld [tilespmem:$0x87A0]  }
0x2c2: {  	[tilespmem:$0xCF00] =	vst v6;
	v6 =	vadd.f32 v27, v32;
	v32 =	vld [tilespmem:$0x8220]  }
0x2c3: {  	v27 =	vld [tilespmem:$0x88B0];
	v4 =	vadd.f32 v4, v9  }
0x2c4: {  	v9 =	vld [tilespmem:$0x7C30]  }
0x2c5: {  	[tilespmem:$0xCB00] =	vst v4;
	v4 =	vadd.f32 v11, v16;
	v16 =	vld [tilespmem:$0x7E20]  }
0x2c6: {  	v11 =	vld [tilespmem:$0x84B0]  }
0x2c7: {  	v2 =	vadd.f32 v2, v7;
	[tilespmem:$0xCC90] =	vst v4;
	v4 =	vadd.f32 v18, v23;
	v23 =	vld [tilespmem:$0x7FB0]  }
0x2c8: {  	v18 =	vld [tilespmem:$0x86A0]  }
0x2c9: {  	[tilespmem:$0xCA80] =	vst v2;
	v2 =	vadd.f32 v9, v14;
	v14 =	vld [tilespmem:$0x7DA0]  }
0x2ca: {  	v9 =	vld [tilespmem:$0x8430]  }
0x2cb: {  	[tilespmem:$0xCE80] =	vst v4;
	v4 =	vadd.f32 v25, v30;
	v30 =	vld [tilespmem:$0x81A0]  }
0x2cc: {  	v25 =	vld [tilespmem:$0x8830]  }
0x2cd: {  	[tilespmem:$0xCC10] =	vst v2;
	v2 =	vadd.f32 v16, v21;
	v21 =	vld [tilespmem:$0x7F30]  }
0x2ce: {  	v16 =	vld [tilespmem:$0x8620]  }
0x2cf: {  	[tilespmem:$0xD010] =	vst v4;
	v4 =	vadd.f32 v32, v37;
	v37 =	vld [tilespmem:$0x8330]  }
0x2d0: {  	v32 =	vld [tilespmem:$0x1F360]  }
0x2d1: {  	[tilespmem:$0xCE00] =	vst v2;
	v2 =	vadd.f32 v23, v28;
	v28 =	vld [tilespmem:$0x8120]  }
0x2d2: {  	v23 =	vld [tilespmem:$0x87B0]  }
0x2d3: {  	[tilespmem:$0xCB90] =	vst v0;
	v0 =	vadd.f32 v14, v19;
	v19 =	vld [tilespmem:$0x7EB0]  }
0x2d4: {  	v14 =	vld [tilespmem:$0x85A0]  }
0x2d5: {  	[tilespmem:$0xCF90] =	vst v2;
	v2 =	vadd.f32 v30, v35;
	v35 =	vld [tilespmem:$0x82B0]  }
0x2d6: {  	v30 =	vld [tilespmem:$0x89A0]  }
0x2d7: {  	[tilespmem:$0xCD80] =	vst v0;
	v0 =	vadd.f32 v21, v26;
	v26 =	vld [tilespmem:$0x80A0]  }
0x2d8: {  	v21 =	vld [tilespmem:$0x8730]  }
0x2d9: {  	[tilespmem:$0xD180] =	vst v2;
	v2 =	vadd.f32 v37, v42;
	v37 =	vld [tilespmem:$0x8AA0]  }
0x2da: {  	v42 =	vld [tilespmem:$0x1F3B0]  }
0x2db: {  	[tilespmem:$0xCF10] =	vst v0;
	v0 =	vadd.f32 v28, v33;
	v33 =	vld [tilespmem:$0x8230]  }
0x2dc: {  	v28 =	vld [tilespmem:$0x8920]  }
0x2dd: {  	[tilespmem:$0xCD00] =	vst v5;
	v5 =	vadd.f32 v19, v24;
	v24 =	vld [tilespmem:$0x8020]  }
0x2de: {  	v19 =	vld [tilespmem:$0x86B0]  }
0x2df: {  	[tilespmem:$0xD310] =	vst v2;
	v2 =	vadd.f32 v12, v49;
	v49 =	vld [tilespmem:$0x8C20]  }
0x2e0: {  	v12 =	vld [tilespmem:$0x8E30]  }
0x2e1: {  	[tilespmem:$0xD100] =	vst v0;
	v0 =	vadd.f32 v35, v40;
	v40 =	vld [tilespmem:$0x8420]  }
0x2e2: {  	v35 =	vld [tilespmem:$0x8A30]  }
0x2e3: {  	[tilespmem:$0xCE90] =	vst v5;
	v5 =	vadd.f32 v26, v31;
	v31 =	vld [tilespmem:$0x81B0]  }
0x2e4: {  	v26 =	vld [tilespmem:$0x88A0]  }
0x2e5: {  	[tilespmem:$0xD290] =	vst v0;
	v0 =	vadd.f32 v10, v47;
	v47 =	vld [tilespmem:$0x8BB0]  }
0x2e6: {  	v10 =	vld [tilespmem:$0x8E20]  }
0x2e7: {  	[tilespmem:$0xD080] =	vst v5;
	v5 =	vadd.f32 v33, v38;
	v38 =	vld [tilespmem:$0x83A0]  }
0x2e8: {  	v33 =	vld [tilespmem:$0x8A20]  }
0x2e9: {  	[tilespmem:$0xCE10] =	vst v3;
	v3 =	vadd.f32 v24, v29;
	v29 =	vld [tilespmem:$0x8130]  }
0x2ea: {  	v24 =	vld [tilespmem:$0x8820]  }
0x2eb: {  	[tilespmem:$0xD480] =	vst v0;
	v0 =	vadd.f32 v17, v54;
	v54 =	vld [tilespmem:$0x1F410]  }
0x2ec: {  	[tilespmem:$0xD500] =	vst v2;
	v2 =	vadd.f32 v19, v56;
	v56 =	vld [tilespmem:$0x1F420]  }
0x2ed: {  	v17 =	vld [tilespmem:$0x1F4A0]  }
0x2ee: {  	v19 =	vld [tilespmem:$0x1F4B0]  }
0x2ef: {  	[tilespmem:$0xD210] =	vst v5;
	v5 =	vadd.f32 v40, v45;
	v40 =	vld [tilespmem:$0x1F3A0]  }
0x2f0: {  	v45 =	vld [tilespmem:$0x8BA0]  }
0x2f1: {  	[tilespmem:$0xD000] =	vst v3;
	v3 =	vadd.f32 v31, v36;
	v36 =	vld [tilespmem:$0x8320]  }
0x2f2: {  	v31 =	vld [tilespmem:$0x89B0]  }
0x2f3: {  	[tilespmem:$0xD690] =	vst v2;
	v2 =	vadd.f32 v26, v63;
	v63 =	vld [tilespmem:$0x8DB0]  }
0x2f4: {  	v26 =	vld [tilespmem:$0x9020]  }
0x2f5: {  	[tilespmem:$0xD400] =	vst v5;
	v5 =	vadd.f32 v15, v52;
	v52 =	vld [tilespmem:$0x1F400]  }
0x2f6: {  	v15 =	vld [tilespmem:$0x1F490]  }
0x2f7: {  	[tilespmem:$0xD190] =	vst v3;
	v3 =	vadd.f32 v38, v43;
	v38 =	vld [tilespmem:$0x1F390]  }
0x2f8: {  	v43 =	vld [tilespmem:$0x8B30]  }
0x2f9: {  	[tilespmem:$0xCF80] =	vst v1;
	v1 =	vadd.f32 v29, v34;
	v34 =	vld [tilespmem:$0x82A0]  }
0x2fa: {  	v29 =	vld [tilespmem:$0x8930]  }
0x2fb: {  	[tilespmem:$0xD590] =	vst v5;
	v5 =	vadd.f32 v22, v59;
	v59 =	vld [tilespmem:$0x8D30]  }
0x2fc: {  	[tilespmem:$0xD610] =	vst v0;
	v0 =	vadd.f32 v24, v61;
	v61 =	vld [tilespmem:$0x8DA0]  }
0x2fd: {  	v22 =	vld [tilespmem:$0x8FA0]  }
0x2fe: {  	v24 =	vld [tilespmem:$0x8FB0]  }
0x2ff: {  	[tilespmem:$0xD380] =	vst v3;
	v3 =	vadd.f32 v13, v50;
	v50 =	vld [tilespmem:$0x1F3F0]  }
0x300: {  	v13 =	vld [tilespmem:$0x1F480]  }
0x301: {  	[tilespmem:$0xD110] =	vst v1;
	v1 =	vadd.f32 v36, v41;
	v36 =	vld [tilespmem:$0x1F380]  }
0x302: {  	v41 =	vld [tilespmem:$0x8B20]  }
0x303: {  	[tilespmem:$0xD800] =	vst v0;
	v0 =	vadd.f32 v31, v40;
	v31 =	vld [tilespmem:$0x1F510]  }
0x304: {  	v40 =	vld [tilespmem:$0x91B0]  }
0x305: {  	[tilespmem:$0xD510] =	vst v3;
	v3 =	vadd.f32 v20, v57;
	v57 =	vld [tilespmem:$0x8D20]  }
0x306: {  	v20 =	vld [tilespmem:$0x8F30]  }
0x307: {  	[tilespmem:$0xD300] =	vst v1;
	v1 =	vadd.f32 v11, v48;
	v48 =	vld [tilespmem:$0x1F3E0]  }
0x308: {  	v11 =	vld [tilespmem:$0x1F470]  }
0x309: {  	[tilespmem:$0xD990] =	vst v0;
	v0 =	vadd.f32 v45, v54;
	v45 =	vld [tilespmem:$0x1F580]  }
0x30a: {  	v54 =	vld [tilespmem:$0x93A0]  }
0x30b: {  	[tilespmem:$0xD090] =	vst v6;
	v6 =	vadd.f32 v34, v39;
	v39 =	vld [tilespmem:$0x83B0]  }
0x30c: {  	v34 =	vld [tilespmem:$0x1F370]  }
0x30d: {  	[tilespmem:$0xD700] =	vst v3;
	v3 =	vadd.f32 v27, v32;
	v27 =	vld [tilespmem:$0x1F4F0]  }
0x30e: {  	v32 =	vld [tilespmem:$0x90B0]  }
0x30f: {  	[tilespmem:$0xD490] =	vst v1;
	v1 =	vadd.f32 v18, v55;
	v55 =	vld [tilespmem:$0x8CB0]  }
0x310: {  	v18 =	vld [tilespmem:$0x8F20]  }
0x311: {  	[tilespmem:$0xDB80] =	vst v0;
	v0 =	vadd.f32 v59, v13;
	v59 =	vld [tilespmem:$0x1F5F0]  }
0x312: {  	v13 =	vld [tilespmem:$0x9530]  }
0x313: {  	[tilespmem:$0xD280] =	vst v6;
	v6 =	vadd.f32 v9, v46;
	v46 =	vld [tilespmem:$0x1F3D0]  }
0x314: {  	v9 =	vld [tilespmem:$0x1F460]  }
0x315: {  	[tilespmem:$0xD780] =	vst v5;
	v5 =	vadd.f32 v29, v36;
	v29 =	vld [tilespmem:$0x1F500]  }
0x316: {  	v36 =	vld [tilespmem:$0x9130]  }
0x317: {  	[tilespmem:$0xD680] =	vst v1;
	v1 =	vadd.f32 v25, v62;
	v62 =	vld [tilespmem:$0x1F450]  }
0x318: {  	v25 =	vld [tilespmem:$0x1F4E0]  }
0x319: {  	[tilespmem:$0xD410] =	vst v6;
	v6 =	vadd.f32 v16, v53;
	v53 =	vld [tilespmem:$0x8CA0]  }
0x31a: {  	v16 =	vld [tilespmem:$0x8EB0]  }
0x31b: {  	[tilespmem:$0xD910] =	vst v5;
	v5 =	vadd.f32 v41, v50;
	v41 =	vld [tilespmem:$0x1F560]  }
0x31c: {  	v50 =	vld [tilespmem:$0x9320]  }
0x31d: {  	[tilespmem:$0xD200] =	vst v4;
	v4 =	vadd.f32 v39, v44;
	v39 =	vld [tilespmem:$0x8AB0]  }
0x31e: {  	v44 =	vld [tilespmem:$0x1F3C0]  }
0x31f: {  	[tilespmem:$0xD810] =	vst v1;
	v1 =	vadd.f32 v33, v42;
	v33 =	vld [tilespmem:$0x1F520]  }
0x320: {  	v42 =	vld [tilespmem:$0x9220]  }
0x321: {  	[tilespmem:$0xD600] =	vst v6;
	v6 =	vadd.f32 v23, v60;
	v60 =	vld [tilespmem:$0x1F440]  }
0x322: {  	v23 =	vld [tilespmem:$0x1F4D0]  }
0x323: {  	[tilespmem:$0xDD10] =	vst v0;
	v0 =	vadd.f32 v18, v27;
	v18 =	vld [tilespmem:$0x1F660]  }
0x324: {  	v27 =	vld [tilespmem:$0x9720]  }
0x325: {  	[tilespmem:$0xD390] =	vst v4;
	v4 =	vadd.f32 v14, v51;
	v51 =	vld [tilespmem:$0x8C30]  }
0x326: {  	v14 =	vld [tilespmem:$0x8EA0]  }
0x327: {  	[tilespmem:$0xD890] =	vst v3;
	v3 =	vadd.f32 v37, v46;
	v37 =	vld [tilespmem:$0x1F540]  }
0x328: {  	v46 =	vld [tilespmem:$0x92A0]  }
0x329: {  	[tilespmem:$0xDA00] =	vst v1;
	v1 =	vadd.f32 v47, v56;
	v47 =	vld [tilespmem:$0x1F590]  }
0x32a: {  	[tilespmem:$0xDB00] =	vst v5;
	v5 =	vadd.f32 v55, v9;
	v55 =	vld [tilespmem:$0x1F5D0]  }
0x32b: {  	v56 =	vld [tilespmem:$0x93B0]  }
0x32c: {  	v9 =	vld [tilespmem:$0x94B0]  }
0x32d: {  	[tilespmem:$0xD790] =	vst v6;
	v6 =	vadd.f32 v30, v38;
	v30 =	vld [tilespmem:$0x90A0]  }
0x32e: {  	v38 =	vld [tilespmem:$0x91A0]  }
0x32f: {  	[tilespmem:$0xD580] =	vst v4;
	v4 =	vadd.f32 v21, v58;
	v58 =	vld [tilespmem:$0x1F430]  }
0x330: {  	v21 =	vld [tilespmem:$0x1F4C0]  }
0x331: {  	[tilespmem:$0xDB90] =	vst v1;
	v1 =	vadd.f32 v61, v15;
	v61 =	vld [tilespmem:$0x1F600]  }
0x332: {  	v15 =	vld [tilespmem:$0x95A0]  }
0x333: {  	[tilespmem:$0xDF00] =	vst v0;
	v0 =	vadd.f32 v32, v41;
	v32 =	vld [tilespmem:$0x1F6D0]  }
0x334: {  	v41 =	vld [tilespmem:$0x98B0]  }
0x335: {  	[tilespmem:$0xD880] =	vst v2;
	v2 =	vadd.f32 v35, v44;
	v35 =	vld [tilespmem:$0x1F530]  }
0x336: {  	[tilespmem:$0xD980] =	vst v6;
	v6 =	vadd.f32 v43, v52;
	v43 =	vld [tilespmem:$0x1F570]  }
0x337: {  	v44 =	vld [tilespmem:$0x9230]  }
0x338: {  	v52 =	vld [tilespmem:$0x9330]  }
0x339: {  	[tilespmem:$0xD710] =	vst v4;
	v4 =	vadd.f32 v28, v34;
	v28 =	vld [tilespmem:$0x9030]  }
0x33a: {  	v34 =	vld [tilespmem:$0x9120]  }
0x33b: {  	[tilespmem:$0xDD80] =	vst v1;
	v1 =	vadd.f32 v20, v29;
	v20 =	vld [tilespmem:$0x1F670]  }
0x33c: {  	v29 =	vld [tilespmem:$0x9730]  }
0x33d: {  	[tilespmem:$0xDA80] =	vst v3;
	v3 =	vadd.f32 v51, v60;
	v51 =	vld [tilespmem:$0x1F5B0]  }
0x33e: {  	[tilespmem:$0xDB10] =	vst v6;
	v6 =	vadd.f32 v57, v11;
	v57 =	vld [tilespmem:$0x1F5E0]  }
0x33f: {  	v60 =	vld [tilespmem:$0x9430]  }
0x340: {  	v11 =	vld [tilespmem:$0x9520]  }
0x341: {  	[tilespmem:$0xDC90] =	vst v5;
	v5 =	vadd.f32 v14, v23;
	v14 =	vld [tilespmem:$0x1F640]  }
0x342: {  	v23 =	vld [tilespmem:$0x96A0]  }
0x343: {  	[tilespmem:$0xE090] =	vst v0;
	v0 =	vadd.f32 v46, v55;
	v46 =	vld [tilespmem:$0x1F740]  }
0x344: {  	v55 =	vld [tilespmem:$0x9AA0]  }
0x345: {  	[tilespmem:$0xD900] =	vst v4;
	v4 =	vadd.f32 v39, v48;
	v39 =	vld [tilespmem:$0x1F550]  }
0x346: {  	v48 =	vld [tilespmem:$0x92B0]  }
0x347: {  	[tilespmem:$0xDA10] =	vst v2;
	v2 =	vadd.f32 v49, v58;
	v49 =	vld [tilespmem:$0x1F5A0]  }
0x348: {  	v58 =	vld [tilespmem:$0x9420]  }
0x349: {  	[tilespmem:$0xDC10] =	vst v3;
	v3 =	vadd.f32 v10, v19;
	v10 =	vld [tilespmem:$0x1F620]  }
0x34a: {  	[tilespmem:$0xDD00] =	vst v6;
	v6 =	vadd.f32 v16, v25;
	v16 =	vld [tilespmem:$0x1F650]  }
0x34b: {  	v19 =	vld [tilespmem:$0x9620]  }
0x34c: {  	v25 =	vld [tilespmem:$0x96B0]  }
0x34d: {  	[tilespmem:$0xDA90] =	vst v4;
	v4 =	vadd.f32 v53, v62;
	v53 =	vld [tilespmem:$0x1F5C0]  }
0x34e: {  	v62 =	vld [tilespmem:$0x94A0]  }
0x34f: {  	[tilespmem:$0xDC00] =	vst v2;
	v2 =	vadd.f32 v63, v17;
	v63 =	vld [tilespmem:$0x1F610]  }
0x350: {  	v17 =	vld [tilespmem:$0x95B0]  }
0x351: {  	[tilespmem:$0xDE00] =	vst v3;
	v3 =	vadd.f32 v24, v33;
	v24 =	vld [tilespmem:$0x1F690]  }
0x352: {  	[tilespmem:$0xDE80] =	vst v5;
	v5 =	vadd.f32 v28, v37;
	v28 =	vld [tilespmem:$0x1F6B0]  }
0x353: {  	v33 =	vld [tilespmem:$0x97B0]  }
0x354: {  	[tilespmem:$0xDF10] =	vst v1;
	v1 =	vadd.f32 v34, v43;
	v34 =	vld [tilespmem:$0x1F6E0]  }
0x355: {  	v37 =	vld [tilespmem:$0x9830]  }
0x356: {  	v43 =	vld [tilespmem:$0x9920]  }
0x357: {  	[tilespmem:$0xDC80] =	vst v4;
	v4 =	vadd.f32 v12, v21;
	v12 =	vld [tilespmem:$0x1F630]  }
0x358: {  	v21 =	vld [tilespmem:$0x9630]  }
0x359: {  	[tilespmem:$0xE280] =	vst v0;
	v0 =	vadd.f32 v60, v14;
	v60 =	vld [tilespmem:$0x1F7B0]  }
0x35a: {  	v14 =	vld [tilespmem:$0x9C30]  }
0x35b: {  	[tilespmem:$0xDD90] =	vst v2;
	v2 =	vadd.f32 v22, v31;
	v22 =	vld [tilespmem:$0x1F680]  }
0x35c: {  	[tilespmem:$0xDE90] =	vst v6;
	v6 =	vadd.f32 v30, v39;
	v30 =	vld [tilespmem:$0x1F6C0]  }
0x35d: {  	v31 =	vld [tilespmem:$0x97A0]  }
0x35e: {  	[tilespmem:$0xDF90] =	vst v3;
	v3 =	vadd.f32 v38, v47;
	v38 =	vld [tilespmem:$0x1F700]  }
0x35f: {  	v39 =	vld [tilespmem:$0x98A0]  }
0x360: {  	[tilespmem:$0xE010] =	vst v5;
	v5 =	vadd.f32 v42, v51;
	v42 =	vld [tilespmem:$0x1F720]  }
0x361: {  	v47 =	vld [tilespmem:$0x99A0]  }
0x362: {  	[tilespmem:$0xE100] =	vst v1;
	v1 =	vadd.f32 v48, v57;
	v48 =	vld [tilespmem:$0x1F750]  }
0x363: {  	v51 =	vld [tilespmem:$0x9A20]  }
0x364: {  	v57 =	vld [tilespmem:$0x9AB0]  }
0x365: {  	[tilespmem:$0xDE10] =	vst v4;
	v4 =	vadd.f32 v26, v35;
	v26 =	vld [tilespmem:$0x1F6A0]  }
0x366: {  	v35 =	vld [tilespmem:$0x9820]  }
0x367: {  	[tilespmem:$0xDF80] =	vst v2;
	v2 =	vadd.f32 v36, v45;
	v36 =	vld [tilespmem:$0x1F6F0]  }
0x368: {  	[tilespmem:$0xE080] =	vst v6;
	v6 =	vadd.f32 v44, v53;
	v44 =	vld [tilespmem:$0x1F730]  }
0x369: {  	v45 =	vld [tilespmem:$0x9930]  }
0x36a: {  	[tilespmem:$0xE180] =	vst v3;
	v3 =	vadd.f32 v52, v61;
	v52 =	vld [tilespmem:$0x1F770]  }
0x36b: {  	v53 =	vld [tilespmem:$0x9A30]  }
0x36c: {  	[tilespmem:$0xE200] =	vst v5;
	v5 =	vadd.f32 v56, v10;
	v56 =	vld [tilespmem:$0x1F790]  }
0x36d: {  	v61 =	vld [tilespmem:$0x9B30]  }
0x36e: {  	[tilespmem:$0xE290] =	vst v1;
	v1 =	vadd.f32 v62, v16;
	v62 =	vld [tilespmem:$0x1F7C0]  }
0x36f: {  	v10 =	vld [tilespmem:$0x9BB0]  }
0x370: {  	v16 =	vld [tilespmem:$0x9CA0]  }
0x371: {  	[tilespmem:$0xE000] =	vst v4;
	v4 =	vadd.f32 v40, v49;
	v40 =	vld [tilespmem:$0x1F710]  }
0x372: {  	v49 =	vld [tilespmem:$0x99B0]  }
0x373: {  	[tilespmem:$0xE410] =	vst v0;
	v0 =	vadd.f32 v19, v28;
	v19 =	vld [tilespmem:$0x1F820]  }
0x374: {  	v28 =	vld [tilespmem:$0x9E20]  }
0x375: {  	[tilespmem:$0xE110] =	vst v2;
	v2 =	vadd.f32 v50, v59;
	v50 =	vld [tilespmem:$0x1F760]  }
0x376: {  	[tilespmem:$0xE210] =	vst v6;
	v6 =	vadd.f32 v58, v12;
	v58 =	vld [tilespmem:$0x1F7A0]  }
0x377: {  	[tilespmem:$0xE310] =	vst v3;
	v59 =	vld [tilespmem:$0x9B20]  }
0x378: {  	[tilespmem:$0xE390] =	vst v5;
	v3 =	vadd.f32 v11, v20;
	v11 =	vld [tilespmem:$0x1F7E0]  }
0x379: {  	[tilespmem:$0xE480] =	vst v1;
	v12 =	vld [tilespmem:$0x9C20]  }
0x37a: {  	v5 =	vadd.f32 v15, v24;
	v15 =	vld [tilespmem:$0x1F800];
	[tilespmem:$0xE190] =	vst v4  }
0x37b: {  	v20 =	vld [tilespmem:$0x9D20];
	[tilespmem:$0xE600] =	vst v0  }
0x37c: {  	v24 =	vld [tilespmem:$0x9DA0];
	[tilespmem:$0xE300] =	vst v2  }
0x37d: {  	v4 =	vadd.f32 v54, v63;
	v54 =	vld [tilespmem:$0x1F780];
	[tilespmem:$0xE400] =	vst v6  }
0x37e: {  	v63 =	vld [tilespmem:$0x9BA0];
	[tilespmem:$0xE500] =	vst v3  }
0x37f: {  	v1 =	vadd.f32 v21, v30;
	v21 =	vld [tilespmem:$0x1F830];
	[tilespmem:$0xE580] =	vst v5  }
0x380: {  	v0 =	vadd.f32 v33, v42;
	v30 =	vld [tilespmem:$0x9E30];
	[tilespmem:$0xE380] =	vst v4  }
0x381: {  	v33 =	vld [tilespmem:$0x1F890];
	v2 =	vadd.f32 v9, v18;
	[tilespmem:$0xE610] =	vst v1  }
0x382: {  	v42 =	vld [tilespmem:$0x9FB0];
	v6 =	vadd.f32 v17, v26;
	[tilespmem:$0xE790] =	vst v0  }
0x383: {  	v3 =	vadd.f32 v25, v34;
	v9 =	vld [tilespmem:$0x1F7D0];
	[tilespmem:$0xE490] =	vst v2  }
0x384: {  	v5 =	vadd.f32 v29, v38;
	v17 =	vld [tilespmem:$0x1F810];
	[tilespmem:$0xE590] =	vst v6  }
0x385: {  	v18 =	vld [tilespmem:$0x9CB0];
	v4 =	vadd.f32 v13, v22;
	[tilespmem:$0xE690] =	vst v3  }
0x386: {  	v25 =	vld [tilespmem:$0x1F850];
	v1 =	vadd.f32 v35, v44;
	[tilespmem:$0xE710] =	vst v5  }
0x387: {  	v26 =	vld [tilespmem:$0x9DB0];
	v0 =	vadd.f32 v47, v56;
	[tilespmem:$0xE510] =	vst v4  }
0x388: {  	v29 =	vld [tilespmem:$0x1F870];
	v2 =	vadd.f32 v23, v32;
	[tilespmem:$0xE800] =	vst v1  }
0x389: {  	v34 =	vld [tilespmem:$0x9EB0];
	v6 =	vadd.f32 v31, v40;
	[tilespmem:$0xE980] =	vst v0  }
0x38a: {  	v38 =	vld [tilespmem:$0x9F30];
	v3 =	vadd.f32 v39, v48;
	[tilespmem:$0xE680] =	vst v2  }
0x38b: {  	v13 =	vld [tilespmem:$0x1F7F0];
	v5 =	vadd.f32 v43, v52;
	[tilespmem:$0xE780] =	vst v6  }
0x38c: {  	v22 =	vld [tilespmem:$0x9D30];
	v4 =	vadd.f32 v27, v36;
	[tilespmem:$0xE880] =	vst v3  }
0x38d: {  	v35 =	vld [tilespmem:$0x1F8A0];
	v1 =	vadd.f32 v49, v58;
	[tilespmem:$0xE900] =	vst v5  }
0x38e: {  	v44 =	vld [tilespmem:$0xA020];
	v0 =	vadd.f32 v61, v15;
	[tilespmem:$0xE700] =	vst v4  }
0x38f: {  	v47 =	vld [tilespmem:$0x1F900];
	v2 =	vadd.f32 v37, v46;
	[tilespmem:$0xE990] =	vst v1  }
0x390: {  	v56 =	vld [tilespmem:$0xA1A0];
	v6 =	vadd.f32 v45, v54;
	[tilespmem:$0xEB10] =	vst v0  }
0x391: {  	v23 =	vld [tilespmem:$0x1F840];
	v3 =	vadd.f32 v53, v62;
	[tilespmem:$0xE810] =	vst v2  }
0x392: {  	v31 =	vld [tilespmem:$0x1F880];
	v5 =	vadd.f32 v57, v11;
	[tilespmem:$0xE910] =	vst v6  }
0x393: {  	v32 =	vld [tilespmem:$0x9EA0];
	v4 =	vadd.f32 v41, v50;
	[tilespmem:$0xEA10] =	vst v3  }
0x394: {  	v39 =	vld [tilespmem:$0x1F8C0];
	v1 =	vadd.f32 v63, v17;
	[tilespmem:$0xEA90] =	vst v5  }
0x395: {  	v40 =	vld [tilespmem:$0x9FA0];
	v0 =	vadd.f32 v20, v29;
	[tilespmem:$0xE890] =	vst v4  }
0x396: {  	v43 =	vld [tilespmem:$0x1F8E0];
	v2 =	vadd.f32 v51, v60;
	[tilespmem:$0xEB80] =	vst v1  }
0x397: {  	v48 =	vld [tilespmem:$0xA0A0];
	v6 =	vadd.f32 v59, v13;
	[tilespmem:$0xED00] =	vst v0  }
0x398: {  	v52 =	vld [tilespmem:$0xA120];
	v3 =	vadd.f32 v12, v21;
	[tilespmem:$0xEA00] =	vst v2  }
0x399: {  	v27 =	vld [tilespmem:$0x1F860];
	v5 =	vadd.f32 v16, v25;
	[tilespmem:$0xEB00] =	vst v6  }
0x39a: {  	v36 =	vld [tilespmem:$0x9F20];
	v4 =	vadd.f32 v55, v9;
	[tilespmem:$0xEC00] =	vst v3  }
0x39b: {  	v49 =	vld [tilespmem:$0x1F910];
	v1 =	vadd.f32 v22, v31;
	[tilespmem:$0xEC80] =	vst v5  }
0x39c: {  	v58 =	vld [tilespmem:$0xA1B0];
	v0 =	vadd.f32 v34, v43;
	[tilespmem:$0xEA80] =	vst v4  }
0x39d: {  	v45 =	vld [tilespmem:$0x1F8F0];
	v2 =	vadd.f32 v10, v19;
	[tilespmem:$0xED10] =	vst v1  }
0x39e: {  	v57 =	vld [tilespmem:$0x1F950];
	v6 =	vadd.f32 v18, v27;
	[tilespmem:$0xEE90] =	vst v0  }
0x39f: {  	v61 =	vld [tilespmem:$0x1F980];
	v3 =	vadd.f32 v26, v35;
	[tilespmem:$0xEB90] =	vst v2  }
0x3a0: {  	v41 =	vld [tilespmem:$0x1F8D0];
	v5 =	vadd.f32 v30, v39;
	[tilespmem:$0xEC90] =	vst v6  }
0x3a1: {  	v37 =	vld [tilespmem:$0x1F8B0];
	v4 =	vadd.f32 v14, v23;
	[tilespmem:$0xED90] =	vst v3  }
0x3a2: {  	v53 =	vld [tilespmem:$0x1F930];
	v1 =	vadd.f32 v36, v45;
	[tilespmem:$0xEE10] =	vst v5  }
0x3a3: {  	v50 =	vld [tilespmem:$0xA0B0];
	v0 =	vadd.f32 v48, v57;
	[tilespmem:$0xEC10] =	vst v4  }
0x3a4: {  	v59 =	vld [tilespmem:$0x1F960];
	v2 =	vadd.f32 v24, v33;
	[tilespmem:$0xEF00] =	vst v1  }
0x3a5: {  	v54 =	vld [tilespmem:$0xA130];
	v6 =	vadd.f32 v32, v41;
	[tilespmem:$0xF080] =	vst v0  }
0x3a6: {  	v46 =	vld [tilespmem:$0xA030];
	v3 =	vadd.f32 v40, v49;
	[tilespmem:$0xED80] =	vst v2  }
0x3a7: {  	v55 =	vld [tilespmem:$0x1F940];
	v5 =	vadd.f32 v44, v53;
	[tilespmem:$0xEE80] =	vst v6  }
0x3a8: {  	v51 =	vld [tilespmem:$0x1F920];
	v4 =	vadd.f32 v28, v37;
	[tilespmem:$0xEF80] =	vst v3  }
0x3a9: {  	v60 =	vld [tilespmem:$0x1F970];
	v1 =	vadd.f32 v50, v59;
	[tilespmem:$0xF000] =	vst v5  }
0x3aa: {  	v62 =	vld [tilespmem:$0x1F990];
	v0 =	vadd.f32 v54, v61;
	[tilespmem:$0xEE00] =	vst v4  }
0x3ab: {  	v63 =	vld [tilespmem:$0x1F9A0];
	v2 =	vadd.f32 v38, v47;
	[tilespmem:$0xF090] =	vst v1  }
0x3ac: {  	v6 =	vadd.f32 v46, v55;
	[tilespmem:$0xF110] =	vst v0  }
0x3ad: {  	v4 =	vadd.f32 v42, v51;
	[tilespmem:$0xEF10] =	vst v2  }
0x3ae: {  	[tilespmem:$0xF010] =	vst v6;
	v2 =	vadd.f32 v52, v60  }
0x3af: {  	v1 =	vadd.f32 v56, v62;
	[tilespmem:$0xEF90] =	vst v4  }
0x3b0: {  	[tilespmem:$0xF100] =	vst v2;
	v2 =	vadd.f32 v58, v63  }
0x3b1: {  	[tilespmem:$0xF180] =	vst v1  }
0x3b2: {  	s2 =	sadd.s32 $0x500, s29;
	[tilespmem:$0xF190] =	vst v2  }
0x3b3: {  	[hbm4b:s2+s3] =	stream.linear.scatter [tilespmem:s25], [sflag:$0x3], $0x2800, $0x38;
	[tilespmem:$0xF200] =	vst v63  }
.Ltmp6:
0x3b4: {  	p0 =	sgt.u32 s0, $0x3C;
	(pc) =	sbr.rel .LBB2_5-.Ltmp6, $4  }
0x3b5: {  	s16 =	simm.s32 @!p0 $0x0;
	s17 =	simm.s32 @!p0 $0x80;
	s2 =	sadd.s32 @!p0 s31, s12  }
0x3b6: {  	[tilespmem:s17], [sflag:$0x1] =	stream.linear.gather @!p0 [hbm4b:s2+s16], $0x50, $0x38;
	[tilespmem:$0xF200] =	vst v63  }
0x3b7: {  	s2 =	sadd.s32 @!p0 s31, s11;
	s17 =	simm.s32 @!p0 $0x180  }
0x3b8: {  	[tilespmem:s17], [sflag:$0x1] =	stream.linear.gather @!p0 [hbm4b:s2+s16], $0x50, $0x38;
	[tilespmem:$0xF200] =	vst v63  }
.LBB2_7:
0x3b9: {  	_ =	sfence.sel $0x180000  }
0x3ba: {  	[bflag:$0x0] =	sbarrier.arrive $0xFFFF  }
0x3bb: {  	_ =	strace $0x90000047  }
0x3bc: {  	s0 =	stileid.u32;
	[bflag:$0x2] =	sbarrier.arrive $0xFFFF  }
0x3bd: {  	p0 =	sne.s32 s0, $0x0;
	s0 =	rddreg [dreg:$0x2]  }
0x3be: {  	s0 =	sadd.s32 @!p0 $0x100000, s0  }
0x3bf: {  	[sflag:s0] =	ssyncadd.tile.s32 @!p0 $0x1;
	_ =	shalt  }
.Lfunc_end2:
_tile_overlayer_lowered:
.L_overlay_start_2:
0x3c0: {  	(tag) =	ssettag $0x2  }
0x3c1: {  	s0 =	rddreg [dreg:$0x0];
	s2 =	stileid.u32  }
0x3c2: {  	s1 =	rddreg [dreg:$0x1];
	p0 =	sne.s32 s2, $0x0  }
0x3c3: {  	s3 =	rddreg [dreg:$0x2];
	[bflag:$0x3] =	sbarrier.arrive $0xFFFF;
	s2 =	simm.s32 @!p0 $0x1C04  }
0x3c4: {  	[timem:s3], [sflag:s2] =	dma.local @!p0 [hbm:s0], s1  }
0x3c5: {  	s0 =	simm.s32 @!p0 $0x4  }
0x3c6: {  	_ =	swait.ge @!p0 [sflag:s0], s1  }
0x3c7: {  	s1 =	ssub.s32 @!p0 $0x0, s1;
	[sflag:s0] =	ssyncset.done @!p0 $0x0  }
0x3c8: {  	[sflag:s0] =	ssyncadd.s32 @!p0 s1  }
0x3c9: {  	[bflag:$0x3] =	sbarrier.arrive $0xFFFF  }
0x3ca: {  	_ =	shalt  }

</sc_bundles>
